<compile_context>
chip_gen: v7x
topology: tpu7x:2x2x1
jax: 0.10.2.dev20260603
libtpu: 0.0.44.dev20260713+nightly
codegen_flags: <defaults>
</compile_context>

<pallas_src>
import functools

import jax
import jax.numpy as jnp
from jax import lax
from jax.experimental import pallas as pl
from jax.experimental.pallas import tpu as pltpu
from jax.experimental.pallas import tpu_sc as plsc

_T, _D, _E, _K, _FF, _SFF = 2048, 2048, 8, 2, 768, 2048
_BT = 256
_NBLK = 24
_NPAD = _NBLK * _BT


def _router_body(x_ref, wr_ref, wsg_ref, slots_ref, w_ref, sgate_ref, meta_ref,
                 stid_ref):
    x = x_ref[...]
    logits = jnp.dot(x, wr_ref[...], preferred_element_type=jnp.float32)
    idx = lax.broadcasted_iota(jnp.int32, (_T, _E), 1)
    m1 = jnp.max(logits, axis=1, keepdims=True)
    a1 = jnp.min(jnp.where(logits == m1, idx, _E), axis=1, keepdims=True)
    masked = jnp.where(idx == a1, -jnp.inf, logits)
    m2 = jnp.max(masked, axis=1, keepdims=True)
    a2 = jnp.min(jnp.where(masked == m2, idx, _E), axis=1, keepdims=True)
    w1 = jax.nn.sigmoid(m1 - m2)
    w_ref[...] = jnp.concatenate([w1, 1.0 - w1], axis=1)

    sel = ((idx == a1) | (idx == a2)).astype(jnp.float32)

    r = lax.broadcasted_iota(jnp.int32, (_BT, _BT), 0)
    c = lax.broadcasted_iota(jnp.int32, (_BT, _BT), 1)
    tri = (c < r).astype(jnp.float32)
    nb = _T // _BT
    bsums = []
    ranks_local = []
    for b in range(nb):
        sb = sel[b * _BT:(b + 1) * _BT]
        ranks_local.append(jnp.dot(tri, sb, preferred_element_type=jnp.float32))
        bsums.append(jnp.sum(sb, axis=0, keepdims=True))
    bsum = jnp.concatenate(bsums, axis=0)
    r8 = lax.broadcasted_iota(jnp.int32, (nb, nb), 0)
    c8 = lax.broadcasted_iota(jnp.int32, (nb, nb), 1)
    tri8 = (c8 < r8).astype(jnp.float32)
    bloff = jnp.dot(tri8, bsum, preferred_element_type=jnp.float32)
    rank = jnp.concatenate(
        [ranks_local[b] + bloff[b:b + 1] for b in range(nb)], axis=0)

    counts = jnp.sum(sel, axis=0, keepdims=True)
    nblk_e = jnp.floor((counts + float(_BT - 1)) * (1.0 / _BT))
    up8 = (r8 < c8).astype(jnp.float32)
    blkstart = jnp.dot(nblk_e, up8, preferred_element_type=jnp.float32)
    pos = blkstart * float(_BT) + rank
    slot1 = jnp.sum(jnp.where(idx == a1, pos, 0.0), axis=1, keepdims=True)
    slot2 = jnp.sum(jnp.where(idx == a2, pos, 0.0), axis=1, keepdims=True)
    slots_ref[...] = jnp.concatenate([slot1, slot2], axis=1).astype(jnp.int32)

    tvec = lax.broadcasted_iota(jnp.int32, (1, _T), 1)
    tvec_hi = (tvec // 256).astype(jnp.float32)
    tvec_lo = (tvec % 256).astype(jnp.float32)
    sblk = 512
    tid_blocks = []
    for sb in range(_NPAD // sblk):
        srow = (lax.broadcasted_iota(jnp.int32, (1, sblk), 1)
                + sb * sblk).astype(jnp.float32)
        m = ((slot1 == srow) | (slot2 == srow)).astype(jnp.float32)
        hi = jnp.dot(tvec_hi, m, preferred_element_type=jnp.float32)
        lo = jnp.dot(tvec_lo, m, preferred_element_type=jnp.float32)
        tid_blocks.append(hi * 256.0 + lo)
    stid_ref[...] = jnp.concatenate(tid_blocks, axis=1).astype(jnp.int32)

    jlane = lax.broadcasted_iota(jnp.int32, (1, 32), 1).astype(jnp.float32)
    be = jnp.full((1, 32), -1.0, jnp.float32)
    for e in range(_E):
        be = be + (jlane >= jnp.broadcast_to(blkstart[:, e:e + 1], (1, 32))
                   ).astype(jnp.float32)
    nblk_total = jnp.sum(nblk_e, axis=1, keepdims=True)
    lane = lax.broadcasted_iota(jnp.int32, (1, 32), 1)
    meta_ref[...] = jnp.where(
        lane == 31, jnp.broadcast_to(nblk_total, (1, 32)), be).astype(jnp.int32)

    sl = jnp.dot(x, wsg_ref[...], preferred_element_type=jnp.float32)
    sgate_ref[...] = jax.nn.sigmoid(sl)


def _make_sc_dispatch_gather():
    info = plsc.get_sparse_core_info()
    nc, ns = info.num_cores, info.num_subcores
    nw = nc * ns
    per_w = _NPAD // nw
    chunk = 32
    nchunk = per_w // chunk
    mesh = plsc.VectorSubcoreMesh(core_axis_name="c", subcore_axis_name="s")

    @functools.partial(
        pl.kernel,
        out_type=jax.ShapeDtypeStruct((_NPAD, _D // 2), jnp.int32),
        mesh=mesh,
        scratch_types=[
            pltpu.VMEM((chunk,), jnp.int32),
            pltpu.VMEM((chunk,), jnp.int32),
            pltpu.VMEM((chunk, _D // 2), jnp.int32),
            pltpu.VMEM((chunk, _D // 2), jnp.int32),
            pltpu.SemaphoreType.DMA,
            pltpu.SemaphoreType.DMA,
        ],
    )
    def dispatch_k(stid_hbm, xb_hbm, out_hbm, idx0, idx1, rows0, rows1,
                   sem0, sem1):
        wid = lax.axis_index("s") * nc + lax.axis_index("c")
        base = wid * per_w
        idxs = (idx0, idx1)
        rows = (rows0, rows1)
        sems = (sem0, sem1)
        copies = [None, None]
        for c in range(nchunk):
            pltpu.sync_copy(stid_hbm.at[pl.ds(base + c * chunk, chunk)],
                            idxs[c % 2])
            copies[c % 2] = pltpu.async_copy(
                xb_hbm.at[idxs[c % 2]], rows[c % 2], sems[c % 2])
            if c > 0:
                copies[(c - 1) % 2].wait()
                pltpu.sync_copy(rows[(c - 1) % 2],
                                out_hbm.at[pl.ds(base + (c - 1) * chunk, chunk)])
        copies[(nchunk - 1) % 2].wait()
        pltpu.sync_copy(rows[(nchunk - 1) % 2],
                        out_hbm.at[pl.ds(base + (nchunk - 1) * chunk, chunk)])

    return dispatch_k


def _make_sc_gather_y():
    info = plsc.get_sparse_core_info()
    nc, ns = info.num_cores, info.num_subcores
    nw = nc * ns
    per_w = 2 * _T // nw
    chunk = 16
    nchunk = per_w // chunk
    mesh = plsc.VectorSubcoreMesh(core_axis_name="c", subcore_axis_name="s")

    @functools.partial(
        pl.kernel,
        out_type=jax.ShapeDtypeStruct((2 * _T, _D), jnp.float32),
        mesh=mesh,
        scratch_types=[
            pltpu.VMEM((chunk,), jnp.int32),
            pltpu.VMEM((chunk,), jnp.int32),
            pltpu.VMEM((chunk, _D), jnp.float32),
            pltpu.VMEM((chunk, _D), jnp.float32),
            pltpu.SemaphoreType.DMA,
            pltpu.SemaphoreType.DMA,
        ],
    )
    def gather_k(slots_hbm, y_hbm, out_hbm, idx0, idx1, rows0, rows1,
                 sem0, sem1):
        wid = lax.axis_index("s") * nc + lax.axis_index("c")
        base = wid * per_w
        idxs = (idx0, idx1)
        rows = (rows0, rows1)
        sems = (sem0, sem1)
        copies = [None, None]
        for c in range(nchunk):
            pltpu.sync_copy(slots_hbm.at[pl.ds(base + c * chunk, chunk)],
                            idxs[c % 2])
            copies[c % 2] = pltpu.async_copy(
                y_hbm.at[idxs[c % 2]], rows[c % 2], sems[c % 2])
            if c > 0:
                copies[(c - 1) % 2].wait()
                pltpu.sync_copy(rows[(c - 1) % 2],
                                out_hbm.at[pl.ds(base + (c - 1) * chunk, chunk)])
        copies[(nchunk - 1) % 2].wait()
        pltpu.sync_copy(rows[(nchunk - 1) % 2],
                        out_hbm.at[pl.ds(base + (nchunk - 1) * chunk, chunk)])

    return gather_k


def _grouped_body(meta_ref, xs_ref, wg_ref, wu_ref, wd_ref, y_ref):
    b = pl.program_id(0)

    @pl.when(b < meta_ref[31])
    def _():
        xs = xs_ref[...]
        g = jnp.dot(xs, wg_ref[0], preferred_element_type=jnp.float32)
        u = jnp.dot(xs, wu_ref[0], preferred_element_type=jnp.float32)
        h = ((g * jax.nn.sigmoid(g)) * u).astype(jnp.bfloat16)
        y_ref[...] = jnp.dot(h, wd_ref[0], preferred_element_type=jnp.float32)


def _shared_body(xb_ref, wgu_ref, wd_ref, sgate_ref, out_ref):
    xb = xb_ref[...]
    gu = jnp.dot(xb, wgu_ref[...], preferred_element_type=jnp.float32)
    sg = gu[:, :_SFF]
    su = gu[:, _SFF:]
    hs = ((sg * jax.nn.sigmoid(sg)) * su).astype(jnp.bfloat16)
    sh = jnp.dot(hs, wd_ref[...], preferred_element_type=jnp.float32)
    out_ref[...] = sgate_ref[...] * sh


def _combine_body(sh_ref, yp_ref, w_ref, out_ref):
    w = w_ref[...]
    yp = yp_ref[...]
    out_ref[...] = (sh_ref[...]
                    + w[:, 0:1] * yp[:, :_D]
                    + w[:, 1:2] * yp[:, _D:])


_sc_kernel_cache = {}


def _get_sc_kernels():
    if "k" not in _sc_kernel_cache:
        _sc_kernel_cache["k"] = (_make_sc_dispatch_gather(),
                                 _make_sc_gather_y())
    return _sc_kernel_cache["k"]


def kernel(hidden_states, W_router, W_gate, W_up, W_down, Ws_gate_up, Ws_down,
           W_shared_gate):
    x = hidden_states
    xb = x.astype(jnp.bfloat16)
    wg = W_gate.astype(jnp.bfloat16)
    wu = W_up.astype(jnp.bfloat16)
    wd = W_down.astype(jnp.bfloat16)
    wsgu = Ws_gate_up.astype(jnp.bfloat16)
    wsd = Ws_down.astype(jnp.bfloat16)

    slots, topk_w, sgate, meta, stid = pl.pallas_call(
        _router_body,
        grid=(1,),
        in_specs=[
            pl.BlockSpec((_T, _D), lambda i: (0, 0)),
            pl.BlockSpec((_D, _E), lambda i: (0, 0)),
            pl.BlockSpec((_D, 1), lambda i: (0, 0)),
        ],
        out_specs=[
            pl.BlockSpec((_T, _K), lambda i: (0, 0)),
            pl.BlockSpec((_T, _K), lambda i: (0, 0)),
            pl.BlockSpec((_T, 1), lambda i: (0, 0)),
            pl.BlockSpec((1, 32), lambda i: (0, 0)),
            pl.BlockSpec((1, _NPAD), lambda i: (0, 0)),
        ],
        out_shape=[
            jax.ShapeDtypeStruct((_T, _K), jnp.int32),
            jax.ShapeDtypeStruct((_T, _K), jnp.float32),
            jax.ShapeDtypeStruct((_T, 1), jnp.float32),
            jax.ShapeDtypeStruct((1, 32), jnp.int32),
            jax.ShapeDtypeStruct((1, _NPAD), jnp.int32),
        ],
    )(x, W_router, W_shared_gate)

    slots_flat = slots.reshape(2 * _T)
    meta_flat = meta.reshape(32)
    stid_flat = stid.reshape(_NPAD)

    sc_dispatch_gather, sc_gather_y = _get_sc_kernels()
    xb_i32 = lax.bitcast_convert_type(
        xb.reshape(_T, _D // 2, 2), jnp.int32)
    x_sorted_i32 = sc_dispatch_gather(stid_flat, xb_i32)
    x_sorted = lax.bitcast_convert_type(
        x_sorted_i32, jnp.bfloat16).reshape(_NPAD, _D)

    y = pl.pallas_call(
        _grouped_body,
        grid_spec=pltpu.PrefetchScalarGridSpec(
            num_scalar_prefetch=1,
            grid=(_NBLK,),
            in_specs=[
                pl.BlockSpec((_BT, _D), lambda b, m: (b, 0)),
                pl.BlockSpec((1, _D, _FF), lambda b, m: (m[b], 0, 0)),
                pl.BlockSpec((1, _D, _FF), lambda b, m: (m[b], 0, 0)),
                pl.BlockSpec((1, _FF, _D), lambda b, m: (m[b], 0, 0)),
            ],
            out_specs=pl.BlockSpec((_BT, _D), lambda b, m: (b, 0)),
        ),
        out_shape=jax.ShapeDtypeStruct((_NPAD, _D), jnp.float32),
        compiler_params=pltpu.CompilerParams(
            dimension_semantics=("arbitrary",)),
    )(meta_flat, x_sorted, wg, wu, wd)

    ypair = sc_gather_y(slots_flat, y)
    ypair2 = ypair.reshape(_T, 2 * _D)

    bs = 512
    shared = pl.pallas_call(
        _shared_body,
        grid=(_T // bs,),
        in_specs=[
            pl.BlockSpec((bs, _D), lambda t: (t, 0)),
            pl.BlockSpec((_D, 2 * _SFF), lambda t: (0, 0)),
            pl.BlockSpec((_SFF, _D), lambda t: (0, 0)),
            pl.BlockSpec((bs, 1), lambda t: (t, 0)),
        ],
        out_specs=pl.BlockSpec((bs, _D), lambda t: (t, 0)),
        out_shape=jax.ShapeDtypeStruct((_T, _D), jnp.float32),
    )(xb, wsgu, wsd, sgate)

    out = pl.pallas_call(
        _combine_body,
        grid=(_T // bs,),
        in_specs=[
            pl.BlockSpec((bs, _D), lambda t: (t, 0)),
            pl.BlockSpec((bs, 2 * _D), lambda t: (t, 0)),
            pl.BlockSpec((bs, _K), lambda t: (t, 0)),
        ],
        out_specs=pl.BlockSpec((bs, _D), lambda t: (t, 0)),
        out_shape=jax.ShapeDtypeStruct((_T, _D), jnp.float32),
    )(shared, ypair2, topk_w)
    return out

# --- scband reference (transcript-rebuilt; emitter-appended) ---
"""Pipeline reference for scband-qwen3-omni-talker-37520834298110 (READ-ONLY COPY).

The authoritative reference and input builder live on the scoring server;
editing this copy changes nothing except your own understanding.
"""

import jax, jax.numpy as jnp
import numpy as np

T = 2048      # num_tokens (batch=1 * seq_len=2048)
D = 2048      # hidden_size
E = 8         # num_experts
K = 2         # top_k
FF = 768      # moe_intermediate_size (per routed expert)
SFF = 2048    # shared_expert_intermediate_size


def setup_inputs(seed: int = 0) -> dict:
    key = jax.random.key(seed)
    ks = jax.random.split(key, 8)
    hidden_states = jax.random.normal(ks[0], (T, D), dtype=jnp.float32)
    # router gate: Linear(D -> E), no bias
    W_router = jax.random.normal(ks[1], (D, E), dtype=jnp.float32) * 0.02
    # routed experts: SwiGLU per expert
    W_gate = jax.random.normal(ks[2], (E, D, FF), dtype=jnp.float32) * 0.02
    W_up = jax.random.normal(ks[3], (E, D, FF), dtype=jnp.float32) * 0.02
    W_down = jax.random.normal(ks[4], (E, FF, D), dtype=jnp.float32) * 0.02
    # shared expert: merged gate_up proj (D -> 2*SFF) and down proj
    Ws_gate_up = jax.random.normal(ks[5], (D, 2 * SFF), dtype=jnp.float32) * 0.02
    Ws_down = jax.random.normal(ks[6], (SFF, D), dtype=jnp.float32) * 0.02
    # shared expert gate: Linear(D -> 1), no bias
    W_shared_gate = jax.random.normal(ks[7], (D, 1), dtype=jnp.float32) * 0.02
    return {
        "hidden_states": hidden_states,
        "W_router": W_router,
        "W_gate": W_gate,
        "W_up": W_up,
        "W_down": W_down,
        "Ws_gate_up": Ws_gate_up,
        "Ws_down": Ws_down,
        "W_shared_gate": W_shared_gate,
    }


def reference(hidden_states, W_router, W_gate, W_up, W_down, Ws_gate_up, Ws_down, W_shared_gate):
    x = hidden_states  # [T, D]
    num_tokens, hidden_dim = x.shape

    # ---- router ----
    router_logits = x @ W_router                      # [T, E]
    probs = jax.nn.softmax(router_logits, axis=-1)    # [T, E]
    topk_vals, topk_idx = jax.lax.top_k(probs, K)     # [T, K]
    # norm_topk_prob=True: renormalize selected probs
    topk_vals = topk_vals / jnp.sum(topk_vals, axis=-1, keepdims=True)
    # combine weights scattered back to dense [T, E]
    combine = jnp.zeros((num_tokens, E), dtype=x.dtype)
    combine = combine.at[jnp.arange(num_tokens)[:, None], topk_idx].add(topk_vals)

    # ---- routed experts (dense-combine formulation, mathematically identical) ----
    g = jnp.einsum('td,edf->tef', x, W_gate)          # [T, E, FF]
    u = jnp.einsum('td,edf->tef', x, W_up)            # [T, E, FF]
    h = jax.nn.silu(g) * u                            # SiluAndMul
    per_expert_out = jnp.einsum('tef,efd->ted', h, W_down)  # [T, E, D]
    routed_output = jnp.einsum('ted,te->td', per_expert_out, combine)  # [T, D]

    # ---- shared expert ----
    gate_up = x @ Ws_gate_up                          # [T, 2*SFF]
    sg, su = gate_up[:, :SFF], gate_up[:, SFF:]
    shared_output = (jax.nn.silu(sg) * su) @ Ws_down  # [T, D]
    shared_gate = jax.nn.sigmoid(x @ W_shared_gate)   # [T, 1]
    shared_output = shared_output * shared_gate

    final_hidden_states = routed_output + shared_output
    return final_hidden_states.reshape(num_tokens, hidden_dim)

if __name__ == "__main__":
    import jax
    _d = setup_inputs()
    print(jax.jit(kernel)(*tuple(_d.values())))

</pallas_src>

<mosaic_0001>
#map = affine_map<(d0, d1) -> (0)>
#map1 = affine_map<(d0, d1) -> (0, 0)>
module attributes {stable_mosaic.version = 14 : i64} {
  func.func @gather_k(%arg0: i32, %arg1: i32, %arg2: memref<4096xi32, #tpu.memory_space<hbm>>, %arg3: memref<6144x2048xf32, #tpu.memory_space<hbm>>, %arg4: memref<4096x2048xf32, #tpu.memory_space<hbm>>, %arg5: memref<16xi32, #tpu.memory_space<vmem>>, %arg6: memref<16xi32, #tpu.memory_space<vmem>>, %arg7: memref<16x2048xf32, #tpu.memory_space<vmem>>, %arg8: memref<16x2048xf32, #tpu.memory_space<vmem>>, %arg9: memref<!tpu.dma_semaphore, #tpu.memory_space<semaphore_mem>>, %arg10: memref<!tpu.dma_semaphore, #tpu.memory_space<semaphore_mem>>) attributes {dimension_semantics = [#tpu.dimension_semantics<core_parallel>, #tpu.dimension_semantics<subcore_parallel>], iteration_bounds = array<i64: 2, 16>, scalar_prefetch = 0 : i64, scratch_operands = 6 : i64, tpu.core_type = #tpu.core_type<sc_vector_subcore>, window_params = [{transform_indices = #map}, {transform_indices = #map1}, {transform_indices = #map1}]} {
    %mul3A = arith.constant 2 : i32
    %mul3A_0 = arith.muli %arg1, %mul3A : i32
    %add3A = arith.addi %mul3A_0, %arg0 : i32
    %mul3A_1 = arith.constant 128 : i32
    %mul3A_2 = arith.muli %add3A, %mul3A_1 : i32
    %add3A_3 = arith.constant 0 : i32
    %add3A_4 = arith.addi %mul3A_2, %add3A_3 : i32
    "tpu.region"() ({
      %run_scoped3A = tpu.sem_alloc : memref<!tpu.dma_semaphore, #tpu.memory_space<semaphore_mem>>
      %dma_start3A_81 = tpu.memref_slice %arg2[%add3A_4] : memref<4096xi32, #tpu.memory_space<hbm>> -> memref<16xi32, #tpu.memory_space<hbm>>
      %dma_start3A_82 = tpu.memref_slice %arg2[%add3A_4] : memref<4096xi32, #tpu.memory_space<hbm>> -> memref<16xi32, #tpu.memory_space<hbm>>
      tpu.enqueue_dma source(%dma_start3A_82 : memref<16xi32, #tpu.memory_space<hbm>>) target(%arg5 : memref<16xi32, #tpu.memory_space<vmem>>) target_semaphore(%run_scoped3A : memref<!tpu.dma_semaphore, #tpu.memory_space<semaphore_mem>>)
      %dma_wait3A_83 = tpu.memref_slice %arg2[%add3A_4] : memref<4096xi32, #tpu.memory_space<hbm>> -> memref<16xi32, #tpu.memory_space<hbm>>
      %dma_wait3A_84 = tpu.memref_slice %arg2[%add3A_4] : memref<4096xi32, #tpu.memory_space<hbm>> -> memref<16xi32, #tpu.memory_space<hbm>>
      tpu.wait_dma2 semaphore(%run_scoped3A : memref<!tpu.dma_semaphore, #tpu.memory_space<semaphore_mem>>) src(%dma_wait3A_84 : memref<16xi32, #tpu.memory_space<hbm>>) dst(%arg5 : memref<16xi32, #tpu.memory_space<vmem>>)
      tpu.yield
    }) : () -> ()
    %dma_start3A = arith.constant 0 : i32
    %dma_start3A_5 = arith.constant 0 : i32
    %dma_start3A_6 = tpu.memref_slice %arg3[%dma_start3A, %dma_start3A_5] : memref<6144x2048xf32, #tpu.memory_space<hbm>> -> memref<6144x2048xf32, #tpu.memory_space<hbm>>
    tpu.enqueue_indirect_dma source(%dma_start3A_6 : memref<6144x2048xf32, #tpu.memory_space<hbm>>) target(%arg7 : memref<16x2048xf32, #tpu.memory_space<vmem>>) offsets(%arg5 : memref<16xi32, #tpu.memory_space<vmem>>) semaphore(%arg9 : memref<!tpu.dma_semaphore, #tpu.memory_space<semaphore_mem>>)
    %add3A_7 = arith.constant 16 : i32
    %add3A_8 = arith.addi %mul3A_2, %add3A_7 : i32
    "tpu.region"() ({
      %run_scoped3A = tpu.sem_alloc : memref<!tpu.dma_semaphore, #tpu.memory_space<semaphore_mem>>
      %dma_start3A_81 = tpu.memref_slice %arg2[%add3A_8] : memref<4096xi32, #tpu.memory_space<hbm>> -> memref<16xi32, #tpu.memory_space<hbm>>
      %dma_start3A_82 = tpu.memref_slice %arg2[%add3A_8] : memref<4096xi32, #tpu.memory_space<hbm>> -> memref<16xi32, #tpu.memory_space<hbm>>
      tpu.enqueue_dma source(%dma_start3A_82 : memref<16xi32, #tpu.memory_space<hbm>>) target(%arg6 : memref<16xi32, #tpu.memory_space<vmem>>) target_semaphore(%run_scoped3A : memref<!tpu.dma_semaphore, #tpu.memory_space<semaphore_mem>>)
      %dma_wait3A_83 = tpu.memref_slice %arg2[%add3A_8] : memref<4096xi32, #tpu.memory_space<hbm>> -> memref<16xi32, #tpu.memory_space<hbm>>
      %dma_wait3A_84 = tpu.memref_slice %arg2[%add3A_8] : memref<4096xi32, #tpu.memory_space<hbm>> -> memref<16xi32, #tpu.memory_space<hbm>>
      tpu.wait_dma2 semaphore(%run_scoped3A : memref<!tpu.dma_semaphore, #tpu.memory_space<semaphore_mem>>) src(%dma_wait3A_84 : memref<16xi32, #tpu.memory_space<hbm>>) dst(%arg6 : memref<16xi32, #tpu.memory_space<vmem>>)
      tpu.yield
    }) : () -> ()
    %dma_start3A_9 = arith.constant 0 : i32
    %dma_start3A_10 = arith.constant 0 : i32
    %dma_start3A_11 = tpu.memref_slice %arg3[%dma_start3A_9, %dma_start3A_10] : memref<6144x2048xf32, #tpu.memory_space<hbm>> -> memref<6144x2048xf32, #tpu.memory_space<hbm>>
    tpu.enqueue_indirect_dma source(%dma_start3A_11 : memref<6144x2048xf32, #tpu.memory_space<hbm>>) target(%arg8 : memref<16x2048xf32, #tpu.memory_space<vmem>>) offsets(%arg6 : memref<16xi32, #tpu.memory_space<vmem>>) semaphore(%arg10 : memref<!tpu.dma_semaphore, #tpu.memory_space<semaphore_mem>>)
    %dma_wait3A = arith.constant 0 : i32
    %dma_wait3A_12 = arith.constant 0 : i32
    %dma_wait3A_13 = tpu.memref_slice %arg3[%dma_wait3A, %dma_wait3A_12] : memref<6144x2048xf32, #tpu.memory_space<hbm>> -> memref<6144x2048xf32, #tpu.memory_space<hbm>>
    tpu.wait_indirect_dma semaphore(%arg9 : memref<!tpu.dma_semaphore, #tpu.memory_space<semaphore_mem>>) src(%dma_wait3A_13 : memref<6144x2048xf32, #tpu.memory_space<hbm>>) dst(%arg7 : memref<16x2048xf32, #tpu.memory_space<vmem>>)
    %add3A_14 = arith.constant 0 : i32
    %add3A_15 = arith.addi %mul3A_2, %add3A_14 : i32
    "tpu.region"() ({
      %run_scoped3A = tpu.sem_alloc : memref<!tpu.dma_semaphore, #tpu.memory_space<semaphore_mem>>
      %dma_start3A_81 = arith.constant 0 : i32
      %dma_start3A_82 = tpu.memref_slice %arg4[%add3A_15, %dma_start3A_81] : memref<4096x2048xf32, #tpu.memory_space<hbm>> -> memref<16x2048xf32, #tpu.memory_space<hbm>>
      %dma_start3A_83 = arith.constant 0 : i32
      %dma_start3A_84 = tpu.memref_slice %arg4[%add3A_15, %dma_start3A_83] : memref<4096x2048xf32, #tpu.memory_space<hbm>> -> memref<16x2048xf32, #tpu.memory_space<hbm>>
      tpu.enqueue_dma source(%arg7 : memref<16x2048xf32, #tpu.memory_space<vmem>>) target(%dma_start3A_84 : memref<16x2048xf32, #tpu.memory_space<hbm>>) target_semaphore(%run_scoped3A : memref<!tpu.dma_semaphore, #tpu.memory_space<semaphore_mem>>)
      %dma_wait3A_85 = arith.constant 0 : i32
      %dma_wait3A_86 = tpu.memref_slice %arg4[%add3A_15, %dma_wait3A_85] : memref<4096x2048xf32, #tpu.memory_space<hbm>> -> memref<16x2048xf32, #tpu.memory_space<hbm>>
      %dma_wait3A_87 = arith.constant 0 : i32
      %dma_wait3A_88 = tpu.memref_slice %arg4[%add3A_15, %dma_wait3A_87] : memref<4096x2048xf32, #tpu.memory_space<hbm>> -> memref<16x2048xf32, #tpu.memory_space<hbm>>
      tpu.wait_dma2 semaphore(%run_scoped3A : memref<!tpu.dma_semaphore, #tpu.memory_space<semaphore_mem>>) src(%arg7 : memref<16x2048xf32, #tpu.memory_space<vmem>>) dst(%dma_wait3A_88 : memref<16x2048xf32, #tpu.memory_space<hbm>>)
      tpu.yield
    }) : () -> ()
    %add3A_16 = arith.constant 32 : i32
    %add3A_17 = arith.addi %mul3A_2, %add3A_16 : i32
    "tpu.region"() ({
      %run_scoped3A = tpu.sem_alloc : memref<!tpu.dma_semaphore, #tpu.memory_space<semaphore_mem>>
      %dma_start3A_81 = tpu.memref_slice %arg2[%add3A_17] : memref<4096xi32, #tpu.memory_space<hbm>> -> memref<16xi32, #tpu.memory_space<hbm>>
      %dma_start3A_82 = tpu.memref_slice %arg2[%add3A_17] : memref<4096xi32, #tpu.memory_space<hbm>> -> memref<16xi32, #tpu.memory_space<hbm>>
      tpu.enqueue_dma source(%dma_start3A_82 : memref<16xi32, #tpu.memory_space<hbm>>) target(%arg5 : memref<16xi32, #tpu.memory_space<vmem>>) target_semaphore(%run_scoped3A : memref<!tpu.dma_semaphore, #tpu.memory_space<semaphore_mem>>)
      %dma_wait3A_83 = tpu.memref_slice %arg2[%add3A_17] : memref<4096xi32, #tpu.memory_space<hbm>> -> memref<16xi32, #tpu.memory_space<hbm>>
      %dma_wait3A_84 = tpu.memref_slice %arg2[%add3A_17] : memref<4096xi32, #tpu.memory_space<hbm>> -> memref<16xi32, #tpu.memory_space<hbm>>
      tpu.wait_dma2 semaphore(%run_scoped3A : memref<!tpu.dma_semaphore, #tpu.memory_space<semaphore_mem>>) src(%dma_wait3A_84 : memref<16xi32, #tpu.memory_space<hbm>>) dst(%arg5 : memref<16xi32, #tpu.memory_space<vmem>>)
      tpu.yield
    }) : () -> ()
    %dma_start3A_18 = arith.constant 0 : i32
    %dma_start3A_19 = arith.constant 0 : i32
    %dma_start3A_20 = tpu.memref_slice %arg3[%dma_start3A_18, %dma_start3A_19] : memref<6144x2048xf32, #tpu.memory_space<hbm>> -> memref<6144x2048xf32, #tpu.memory_space<hbm>>
    tpu.enqueue_indirect_dma source(%dma_start3A_20 : memref<6144x2048xf32, #tpu.memory_space<hbm>>) target(%arg7 : memref<16x2048xf32, #tpu.memory_space<vmem>>) offsets(%arg5 : memref<16xi32, #tpu.memory_space<vmem>>) semaphore(%arg9 : memref<!tpu.dma_semaphore, #tpu.memory_space<semaphore_mem>>)
    %dma_wait3A_21 = arith.constant 0 : i32
    %dma_wait3A_22 = arith.constant 0 : i32
    %dma_wait3A_23 = tpu.memref_slice %arg3[%dma_wait3A_21, %dma_wait3A_22] : memref<6144x2048xf32, #tpu.memory_space<hbm>> -> memref<6144x2048xf32, #tpu.memory_space<hbm>>
    tpu.wait_indirect_dma semaphore(%arg10 : memref<!tpu.dma_semaphore, #tpu.memory_space<semaphore_mem>>) src(%dma_wait3A_23 : memref<6144x2048xf32, #tpu.memory_space<hbm>>) dst(%arg8 : memref<16x2048xf32, #tpu.memory_space<vmem>>)
    %add3A_24 = arith.constant 16 : i32
    %add3A_25 = arith.addi %mul3A_2, %add3A_24 : i32
    "tpu.region"() ({
      %run_scoped3A = tpu.sem_alloc : memref<!tpu.dma_semaphore, #tpu.memory_space<semaphore_mem>>
      %dma_start3A_81 = arith.constant 0 : i32
      %dma_start3A_82 = tpu.memref_slice %arg4[%add3A_25, %dma_start3A_81] : memref<4096x2048xf32, #tpu.memory_space<hbm>> -> memref<16x2048xf32, #tpu.memory_space<hbm>>
      %dma_start3A_83 = arith.constant 0 : i32
      %dma_start3A_84 = tpu.memref_slice %arg4[%add3A_25, %dma_start3A_83] : memref<4096x2048xf32, #tpu.memory_space<hbm>> -> memref<16x2048xf32, #tpu.memory_space<hbm>>
      tpu.enqueue_dma source(%arg8 : memref<16x2048xf32, #tpu.memory_space<vmem>>) target(%dma_start3A_84 : memref<16x2048xf32, #tpu.memory_space<hbm>>) target_semaphore(%run_scoped3A : memref<!tpu.dma_semaphore, #tpu.memory_space<semaphore_mem>>)
      %dma_wait3A_85 = arith.constant 0 : i32
      %dma_wait3A_86 = tpu.memref_slice %arg4[%add3A_25, %dma_wait3A_85] : memref<4096x2048xf32, #tpu.memory_space<hbm>> -> memref<16x2048xf32, #tpu.memory_space<hbm>>
      %dma_wait3A_87 = arith.constant 0 : i32
      %dma_wait3A_88 = tpu.memref_slice %arg4[%add3A_25, %dma_wait3A_87] : memref<4096x2048xf32, #tpu.memory_space<hbm>> -> memref<16x2048xf32, #tpu.memory_space<hbm>>
      tpu.wait_dma2 semaphore(%run_scoped3A : memref<!tpu.dma_semaphore, #tpu.memory_space<semaphore_mem>>) src(%arg8 : memref<16x2048xf32, #tpu.memory_space<vmem>>) dst(%dma_wait3A_88 : memref<16x2048xf32, #tpu.memory_space<hbm>>)
      tpu.yield
    }) : () -> ()
    %add3A_26 = arith.constant 48 : i32
    %add3A_27 = arith.addi %mul3A_2, %add3A_26 : i32
    "tpu.region"() ({
      %run_scoped3A = tpu.sem_alloc : memref<!tpu.dma_semaphore, #tpu.memory_space<semaphore_mem>>
      %dma_start3A_81 = tpu.memref_slice %arg2[%add3A_27] : memref<4096xi32, #tpu.memory_space<hbm>> -> memref<16xi32, #tpu.memory_space<hbm>>
      %dma_start3A_82 = tpu.memref_slice %arg2[%add3A_27] : memref<4096xi32, #tpu.memory_space<hbm>> -> memref<16xi32, #tpu.memory_space<hbm>>
      tpu.enqueue_dma source(%dma_start3A_82 : memref<16xi32, #tpu.memory_space<hbm>>) target(%arg6 : memref<16xi32, #tpu.memory_space<vmem>>) target_semaphore(%run_scoped3A : memref<!tpu.dma_semaphore, #tpu.memory_space<semaphore_mem>>)
      %dma_wait3A_83 = tpu.memref_slice %arg2[%add3A_27] : memref<4096xi32, #tpu.memory_space<hbm>> -> memref<16xi32, #tpu.memory_space<hbm>>
      %dma_wait3A_84 = tpu.memref_slice %arg2[%add3A_27] : memref<4096xi32, #tpu.memory_space<hbm>> -> memref<16xi32, #tpu.memory_space<hbm>>
      tpu.wait_dma2 semaphore(%run_scoped3A : memref<!tpu.dma_semaphore, #tpu.memory_space<semaphore_mem>>) src(%dma_wait3A_84 : memref<16xi32, #tpu.memory_space<hbm>>) dst(%arg6 : memref<16xi32, #tpu.memory_space<vmem>>)
      tpu.yield
    }) : () -> ()
    %dma_start3A_28 = arith.constant 0 : i32
    %dma_start3A_29 = arith.constant 0 : i32
    %dma_start3A_30 = tpu.memref_slice %arg3[%dma_start3A_28, %dma_start3A_29] : memref<6144x2048xf32, #tpu.memory_space<hbm>> -> memref<6144x2048xf32, #tpu.memory_space<hbm>>
    tpu.enqueue_indirect_dma source(%dma_start3A_30 : memref<6144x2048xf32, #tpu.memory_space<hbm>>) target(%arg8 : memref<16x2048xf32, #tpu.memory_space<vmem>>) offsets(%arg6 : memref<16xi32, #tpu.memory_space<vmem>>) semaphore(%arg10 : memref<!tpu.dma_semaphore, #tpu.memory_space<semaphore_mem>>)
    %dma_wait3A_31 = arith.constant 0 : i32
    %dma_wait3A_32 = arith.constant 0 : i32
    %dma_wait3A_33 = tpu.memref_slice %arg3[%dma_wait3A_31, %dma_wait3A_32] : memref<6144x2048xf32, #tpu.memory_space<hbm>> -> memref<6144x2048xf32, #tpu.memory_space<hbm>>
    tpu.wait_indirect_dma semaphore(%arg9 : memref<!tpu.dma_semaphore, #tpu.memory_space<semaphore_mem>>) src(%dma_wait3A_33 : memref<6144x2048xf32, #tpu.memory_space<hbm>>) dst(%arg7 : memref<16x2048xf32, #tpu.memory_space<vmem>>)
    %add3A_34 = arith.constant 32 : i32
    %add3A_35 = arith.addi %mul3A_2, %add3A_34 : i32
    "tpu.region"() ({
      %run_scoped3A = tpu.sem_alloc : memref<!tpu.dma_semaphore, #tpu.memory_space<semaphore_mem>>
      %dma_start3A_81 = arith.constant 0 : i32
      %dma_start3A_82 = tpu.memref_slice %arg4[%add3A_35, %dma_start3A_81] : memref<4096x2048xf32, #tpu.memory_space<hbm>> -> memref<16x2048xf32, #tpu.memory_space<hbm>>
      %dma_start3A_83 = arith.constant 0 : i32
      %dma_start3A_84 = tpu.memref_slice %arg4[%add3A_35, %dma_start3A_83] : memref<4096x2048xf32, #tpu.memory_space<hbm>> -> memref<16x2048xf32, #tpu.memory_space<hbm>>
      tpu.enqueue_dma source(%arg7 : memref<16x2048xf32, #tpu.memory_space<vmem>>) target(%dma_start3A_84 : memref<16x2048xf32, #tpu.memory_space<hbm>>) target_semaphore(%run_scoped3A : memref<!tpu.dma_semaphore, #tpu.memory_space<semaphore_mem>>)
      %dma_wait3A_85 = arith.constant 0 : i32
      %dma_wait3A_86 = tpu.memref_slice %arg4[%add3A_35, %dma_wait3A_85] : memref<4096x2048xf32, #tpu.memory_space<hbm>> -> memref<16x2048xf32, #tpu.memory_space<hbm>>
      %dma_wait3A_87 = arith.constant 0 : i32
      %dma_wait3A_88 = tpu.memref_slice %arg4[%add3A_35, %dma_wait3A_87] : memref<4096x2048xf32, #tpu.memory_space<hbm>> -> memref<16x2048xf32, #tpu.memory_space<hbm>>
      tpu.wait_dma2 semaphore(%run_scoped3A : memref<!tpu.dma_semaphore, #tpu.memory_space<semaphore_mem>>) src(%arg7 : memref<16x2048xf32, #tpu.memory_space<vmem>>) dst(%dma_wait3A_88 : memref<16x2048xf32, #tpu.memory_space<hbm>>)
      tpu.yield
    }) : () -> ()
    %add3A_36 = arith.constant 64 : i32
    %add3A_37 = arith.addi %mul3A_2, %add3A_36 : i32
    "tpu.region"() ({
      %run_scoped3A = tpu.sem_alloc : memref<!tpu.dma_semaphore, #tpu.memory_space<semaphore_mem>>
      %dma_start3A_81 = tpu.memref_slice %arg2[%add3A_37] : memref<4096xi32, #tpu.memory_space<hbm>> -> memref<16xi32, #tpu.memory_space<hbm>>
      %dma_start3A_82 = tpu.memref_slice %arg2[%add3A_37] : memref<4096xi32, #tpu.memory_space<hbm>> -> memref<16xi32, #tpu.memory_space<hbm>>
      tpu.enqueue_dma source(%dma_start3A_82 : memref<16xi32, #tpu.memory_space<hbm>>) target(%arg5 : memref<16xi32, #tpu.memory_space<vmem>>) target_semaphore(%run_scoped3A : memref<!tpu.dma_semaphore, #tpu.memory_space<semaphore_mem>>)
      %dma_wait3A_83 = tpu.memref_slice %arg2[%add3A_37] : memref<4096xi32, #tpu.memory_space<hbm>> -> memref<16xi32, #tpu.memory_space<hbm>>
      %dma_wait3A_84 = tpu.memref_slice %arg2[%add3A_37] : memref<4096xi32, #tpu.memory_space<hbm>> -> memref<16xi32, #tpu.memory_space<hbm>>
      tpu.wait_dma2 semaphore(%run_scoped3A : memref<!tpu.dma_semaphore, #tpu.memory_space<semaphore_mem>>) src(%dma_wait3A_84 : memref<16xi32, #tpu.memory_space<hbm>>) dst(%arg5 : memref<16xi32, #tpu.memory_space<vmem>>)
      tpu.yield
    }) : () -> ()
    %dma_start3A_38 = arith.constant 0 : i32
    %dma_start3A_39 = arith.constant 0 : i32
    %dma_start3A_40 = tpu.memref_slice %arg3[%dma_start3A_38, %dma_start3A_39] : memref<6144x2048xf32, #tpu.memory_space<hbm>> -> memref<6144x2048xf32, #tpu.memory_space<hbm>>
    tpu.enqueue_indirect_dma source(%dma_start3A_40 : memref<6144x2048xf32, #tpu.memory_space<hbm>>) target(%arg7 : memref<16x2048xf32, #tpu.memory_space<vmem>>) offsets(%arg5 : memref<16xi32, #tpu.memory_space<vmem>>) semaphore(%arg9 : memref<!tpu.dma_semaphore, #tpu.memory_space<semaphore_mem>>)
    %dma_wait3A_41 = arith.constant 0 : i32
    %dma_wait3A_42 = arith.constant 0 : i32
    %dma_wait3A_43 = tpu.memref_slice %arg3[%dma_wait3A_41, %dma_wait3A_42] : memref<6144x2048xf32, #tpu.memory_space<hbm>> -> memref<6144x2048xf32, #tpu.memory_space<hbm>>
    tpu.wait_indirect_dma semaphore(%arg10 : memref<!tpu.dma_semaphore, #tpu.memory_space<semaphore_mem>>) src(%dma_wait3A_43 : memref<6144x2048xf32, #tpu.memory_space<hbm>>) dst(%arg8 : memref<16x2048xf32, #tpu.memory_space<vmem>>)
    %add3A_44 = arith.constant 48 : i32
    %add3A_45 = arith.addi %mul3A_2, %add3A_44 : i32
    "tpu.region"() ({
      %run_scoped3A = tpu.sem_alloc : memref<!tpu.dma_semaphore, #tpu.memory_space<semaphore_mem>>
      %dma_start3A_81 = arith.constant 0 : i32
      %dma_start3A_82 = tpu.memref_slice %arg4[%add3A_45, %dma_start3A_81] : memref<4096x2048xf32, #tpu.memory_space<hbm>> -> memref<16x2048xf32, #tpu.memory_space<hbm>>
      %dma_start3A_83 = arith.constant 0 : i32
      %dma_start3A_84 = tpu.memref_slice %arg4[%add3A_45, %dma_start3A_83] : memref<4096x2048xf32, #tpu.memory_space<hbm>> -> memref<16x2048xf32, #tpu.memory_space<hbm>>
      tpu.enqueue_dma source(%arg8 : memref<16x2048xf32, #tpu.memory_space<vmem>>) target(%dma_start3A_84 : memref<16x2048xf32, #tpu.memory_space<hbm>>) target_semaphore(%run_scoped3A : memref<!tpu.dma_semaphore, #tpu.memory_space<semaphore_mem>>)
      %dma_wait3A_85 = arith.constant 0 : i32
      %dma_wait3A_86 = tpu.memref_slice %arg4[%add3A_45, %dma_wait3A_85] : memref<4096x2048xf32, #tpu.memory_space<hbm>> -> memref<16x2048xf32, #tpu.memory_space<hbm>>
      %dma_wait3A_87 = arith.constant 0 : i32
      %dma_wait3A_88 = tpu.memref_slice %arg4[%add3A_45, %dma_wait3A_87] : memref<4096x2048xf32, #tpu.memory_space<hbm>> -> memref<16x2048xf32, #tpu.memory_space<hbm>>
      tpu.wait_dma2 semaphore(%run_scoped3A : memref<!tpu.dma_semaphore, #tpu.memory_space<semaphore_mem>>) src(%arg8 : memref<16x2048xf32, #tpu.memory_space<vmem>>) dst(%dma_wait3A_88 : memref<16x2048xf32, #tpu.memory_space<hbm>>)
      tpu.yield
    }) : () -> ()
    %add3A_46 = arith.constant 80 : i32
    %add3A_47 = arith.addi %mul3A_2, %add3A_46 : i32
    "tpu.region"() ({
      %run_scoped3A = tpu.sem_alloc : memref<!tpu.dma_semaphore, #tpu.memory_space<semaphore_mem>>
      %dma_start3A_81 = tpu.memref_slice %arg2[%add3A_47] : memref<4096xi32, #tpu.memory_space<hbm>> -> memref<16xi32, #tpu.memory_space<hbm>>
      %dma_start3A_82 = tpu.memref_slice %arg2[%add3A_47] : memref<4096xi32, #tpu.memory_space<hbm>> -> memref<16xi32, #tpu.memory_space<hbm>>
      tpu.enqueue_dma source(%dma_start3A_82 : memref<16xi32, #tpu.memory_space<hbm>>) target(%arg6 : memref<16xi32, #tpu.memory_space<vmem>>) target_semaphore(%run_scoped3A : memref<!tpu.dma_semaphore, #tpu.memory_space<semaphore_mem>>)
      %dma_wait3A_83 = tpu.memref_slice %arg2[%add3A_47] : memref<4096xi32, #tpu.memory_space<hbm>> -> memref<16xi32, #tpu.memory_space<hbm>>
      %dma_wait3A_84 = tpu.memref_slice %arg2[%add3A_47] : memref<4096xi32, #tpu.memory_space<hbm>> -> memref<16xi32, #tpu.memory_space<hbm>>
      tpu.wait_dma2 semaphore(%run_scoped3A : memref<!tpu.dma_semaphore, #tpu.memory_space<semaphore_mem>>) src(%dma_wait3A_84 : memref<16xi32, #tpu.memory_space<hbm>>) dst(%arg6 : memref<16xi32, #tpu.memory_space<vmem>>)
      tpu.yield
    }) : () -> ()
    %dma_start3A_48 = arith.constant 0 : i32
    %dma_start3A_49 = arith.constant 0 : i32
    %dma_start3A_50 = tpu.memref_slice %arg3[%dma_start3A_48, %dma_start3A_49] : memref<6144x2048xf32, #tpu.memory_space<hbm>> -> memref<6144x2048xf32, #tpu.memory_space<hbm>>
    tpu.enqueue_indirect_dma source(%dma_start3A_50 : memref<6144x2048xf32, #tpu.memory_space<hbm>>) target(%arg8 : memref<16x2048xf32, #tpu.memory_space<vmem>>) offsets(%arg6 : memref<16xi32, #tpu.memory_space<vmem>>) semaphore(%arg10 : memref<!tpu.dma_semaphore, #tpu.memory_space<semaphore_mem>>)
    %dma_wait3A_51 = arith.constant 0 : i32
    %dma_wait3A_52 = arith.constant 0 : i32
    %dma_wait3A_53 = tpu.memref_slice %arg3[%dma_wait3A_51, %dma_wait3A_52] : memref<6144x2048xf32, #tpu.memory_space<hbm>> -> memref<6144x2048xf32, #tpu.memory_space<hbm>>
    tpu.wait_indirect_dma semaphore(%arg9 : memref<!tpu.dma_semaphore, #tpu.memory_space<semaphore_mem>>) src(%dma_wait3A_53 : memref<6144x2048xf32, #tpu.memory_space<hbm>>) dst(%arg7 : memref<16x2048xf32, #tpu.memory_space<vmem>>)
    %add3A_54 = arith.constant 64 : i32
    %add3A_55 = arith.addi %mul3A_2, %add3A_54 : i32
    "tpu.region"() ({
      %run_scoped3A = tpu.sem_alloc : memref<!tpu.dma_semaphore, #tpu.memory_space<semaphore_mem>>
      %dma_start3A_81 = arith.constant 0 : i32
      %dma_start3A_82 = tpu.memref_slice %arg4[%add3A_55, %dma_start3A_81] : memref<4096x2048xf32, #tpu.memory_space<hbm>> -> memref<16x2048xf32, #tpu.memory_space<hbm>>
      %dma_start3A_83 = arith.constant 0 : i32
      %dma_start3A_84 = tpu.memref_slice %arg4[%add3A_55, %dma_start3A_83] : memref<4096x2048xf32, #tpu.memory_space<hbm>> -> memref<16x2048xf32, #tpu.memory_space<hbm>>
      tpu.enqueue_dma source(%arg7 : memref<16x2048xf32, #tpu.memory_space<vmem>>) target(%dma_start3A_84 : memref<16x2048xf32, #tpu.memory_space<hbm>>) target_semaphore(%run_scoped3A : memref<!tpu.dma_semaphore, #tpu.memory_space<semaphore_mem>>)
      %dma_wait3A_85 = arith.constant 0 : i32
      %dma_wait3A_86 = tpu.memref_slice %arg4[%add3A_55, %dma_wait3A_85] : memref<4096x2048xf32, #tpu.memory_space<hbm>> -> memref<16x2048xf32, #tpu.memory_space<hbm>>
      %dma_wait3A_87 = arith.constant 0 : i32
      %dma_wait3A_88 = tpu.memref_slice %arg4[%add3A_55, %dma_wait3A_87] : memref<4096x2048xf32, #tpu.memory_space<hbm>> -> memref<16x2048xf32, #tpu.memory_space<hbm>>
      tpu.wait_dma2 semaphore(%run_scoped3A : memref<!tpu.dma_semaphore, #tpu.memory_space<semaphore_mem>>) src(%arg7 : memref<16x2048xf32, #tpu.memory_space<vmem>>) dst(%dma_wait3A_88 : memref<16x2048xf32, #tpu.memory_space<hbm>>)
      tpu.yield
    }) : () -> ()
    %add3A_56 = arith.constant 96 : i32
    %add3A_57 = arith.addi %mul3A_2, %add3A_56 : i32
    "tpu.region"() ({
      %run_scoped3A = tpu.sem_alloc : memref<!tpu.dma_semaphore, #tpu.memory_space<semaphore_mem>>
      %dma_start3A_81 = tpu.memref_slice %arg2[%add3A_57] : memref<4096xi32, #tpu.memory_space<hbm>> -> memref<16xi32, #tpu.memory_space<hbm>>
      %dma_start3A_82 = tpu.memref_slice %arg2[%add3A_57] : memref<4096xi32, #tpu.memory_space<hbm>> -> memref<16xi32, #tpu.memory_space<hbm>>
      tpu.enqueue_dma source(%dma_start3A_82 : memref<16xi32, #tpu.memory_space<hbm>>) target(%arg5 : memref<16xi32, #tpu.memory_space<vmem>>) target_semaphore(%run_scoped3A : memref<!tpu.dma_semaphore, #tpu.memory_space<semaphore_mem>>)
      %dma_wait3A_83 = tpu.memref_slice %arg2[%add3A_57] : memref<4096xi32, #tpu.memory_space<hbm>> -> memref<16xi32, #tpu.memory_space<hbm>>
      %dma_wait3A_84 = tpu.memref_slice %arg2[%add3A_57] : memref<4096xi32, #tpu.memory_space<hbm>> -> memref<16xi32, #tpu.memory_space<hbm>>
      tpu.wait_dma2 semaphore(%run_scoped3A : memref<!tpu.dma_semaphore, #tpu.memory_space<semaphore_mem>>) src(%dma_wait3A_84 : memref<16xi32, #tpu.memory_space<hbm>>) dst(%arg5 : memref<16xi32, #tpu.memory_space<vmem>>)
      tpu.yield
    }) : () -> ()
    %dma_start3A_58 = arith.constant 0 : i32
    %dma_start3A_59 = arith.constant 0 : i32
    %dma_start3A_60 = tpu.memref_slice %arg3[%dma_start3A_58, %dma_start3A_59] : memref<6144x2048xf32, #tpu.memory_space<hbm>> -> memref<6144x2048xf32, #tpu.memory_space<hbm>>
    tpu.enqueue_indirect_dma source(%dma_start3A_60 : memref<6144x2048xf32, #tpu.memory_space<hbm>>) target(%arg7 : memref<16x2048xf32, #tpu.memory_space<vmem>>) offsets(%arg5 : memref<16xi32, #tpu.memory_space<vmem>>) semaphore(%arg9 : memref<!tpu.dma_semaphore, #tpu.memory_space<semaphore_mem>>)
    %dma_wait3A_61 = arith.constant 0 : i32
    %dma_wait3A_62 = arith.constant 0 : i32
    %dma_wait3A_63 = tpu.memref_slice %arg3[%dma_wait3A_61, %dma_wait3A_62] : memref<6144x2048xf32, #tpu.memory_space<hbm>> -> memref<6144x2048xf32, #tpu.memory_space<hbm>>
    tpu.wait_indirect_dma semaphore(%arg10 : memref<!tpu.dma_semaphore, #tpu.memory_space<semaphore_mem>>) src(%dma_wait3A_63 : memref<6144x2048xf32, #tpu.memory_space<hbm>>) dst(%arg8 : memref<16x2048xf32, #tpu.memory_space<vmem>>)
    %add3A_64 = arith.constant 80 : i32
    %add3A_65 = arith.addi %mul3A_2, %add3A_64 : i32
    "tpu.region"() ({
      %run_scoped3A = tpu.sem_alloc : memref<!tpu.dma_semaphore, #tpu.memory_space<semaphore_mem>>
      %dma_start3A_81 = arith.constant 0 : i32
      %dma_start3A_82 = tpu.memref_slice %arg4[%add3A_65, %dma_start3A_81] : memref<4096x2048xf32, #tpu.memory_space<hbm>> -> memref<16x2048xf32, #tpu.memory_space<hbm>>
      %dma_start3A_83 = arith.constant 0 : i32
      %dma_start3A_84 = tpu.memref_slice %arg4[%add3A_65, %dma_start3A_83] : memref<4096x2048xf32, #tpu.memory_space<hbm>> -> memref<16x2048xf32, #tpu.memory_space<hbm>>
      tpu.enqueue_dma source(%arg8 : memref<16x2048xf32, #tpu.memory_space<vmem>>) target(%dma_start3A_84 : memref<16x2048xf32, #tpu.memory_space<hbm>>) target_semaphore(%run_scoped3A : memref<!tpu.dma_semaphore, #tpu.memory_space<semaphore_mem>>)
      %dma_wait3A_85 = arith.constant 0 : i32
      %dma_wait3A_86 = tpu.memref_slice %arg4[%add3A_65, %dma_wait3A_85] : memref<4096x2048xf32, #tpu.memory_space<hbm>> -> memref<16x2048xf32, #tpu.memory_space<hbm>>
      %dma_wait3A_87 = arith.constant 0 : i32
      %dma_wait3A_88 = tpu.memref_slice %arg4[%add3A_65, %dma_wait3A_87] : memref<4096x2048xf32, #tpu.memory_space<hbm>> -> memref<16x2048xf32, #tpu.memory_space<hbm>>
      tpu.wait_dma2 semaphore(%run_scoped3A : memref<!tpu.dma_semaphore, #tpu.memory_space<semaphore_mem>>) src(%arg8 : memref<16x2048xf32, #tpu.memory_space<vmem>>) dst(%dma_wait3A_88 : memref<16x2048xf32, #tpu.memory_space<hbm>>)
      tpu.yield
    }) : () -> ()
    %add3A_66 = arith.constant 112 : i32
    %add3A_67 = arith.addi %mul3A_2, %add3A_66 : i32
    "tpu.region"() ({
      %run_scoped3A = tpu.sem_alloc : memref<!tpu.dma_semaphore, #tpu.memory_space<semaphore_mem>>
      %dma_start3A_81 = tpu.memref_slice %arg2[%add3A_67] : memref<4096xi32, #tpu.memory_space<hbm>> -> memref<16xi32, #tpu.memory_space<hbm>>
      %dma_start3A_82 = tpu.memref_slice %arg2[%add3A_67] : memref<4096xi32, #tpu.memory_space<hbm>> -> memref<16xi32, #tpu.memory_space<hbm>>
      tpu.enqueue_dma source(%dma_start3A_82 : memref<16xi32, #tpu.memory_space<hbm>>) target(%arg6 : memref<16xi32, #tpu.memory_space<vmem>>) target_semaphore(%run_scoped3A : memref<!tpu.dma_semaphore, #tpu.memory_space<semaphore_mem>>)
      %dma_wait3A_83 = tpu.memref_slice %arg2[%add3A_67] : memref<4096xi32, #tpu.memory_space<hbm>> -> memref<16xi32, #tpu.memory_space<hbm>>
      %dma_wait3A_84 = tpu.memref_slice %arg2[%add3A_67] : memref<4096xi32, #tpu.memory_space<hbm>> -> memref<16xi32, #tpu.memory_space<hbm>>
      tpu.wait_dma2 semaphore(%run_scoped3A : memref<!tpu.dma_semaphore, #tpu.memory_space<semaphore_mem>>) src(%dma_wait3A_84 : memref<16xi32, #tpu.memory_space<hbm>>) dst(%arg6 : memref<16xi32, #tpu.memory_space<vmem>>)
      tpu.yield
    }) : () -> ()
    %dma_start3A_68 = arith.constant 0 : i32
    %dma_start3A_69 = arith.constant 0 : i32
    %dma_start3A_70 = tpu.memref_slice %arg3[%dma_start3A_68, %dma_start3A_69] : memref<6144x2048xf32, #tpu.memory_space<hbm>> -> memref<6144x2048xf32, #tpu.memory_space<hbm>>
    tpu.enqueue_indirect_dma source(%dma_start3A_70 : memref<6144x2048xf32, #tpu.memory_space<hbm>>) target(%arg8 : memref<16x2048xf32, #tpu.memory_space<vmem>>) offsets(%arg6 : memref<16xi32, #tpu.memory_space<vmem>>) semaphore(%arg10 : memref<!tpu.dma_semaphore, #tpu.memory_space<semaphore_mem>>)
    %dma_wait3A_71 = arith.constant 0 : i32
    %dma_wait3A_72 = arith.constant 0 : i32
    %dma_wait3A_73 = tpu.memref_slice %arg3[%dma_wait3A_71, %dma_wait3A_72] : memref<6144x2048xf32, #tpu.memory_space<hbm>> -> memref<6144x2048xf32, #tpu.memory_space<hbm>>
    tpu.wait_indirect_dma semaphore(%arg9 : memref<!tpu.dma_semaphore, #tpu.memory_space<semaphore_mem>>) src(%dma_wait3A_73 : memref<6144x2048xf32, #tpu.memory_space<hbm>>) dst(%arg7 : memref<16x2048xf32, #tpu.memory_space<vmem>>)
    %add3A_74 = arith.constant 96 : i32
    %add3A_75 = arith.addi %mul3A_2, %add3A_74 : i32
    "tpu.region"() ({
      %run_scoped3A = tpu.sem_alloc : memref<!tpu.dma_semaphore, #tpu.memory_space<semaphore_mem>>
      %dma_start3A_81 = arith.constant 0 : i32
      %dma_start3A_82 = tpu.memref_slice %arg4[%add3A_75, %dma_start3A_81] : memref<4096x2048xf32, #tpu.memory_space<hbm>> -> memref<16x2048xf32, #tpu.memory_space<hbm>>
      %dma_start3A_83 = arith.constant 0 : i32
      %dma_start3A_84 = tpu.memref_slice %arg4[%add3A_75, %dma_start3A_83] : memref<4096x2048xf32, #tpu.memory_space<hbm>> -> memref<16x2048xf32, #tpu.memory_space<hbm>>
      tpu.enqueue_dma source(%arg7 : memref<16x2048xf32, #tpu.memory_space<vmem>>) target(%dma_start3A_84 : memref<16x2048xf32, #tpu.memory_space<hbm>>) target_semaphore(%run_scoped3A : memref<!tpu.dma_semaphore, #tpu.memory_space<semaphore_mem>>)
      %dma_wait3A_85 = arith.constant 0 : i32
      %dma_wait3A_86 = tpu.memref_slice %arg4[%add3A_75, %dma_wait3A_85] : memref<4096x2048xf32, #tpu.memory_space<hbm>> -> memref<16x2048xf32, #tpu.memory_space<hbm>>
      %dma_wait3A_87 = arith.constant 0 : i32
      %dma_wait3A_88 = tpu.memref_slice %arg4[%add3A_75, %dma_wait3A_87] : memref<4096x2048xf32, #tpu.memory_space<hbm>> -> memref<16x2048xf32, #tpu.memory_space<hbm>>
      tpu.wait_dma2 semaphore(%run_scoped3A : memref<!tpu.dma_semaphore, #tpu.memory_space<semaphore_mem>>) src(%arg7 : memref<16x2048xf32, #tpu.memory_space<vmem>>) dst(%dma_wait3A_88 : memref<16x2048xf32, #tpu.memory_space<hbm>>)
      tpu.yield
    }) : () -> ()
    %dma_wait3A_76 = arith.constant 0 : i32
    %dma_wait3A_77 = arith.constant 0 : i32
    %dma_wait3A_78 = tpu.memref_slice %arg3[%dma_wait3A_76, %dma_wait3A_77] : memref<6144x2048xf32, #tpu.memory_space<hbm>> -> memref<6144x2048xf32, #tpu.memory_space<hbm>>
    tpu.wait_indirect_dma semaphore(%arg10 : memref<!tpu.dma_semaphore, #tpu.memory_space<semaphore_mem>>) src(%dma_wait3A_78 : memref<6144x2048xf32, #tpu.memory_space<hbm>>) dst(%arg8 : memref<16x2048xf32, #tpu.memory_space<vmem>>)
    %add3A_79 = arith.constant 112 : i32
    %add3A_80 = arith.addi %mul3A_2, %add3A_79 : i32
    "tpu.region"() ({
      %run_scoped3A = tpu.sem_alloc : memref<!tpu.dma_semaphore, #tpu.memory_space<semaphore_mem>>
      %dma_start3A_81 = arith.constant 0 : i32
      %dma_start3A_82 = tpu.memref_slice %arg4[%add3A_80, %dma_start3A_81] : memref<4096x2048xf32, #tpu.memory_space<hbm>> -> memref<16x2048xf32, #tpu.memory_space<hbm>>
      %dma_start3A_83 = arith.constant 0 : i32
      %dma_start3A_84 = tpu.memref_slice %arg4[%add3A_80, %dma_start3A_83] : memref<4096x2048xf32, #tpu.memory_space<hbm>> -> memref<16x2048xf32, #tpu.memory_space<hbm>>
      tpu.enqueue_dma source(%arg8 : memref<16x2048xf32, #tpu.memory_space<vmem>>) target(%dma_start3A_84 : memref<16x2048xf32, #tpu.memory_space<hbm>>) target_semaphore(%run_scoped3A : memref<!tpu.dma_semaphore, #tpu.memory_space<semaphore_mem>>)
      %dma_wait3A_85 = arith.constant 0 : i32
      %dma_wait3A_86 = tpu.memref_slice %arg4[%add3A_80, %dma_wait3A_85] : memref<4096x2048xf32, #tpu.memory_space<hbm>> -> memref<16x2048xf32, #tpu.memory_space<hbm>>
      %dma_wait3A_87 = arith.constant 0 : i32
      %dma_wait3A_88 = tpu.memref_slice %arg4[%add3A_80, %dma_wait3A_87] : memref<4096x2048xf32, #tpu.memory_space<hbm>> -> memref<16x2048xf32, #tpu.memory_space<hbm>>
      tpu.wait_dma2 semaphore(%run_scoped3A : memref<!tpu.dma_semaphore, #tpu.memory_space<semaphore_mem>>) src(%arg8 : memref<16x2048xf32, #tpu.memory_space<vmem>>) dst(%dma_wait3A_88 : memref<16x2048xf32, #tpu.memory_space<hbm>>)
      tpu.yield
    }) : () -> ()
    return
  }
}

#map = affine_map<(d0, d1) -> (0)>
#map1 = affine_map<(d0, d1) -> (0, 0)>
module attributes {stable_mosaic.version = 14 : i64} {
  func.func @dispatch_k(%arg0: i32, %arg1: i32, %arg2: memref<6144xi32, #tpu.memory_space<hbm>>, %arg3: memref<2048x1024xi32, #tpu.memory_space<hbm>>, %arg4: memref<6144x1024xi32, #tpu.memory_space<hbm>>, %arg5: memref<32xi32, #tpu.memory_space<vmem>>, %arg6: memref<32xi32, #tpu.memory_space<vmem>>, %arg7: memref<32x1024xi32, #tpu.memory_space<vmem>>, %arg8: memref<32x1024xi32, #tpu.memory_space<vmem>>, %arg9: memref<!tpu.dma_semaphore, #tpu.memory_space<semaphore_mem>>, %arg10: memref<!tpu.dma_semaphore, #tpu.memory_space<semaphore_mem>>) attributes {dimension_semantics = [#tpu.dimension_semantics<core_parallel>, #tpu.dimension_semantics<subcore_parallel>], iteration_bounds = array<i64: 2, 16>, scalar_prefetch = 0 : i64, scratch_operands = 6 : i64, tpu.core_type = #tpu.core_type<sc_vector_subcore>, window_params = [{transform_indices = #map}, {transform_indices = #map1}, {transform_indices = #map1}]} {
    %mul3A = arith.constant 2 : i32
    %mul3A_0 = arith.muli %arg1, %mul3A : i32
    %add3A = arith.addi %mul3A_0, %arg0 : i32
    %mul3A_1 = arith.constant 192 : i32
    %mul3A_2 = arith.muli %add3A, %mul3A_1 : i32
    %add3A_3 = arith.constant 0 : i32
    %add3A_4 = arith.addi %mul3A_2, %add3A_3 : i32
    "tpu.region"() ({
      %run_scoped3A = tpu.sem_alloc : memref<!tpu.dma_semaphore, #tpu.memory_space<semaphore_mem>>
      %dma_start3A_61 = tpu.memref_slice %arg2[%add3A_4] : memref<6144xi32, #tpu.memory_space<hbm>> -> memref<32xi32, #tpu.memory_space<hbm>>
      %dma_start3A_62 = tpu.memref_slice %arg2[%add3A_4] : memref<6144xi32, #tpu.memory_space<hbm>> -> memref<32xi32, #tpu.memory_space<hbm>>
      tpu.enqueue_dma source(%dma_start3A_62 : memref<32xi32, #tpu.memory_space<hbm>>) target(%arg5 : memref<32xi32, #tpu.memory_space<vmem>>) target_semaphore(%run_scoped3A : memref<!tpu.dma_semaphore, #tpu.memory_space<semaphore_mem>>)
      %dma_wait3A_63 = tpu.memref_slice %arg2[%add3A_4] : memref<6144xi32, #tpu.memory_space<hbm>> -> memref<32xi32, #tpu.memory_space<hbm>>
      %dma_wait3A_64 = tpu.memref_slice %arg2[%add3A_4] : memref<6144xi32, #tpu.memory_space<hbm>> -> memref<32xi32, #tpu.memory_space<hbm>>
      tpu.wait_dma2 semaphore(%run_scoped3A : memref<!tpu.dma_semaphore, #tpu.memory_space<semaphore_mem>>) src(%dma_wait3A_64 : memref<32xi32, #tpu.memory_space<hbm>>) dst(%arg5 : memref<32xi32, #tpu.memory_space<vmem>>)
      tpu.yield
    }) : () -> ()
    %dma_start3A = arith.constant 0 : i32
    %dma_start3A_5 = arith.constant 0 : i32
    %dma_start3A_6 = tpu.memref_slice %arg3[%dma_start3A, %dma_start3A_5] : memref<2048x1024xi32, #tpu.memory_space<hbm>> -> memref<2048x1024xi32, #tpu.memory_space<hbm>>
    tpu.enqueue_indirect_dma source(%dma_start3A_6 : memref<2048x1024xi32, #tpu.memory_space<hbm>>) target(%arg7 : memref<32x1024xi32, #tpu.memory_space<vmem>>) offsets(%arg5 : memref<32xi32, #tpu.memory_space<vmem>>) semaphore(%arg9 : memref<!tpu.dma_semaphore, #tpu.memory_space<semaphore_mem>>)
    %add3A_7 = arith.constant 32 : i32
    %add3A_8 = arith.addi %mul3A_2, %add3A_7 : i32
    "tpu.region"() ({
      %run_scoped3A = tpu.sem_alloc : memref<!tpu.dma_semaphore, #tpu.memory_space<semaphore_mem>>
      %dma_start3A_61 = tpu.memref_slice %arg2[%add3A_8] : memref<6144xi32, #tpu.memory_space<hbm>> -> memref<32xi32, #tpu.memory_space<hbm>>
      %dma_start3A_62 = tpu.memref_slice %arg2[%add3A_8] : memref<6144xi32, #tpu.memory_space<hbm>> -> memref<32xi32, #tpu.memory_space<hbm>>
      tpu.enqueue_dma source(%dma_start3A_62 : memref<32xi32, #tpu.memory_space<hbm>>) target(%arg6 : memref<32xi32, #tpu.memory_space<vmem>>) target_semaphore(%run_scoped3A : memref<!tpu.dma_semaphore, #tpu.memory_space<semaphore_mem>>)
      %dma_wait3A_63 = tpu.memref_slice %arg2[%add3A_8] : memref<6144xi32, #tpu.memory_space<hbm>> -> memref<32xi32, #tpu.memory_space<hbm>>
      %dma_wait3A_64 = tpu.memref_slice %arg2[%add3A_8] : memref<6144xi32, #tpu.memory_space<hbm>> -> memref<32xi32, #tpu.memory_space<hbm>>
      tpu.wait_dma2 semaphore(%run_scoped3A : memref<!tpu.dma_semaphore, #tpu.memory_space<semaphore_mem>>) src(%dma_wait3A_64 : memref<32xi32, #tpu.memory_space<hbm>>) dst(%arg6 : memref<32xi32, #tpu.memory_space<vmem>>)
      tpu.yield
    }) : () -> ()
    %dma_start3A_9 = arith.constant 0 : i32
    %dma_start3A_10 = arith.constant 0 : i32
    %dma_start3A_11 = tpu.memref_slice %arg3[%dma_start3A_9, %dma_start3A_10] : memref<2048x1024xi32, #tpu.memory_space<hbm>> -> memref<2048x1024xi32, #tpu.memory_space<hbm>>
    tpu.enqueue_indirect_dma source(%dma_start3A_11 : memref<2048x1024xi32, #tpu.memory_space<hbm>>) target(%arg8 : memref<32x1024xi32, #tpu.memory_space<vmem>>) offsets(%arg6 : memref<32xi32, #tpu.memory_space<vmem>>) semaphore(%arg10 : memref<!tpu.dma_semaphore, #tpu.memory_space<semaphore_mem>>)
    %dma_wait3A = arith.constant 0 : i32
    %dma_wait3A_12 = arith.constant 0 : i32
    %dma_wait3A_13 = tpu.memref_slice %arg3[%dma_wait3A, %dma_wait3A_12] : memref<2048x1024xi32, #tpu.memory_space<hbm>> -> memref<2048x1024xi32, #tpu.memory_space<hbm>>
    tpu.wait_indirect_dma semaphore(%arg9 : memref<!tpu.dma_semaphore, #tpu.memory_space<semaphore_mem>>) src(%dma_wait3A_13 : memref<2048x1024xi32, #tpu.memory_space<hbm>>) dst(%arg7 : memref<32x1024xi32, #tpu.memory_space<vmem>>)
    %add3A_14 = arith.constant 0 : i32
    %add3A_15 = arith.addi %mul3A_2, %add3A_14 : i32
    "tpu.region"() ({
      %run_scoped3A = tpu.sem_alloc : memref<!tpu.dma_semaphore, #tpu.memory_space<semaphore_mem>>
      %dma_start3A_61 = arith.constant 0 : i32
      %dma_start3A_62 = tpu.memref_slice %arg4[%add3A_15, %dma_start3A_61] : memref<6144x1024xi32, #tpu.memory_space<hbm>> -> memref<32x1024xi32, #tpu.memory_space<hbm>>
      %dma_start3A_63 = arith.constant 0 : i32
      %dma_start3A_64 = tpu.memref_slice %arg4[%add3A_15, %dma_start3A_63] : memref<6144x1024xi32, #tpu.memory_space<hbm>> -> memref<32x1024xi32, #tpu.memory_space<hbm>>
      tpu.enqueue_dma source(%arg7 : memref<32x1024xi32, #tpu.memory_space<vmem>>) target(%dma_start3A_64 : memref<32x1024xi32, #tpu.memory_space<hbm>>) target_semaphore(%run_scoped3A : memref<!tpu.dma_semaphore, #tpu.memory_space<semaphore_mem>>)
      %dma_wait3A_65 = arith.constant 0 : i32
      %dma_wait3A_66 = tpu.memref_slice %arg4[%add3A_15, %dma_wait3A_65] : memref<6144x1024xi32, #tpu.memory_space<hbm>> -> memref<32x1024xi32, #tpu.memory_space<hbm>>
      %dma_wait3A_67 = arith.constant 0 : i32
      %dma_wait3A_68 = tpu.memref_slice %arg4[%add3A_15, %dma_wait3A_67] : memref<6144x1024xi32, #tpu.memory_space<hbm>> -> memref<32x1024xi32, #tpu.memory_space<hbm>>
      tpu.wait_dma2 semaphore(%run_scoped3A : memref<!tpu.dma_semaphore, #tpu.memory_space<semaphore_mem>>) src(%arg7 : memref<32x1024xi32, #tpu.memory_space<vmem>>) dst(%dma_wait3A_68 : memref<32x1024xi32, #tpu.memory_space<hbm>>)
      tpu.yield
    }) : () -> ()
    %add3A_16 = arith.constant 64 : i32
    %add3A_17 = arith.addi %mul3A_2, %add3A_16 : i32
    "tpu.region"() ({
      %run_scoped3A = tpu.sem_alloc : memref<!tpu.dma_semaphore, #tpu.memory_space<semaphore_mem>>
      %dma_start3A_61 = tpu.memref_slice %arg2[%add3A_17] : memref<6144xi32, #tpu.memory_space<hbm>> -> memref<32xi32, #tpu.memory_space<hbm>>
      %dma_start3A_62 = tpu.memref_slice %arg2[%add3A_17] : memref<6144xi32, #tpu.memory_space<hbm>> -> memref<32xi32, #tpu.memory_space<hbm>>
      tpu.enqueue_dma source(%dma_start3A_62 : memref<32xi32, #tpu.memory_space<hbm>>) target(%arg5 : memref<32xi32, #tpu.memory_space<vmem>>) target_semaphore(%run_scoped3A : memref<!tpu.dma_semaphore, #tpu.memory_space<semaphore_mem>>)
      %dma_wait3A_63 = tpu.memref_slice %arg2[%add3A_17] : memref<6144xi32, #tpu.memory_space<hbm>> -> memref<32xi32, #tpu.memory_space<hbm>>
      %dma_wait3A_64 = tpu.memref_slice %arg2[%add3A_17] : memref<6144xi32, #tpu.memory_space<hbm>> -> memref<32xi32, #tpu.memory_space<hbm>>
      tpu.wait_dma2 semaphore(%run_scoped3A : memref<!tpu.dma_semaphore, #tpu.memory_space<semaphore_mem>>) src(%dma_wait3A_64 : memref<32xi32, #tpu.memory_space<hbm>>) dst(%arg5 : memref<32xi32, #tpu.memory_space<vmem>>)
      tpu.yield
    }) : () -> ()
    %dma_start3A_18 = arith.constant 0 : i32
    %dma_start3A_19 = arith.constant 0 : i32
    %dma_start3A_20 = tpu.memref_slice %arg3[%dma_start3A_18, %dma_start3A_19] : memref<2048x1024xi32, #tpu.memory_space<hbm>> -> memref<2048x1024xi32, #tpu.memory_space<hbm>>
    tpu.enqueue_indirect_dma source(%dma_start3A_20 : memref<2048x1024xi32, #tpu.memory_space<hbm>>) target(%arg7 : memref<32x1024xi32, #tpu.memory_space<vmem>>) offsets(%arg5 : memref<32xi32, #tpu.memory_space<vmem>>) semaphore(%arg9 : memref<!tpu.dma_semaphore, #tpu.memory_space<semaphore_mem>>)
    %dma_wait3A_21 = arith.constant 0 : i32
    %dma_wait3A_22 = arith.constant 0 : i32
    %dma_wait3A_23 = tpu.memref_slice %arg3[%dma_wait3A_21, %dma_wait3A_22] : memref<2048x1024xi32, #tpu.memory_space<hbm>> -> memref<2048x1024xi32, #tpu.memory_space<hbm>>
    tpu.wait_indirect_dma semaphore(%arg10 : memref<!tpu.dma_semaphore, #tpu.memory_space<semaphore_mem>>) src(%dma_wait3A_23 : memref<2048x1024xi32, #tpu.memory_space<hbm>>) dst(%arg8 : memref<32x1024xi32, #tpu.memory_space<vmem>>)
    %add3A_24 = arith.constant 32 : i32
    %add3A_25 = arith.addi %mul3A_2, %add3A_24 : i32
    "tpu.region"() ({
      %run_scoped3A = tpu.sem_alloc : memref<!tpu.dma_semaphore, #tpu.memory_space<semaphore_mem>>
      %dma_start3A_61 = arith.constant 0 : i32
      %dma_start3A_62 = tpu.memref_slice %arg4[%add3A_25, %dma_start3A_61] : memref<6144x1024xi32, #tpu.memory_space<hbm>> -> memref<32x1024xi32, #tpu.memory_space<hbm>>
      %dma_start3A_63 = arith.constant 0 : i32
      %dma_start3A_64 = tpu.memref_slice %arg4[%add3A_25, %dma_start3A_63] : memref<6144x1024xi32, #tpu.memory_space<hbm>> -> memref<32x1024xi32, #tpu.memory_space<hbm>>
      tpu.enqueue_dma source(%arg8 : memref<32x1024xi32, #tpu.memory_space<vmem>>) target(%dma_start3A_64 : memref<32x1024xi32, #tpu.memory_space<hbm>>) target_semaphore(%run_scoped3A : memref<!tpu.dma_semaphore, #tpu.memory_space<semaphore_mem>>)
      %dma_wait3A_65 = arith.constant 0 : i32
      %dma_wait3A_66 = tpu.memref_slice %arg4[%add3A_25, %dma_wait3A_65] : memref<6144x1024xi32, #tpu.memory_space<hbm>> -> memref<32x1024xi32, #tpu.memory_space<hbm>>
      %dma_wait3A_67 = arith.constant 0 : i32
      %dma_wait3A_68 = tpu.memref_slice %arg4[%add3A_25, %dma_wait3A_67] : memref<6144x1024xi32, #tpu.memory_space<hbm>> -> memref<32x1024xi32, #tpu.memory_space<hbm>>
      tpu.wait_dma2 semaphore(%run_scoped3A : memref<!tpu.dma_semaphore, #tpu.memory_space<semaphore_mem>>) src(%arg8 : memref<32x1024xi32, #tpu.memory_space<vmem>>) dst(%dma_wait3A_68 : memref<32x1024xi32, #tpu.memory_space<hbm>>)
      tpu.yield
    }) : () -> ()
    %add3A_26 = arith.constant 96 : i32
    %add3A_27 = arith.addi %mul3A_2, %add3A_26 : i32
    "tpu.region"() ({
      %run_scoped3A = tpu.sem_alloc : memref<!tpu.dma_semaphore, #tpu.memory_space<semaphore_mem>>
      %dma_start3A_61 = tpu.memref_slice %arg2[%add3A_27] : memref<6144xi32, #tpu.memory_space<hbm>> -> memref<32xi32, #tpu.memory_space<hbm>>
      %dma_start3A_62 = tpu.memref_slice %arg2[%add3A_27] : memref<6144xi32, #tpu.memory_space<hbm>> -> memref<32xi32, #tpu.memory_space<hbm>>
      tpu.enqueue_dma source(%dma_start3A_62 : memref<32xi32, #tpu.memory_space<hbm>>) target(%arg6 : memref<32xi32, #tpu.memory_space<vmem>>) target_semaphore(%run_scoped3A : memref<!tpu.dma_semaphore, #tpu.memory_space<semaphore_mem>>)
      %dma_wait3A_63 = tpu.memref_slice %arg2[%add3A_27] : memref<6144xi32, #tpu.memory_space<hbm>> -> memref<32xi32, #tpu.memory_space<hbm>>
      %dma_wait3A_64 = tpu.memref_slice %arg2[%add3A_27] : memref<6144xi32, #tpu.memory_space<hbm>> -> memref<32xi32, #tpu.memory_space<hbm>>
      tpu.wait_dma2 semaphore(%run_scoped3A : memref<!tpu.dma_semaphore, #tpu.memory_space<semaphore_mem>>) src(%dma_wait3A_64 : memref<32xi32, #tpu.memory_space<hbm>>) dst(%arg6 : memref<32xi32, #tpu.memory_space<vmem>>)
      tpu.yield
    }) : () -> ()
    %dma_start3A_28 = arith.constant 0 : i32
    %dma_start3A_29 = arith.constant 0 : i32
    %dma_start3A_30 = tpu.memref_slice %arg3[%dma_start3A_28, %dma_start3A_29] : memref<2048x1024xi32, #tpu.memory_space<hbm>> -> memref<2048x1024xi32, #tpu.memory_space<hbm>>
    tpu.enqueue_indirect_dma source(%dma_start3A_30 : memref<2048x1024xi32, #tpu.memory_space<hbm>>) target(%arg8 : memref<32x1024xi32, #tpu.memory_space<vmem>>) offsets(%arg6 : memref<32xi32, #tpu.memory_space<vmem>>) semaphore(%arg10 : memref<!tpu.dma_semaphore, #tpu.memory_space<semaphore_mem>>)
    %dma_wait3A_31 = arith.constant 0 : i32
    %dma_wait3A_32 = arith.constant 0 : i32
    %dma_wait3A_33 = tpu.memref_slice %arg3[%dma_wait3A_31, %dma_wait3A_32] : memref<2048x1024xi32, #tpu.memory_space<hbm>> -> memref<2048x1024xi32, #tpu.memory_space<hbm>>
    tpu.wait_indirect_dma semaphore(%arg9 : memref<!tpu.dma_semaphore, #tpu.memory_space<semaphore_mem>>) src(%dma_wait3A_33 : memref<2048x1024xi32, #tpu.memory_space<hbm>>) dst(%arg7 : memref<32x1024xi32, #tpu.memory_space<vmem>>)
    %add3A_34 = arith.constant 64 : i32
    %add3A_35 = arith.addi %mul3A_2, %add3A_34 : i32
    "tpu.region"() ({
      %run_scoped3A = tpu.sem_alloc : memref<!tpu.dma_semaphore, #tpu.memory_space<semaphore_mem>>
      %dma_start3A_61 = arith.constant 0 : i32
      %dma_start3A_62 = tpu.memref_slice %arg4[%add3A_35, %dma_start3A_61] : memref<6144x1024xi32, #tpu.memory_space<hbm>> -> memref<32x1024xi32, #tpu.memory_space<hbm>>
      %dma_start3A_63 = arith.constant 0 : i32
      %dma_start3A_64 = tpu.memref_slice %arg4[%add3A_35, %dma_start3A_63] : memref<6144x1024xi32, #tpu.memory_space<hbm>> -> memref<32x1024xi32, #tpu.memory_space<hbm>>
      tpu.enqueue_dma source(%arg7 : memref<32x1024xi32, #tpu.memory_space<vmem>>) target(%dma_start3A_64 : memref<32x1024xi32, #tpu.memory_space<hbm>>) target_semaphore(%run_scoped3A : memref<!tpu.dma_semaphore, #tpu.memory_space<semaphore_mem>>)
      %dma_wait3A_65 = arith.constant 0 : i32
      %dma_wait3A_66 = tpu.memref_slice %arg4[%add3A_35, %dma_wait3A_65] : memref<6144x1024xi32, #tpu.memory_space<hbm>> -> memref<32x1024xi32, #tpu.memory_space<hbm>>
      %dma_wait3A_67 = arith.constant 0 : i32
      %dma_wait3A_68 = tpu.memref_slice %arg4[%add3A_35, %dma_wait3A_67] : memref<6144x1024xi32, #tpu.memory_space<hbm>> -> memref<32x1024xi32, #tpu.memory_space<hbm>>
      tpu.wait_dma2 semaphore(%run_scoped3A : memref<!tpu.dma_semaphore, #tpu.memory_space<semaphore_mem>>) src(%arg7 : memref<32x1024xi32, #tpu.memory_space<vmem>>) dst(%dma_wait3A_68 : memref<32x1024xi32, #tpu.memory_space<hbm>>)
      tpu.yield
    }) : () -> ()
    %add3A_36 = arith.constant 128 : i32
    %add3A_37 = arith.addi %mul3A_2, %add3A_36 : i32
    "tpu.region"() ({
      %run_scoped3A = tpu.sem_alloc : memref<!tpu.dma_semaphore, #tpu.memory_space<semaphore_mem>>
      %dma_start3A_61 = tpu.memref_slice %arg2[%add3A_37] : memref<6144xi32, #tpu.memory_space<hbm>> -> memref<32xi32, #tpu.memory_space<hbm>>
      %dma_start3A_62 = tpu.memref_slice %arg2[%add3A_37] : memref<6144xi32, #tpu.memory_space<hbm>> -> memref<32xi32, #tpu.memory_space<hbm>>
      tpu.enqueue_dma source(%dma_start3A_62 : memref<32xi32, #tpu.memory_space<hbm>>) target(%arg5 : memref<32xi32, #tpu.memory_space<vmem>>) target_semaphore(%run_scoped3A : memref<!tpu.dma_semaphore, #tpu.memory_space<semaphore_mem>>)
      %dma_wait3A_63 = tpu.memref_slice %arg2[%add3A_37] : memref<6144xi32, #tpu.memory_space<hbm>> -> memref<32xi32, #tpu.memory_space<hbm>>
      %dma_wait3A_64 = tpu.memref_slice %arg2[%add3A_37] : memref<6144xi32, #tpu.memory_space<hbm>> -> memref<32xi32, #tpu.memory_space<hbm>>
      tpu.wait_dma2 semaphore(%run_scoped3A : memref<!tpu.dma_semaphore, #tpu.memory_space<semaphore_mem>>) src(%dma_wait3A_64 : memref<32xi32, #tpu.memory_space<hbm>>) dst(%arg5 : memref<32xi32, #tpu.memory_space<vmem>>)
      tpu.yield
    }) : () -> ()
    %dma_start3A_38 = arith.constant 0 : i32
    %dma_start3A_39 = arith.constant 0 : i32
    %dma_start3A_40 = tpu.memref_slice %arg3[%dma_start3A_38, %dma_start3A_39] : memref<2048x1024xi32, #tpu.memory_space<hbm>> -> memref<2048x1024xi32, #tpu.memory_space<hbm>>
    tpu.enqueue_indirect_dma source(%dma_start3A_40 : memref<2048x1024xi32, #tpu.memory_space<hbm>>) target(%arg7 : memref<32x1024xi32, #tpu.memory_space<vmem>>) offsets(%arg5 : memref<32xi32, #tpu.memory_space<vmem>>) semaphore(%arg9 : memref<!tpu.dma_semaphore, #tpu.memory_space<semaphore_mem>>)
    %dma_wait3A_41 = arith.constant 0 : i32
    %dma_wait3A_42 = arith.constant 0 : i32
    %dma_wait3A_43 = tpu.memref_slice %arg3[%dma_wait3A_41, %dma_wait3A_42] : memref<2048x1024xi32, #tpu.memory_space<hbm>> -> memref<2048x1024xi32, #tpu.memory_space<hbm>>
    tpu.wait_indirect_dma semaphore(%arg10 : memref<!tpu.dma_semaphore, #tpu.memory_space<semaphore_mem>>) src(%dma_wait3A_43 : memref<2048x1024xi32, #tpu.memory_space<hbm>>) dst(%arg8 : memref<32x1024xi32, #tpu.memory_space<vmem>>)
    %add3A_44 = arith.constant 96 : i32
    %add3A_45 = arith.addi %mul3A_2, %add3A_44 : i32
    "tpu.region"() ({
      %run_scoped3A = tpu.sem_alloc : memref<!tpu.dma_semaphore, #tpu.memory_space<semaphore_mem>>
      %dma_start3A_61 = arith.constant 0 : i32
      %dma_start3A_62 = tpu.memref_slice %arg4[%add3A_45, %dma_start3A_61] : memref<6144x1024xi32, #tpu.memory_space<hbm>> -> memref<32x1024xi32, #tpu.memory_space<hbm>>
      %dma_start3A_63 = arith.constant 0 : i32
      %dma_start3A_64 = tpu.memref_slice %arg4[%add3A_45, %dma_start3A_63] : memref<6144x1024xi32, #tpu.memory_space<hbm>> -> memref<32x1024xi32, #tpu.memory_space<hbm>>
      tpu.enqueue_dma source(%arg8 : memref<32x1024xi32, #tpu.memory_space<vmem>>) target(%dma_start3A_64 : memref<32x1024xi32, #tpu.memory_space<hbm>>) target_semaphore(%run_scoped3A : memref<!tpu.dma_semaphore, #tpu.memory_space<semaphore_mem>>)
      %dma_wait3A_65 = arith.constant 0 : i32
      %dma_wait3A_66 = tpu.memref_slice %arg4[%add3A_45, %dma_wait3A_65] : memref<6144x1024xi32, #tpu.memory_space<hbm>> -> memref<32x1024xi32, #tpu.memory_space<hbm>>
      %dma_wait3A_67 = arith.constant 0 : i32
      %dma_wait3A_68 = tpu.memref_slice %arg4[%add3A_45, %dma_wait3A_67] : memref<6144x1024xi32, #tpu.memory_space<hbm>> -> memref<32x1024xi32, #tpu.memory_space<hbm>>
      tpu.wait_dma2 semaphore(%run_scoped3A : memref<!tpu.dma_semaphore, #tpu.memory_space<semaphore_mem>>) src(%arg8 : memref<32x1024xi32, #tpu.memory_space<vmem>>) dst(%dma_wait3A_68 : memref<32x1024xi32, #tpu.memory_space<hbm>>)
      tpu.yield
    }) : () -> ()
    %add3A_46 = arith.constant 160 : i32
    %add3A_47 = arith.addi %mul3A_2, %add3A_46 : i32
    "tpu.region"() ({
      %run_scoped3A = tpu.sem_alloc : memref<!tpu.dma_semaphore, #tpu.memory_space<semaphore_mem>>
      %dma_start3A_61 = tpu.memref_slice %arg2[%add3A_47] : memref<6144xi32, #tpu.memory_space<hbm>> -> memref<32xi32, #tpu.memory_space<hbm>>
      %dma_start3A_62 = tpu.memref_slice %arg2[%add3A_47] : memref<6144xi32, #tpu.memory_space<hbm>> -> memref<32xi32, #tpu.memory_space<hbm>>
      tpu.enqueue_dma source(%dma_start3A_62 : memref<32xi32, #tpu.memory_space<hbm>>) target(%arg6 : memref<32xi32, #tpu.memory_space<vmem>>) target_semaphore(%run_scoped3A : memref<!tpu.dma_semaphore, #tpu.memory_space<semaphore_mem>>)
      %dma_wait3A_63 = tpu.memref_slice %arg2[%add3A_47] : memref<6144xi32, #tpu.memory_space<hbm>> -> memref<32xi32, #tpu.memory_space<hbm>>
      %dma_wait3A_64 = tpu.memref_slice %arg2[%add3A_47] : memref<6144xi32, #tpu.memory_space<hbm>> -> memref<32xi32, #tpu.memory_space<hbm>>
      tpu.wait_dma2 semaphore(%run_scoped3A : memref<!tpu.dma_semaphore, #tpu.memory_space<semaphore_mem>>) src(%dma_wait3A_64 : memref<32xi32, #tpu.memory_space<hbm>>) dst(%arg6 : memref<32xi32, #tpu.memory_space<vmem>>)
      tpu.yield
    }) : () -> ()
    %dma_start3A_48 = arith.constant 0 : i32
    %dma_start3A_49 = arith.constant 0 : i32
    %dma_start3A_50 = tpu.memref_slice %arg3[%dma_start3A_48, %dma_start3A_49] : memref<2048x1024xi32, #tpu.memory_space<hbm>> -> memref<2048x1024xi32, #tpu.memory_space<hbm>>
    tpu.enqueue_indirect_dma source(%dma_start3A_50 : memref<2048x1024xi32, #tpu.memory_space<hbm>>) target(%arg8 : memref<32x1024xi32, #tpu.memory_space<vmem>>) offsets(%arg6 : memref<32xi32, #tpu.memory_space<vmem>>) semaphore(%arg10 : memref<!tpu.dma_semaphore, #tpu.memory_space<semaphore_mem>>)
    %dma_wait3A_51 = arith.constant 0 : i32
    %dma_wait3A_52 = arith.constant 0 : i32
    %dma_wait3A_53 = tpu.memref_slice %arg3[%dma_wait3A_51, %dma_wait3A_52] : memref<2048x1024xi32, #tpu.memory_space<hbm>> -> memref<2048x1024xi32, #tpu.memory_space<hbm>>
    tpu.wait_indirect_dma semaphore(%arg9 : memref<!tpu.dma_semaphore, #tpu.memory_space<semaphore_mem>>) src(%dma_wait3A_53 : memref<2048x1024xi32, #tpu.memory_space<hbm>>) dst(%arg7 : memref<32x1024xi32, #tpu.memory_space<vmem>>)
    %add3A_54 = arith.constant 128 : i32
    %add3A_55 = arith.addi %mul3A_2, %add3A_54 : i32
    "tpu.region"() ({
      %run_scoped3A = tpu.sem_alloc : memref<!tpu.dma_semaphore, #tpu.memory_space<semaphore_mem>>
      %dma_start3A_61 = arith.constant 0 : i32
      %dma_start3A_62 = tpu.memref_slice %arg4[%add3A_55, %dma_start3A_61] : memref<6144x1024xi32, #tpu.memory_space<hbm>> -> memref<32x1024xi32, #tpu.memory_space<hbm>>
      %dma_start3A_63 = arith.constant 0 : i32
      %dma_start3A_64 = tpu.memref_slice %arg4[%add3A_55, %dma_start3A_63] : memref<6144x1024xi32, #tpu.memory_space<hbm>> -> memref<32x1024xi32, #tpu.memory_space<hbm>>
      tpu.enqueue_dma source(%arg7 : memref<32x1024xi32, #tpu.memory_space<vmem>>) target(%dma_start3A_64 : memref<32x1024xi32, #tpu.memory_space<hbm>>) target_semaphore(%run_scoped3A : memref<!tpu.dma_semaphore, #tpu.memory_space<semaphore_mem>>)
      %dma_wait3A_65 = arith.constant 0 : i32
      %dma_wait3A_66 = tpu.memref_slice %arg4[%add3A_55, %dma_wait3A_65] : memref<6144x1024xi32, #tpu.memory_space<hbm>> -> memref<32x1024xi32, #tpu.memory_space<hbm>>
      %dma_wait3A_67 = arith.constant 0 : i32
      %dma_wait3A_68 = tpu.memref_slice %arg4[%add3A_55, %dma_wait3A_67] : memref<6144x1024xi32, #tpu.memory_space<hbm>> -> memref<32x1024xi32, #tpu.memory_space<hbm>>
      tpu.wait_dma2 semaphore(%run_scoped3A : memref<!tpu.dma_semaphore, #tpu.memory_space<semaphore_mem>>) src(%arg7 : memref<32x1024xi32, #tpu.memory_space<vmem>>) dst(%dma_wait3A_68 : memref<32x1024xi32, #tpu.memory_space<hbm>>)
      tpu.yield
    }) : () -> ()
    %dma_wait3A_56 = arith.constant 0 : i32
    %dma_wait3A_57 = arith.constant 0 : i32
    %dma_wait3A_58 = tpu.memref_slice %arg3[%dma_wait3A_56, %dma_wait3A_57] : memref<2048x1024xi32, #tpu.memory_space<hbm>> -> memref<2048x1024xi32, #tpu.memory_space<hbm>>
    tpu.wait_indirect_dma semaphore(%arg10 : memref<!tpu.dma_semaphore, #tpu.memory_space<semaphore_mem>>) src(%dma_wait3A_58 : memref<2048x1024xi32, #tpu.memory_space<hbm>>) dst(%arg8 : memref<32x1024xi32, #tpu.memory_space<vmem>>)
    %add3A_59 = arith.constant 160 : i32
    %add3A_60 = arith.addi %mul3A_2, %add3A_59 : i32
    "tpu.region"() ({
      %run_scoped3A = tpu.sem_alloc : memref<!tpu.dma_semaphore, #tpu.memory_space<semaphore_mem>>
      %dma_start3A_61 = arith.constant 0 : i32
      %dma_start3A_62 = tpu.memref_slice %arg4[%add3A_60, %dma_start3A_61] : memref<6144x1024xi32, #tpu.memory_space<hbm>> -> memref<32x1024xi32, #tpu.memory_space<hbm>>
      %dma_start3A_63 = arith.constant 0 : i32
      %dma_start3A_64 = tpu.memref_slice %arg4[%add3A_60, %dma_start3A_63] : memref<6144x1024xi32, #tpu.memory_space<hbm>> -> memref<32x1024xi32, #tpu.memory_space<hbm>>
      tpu.enqueue_dma source(%arg8 : memref<32x1024xi32, #tpu.memory_space<vmem>>) target(%dma_start3A_64 : memref<32x1024xi32, #tpu.memory_space<hbm>>) target_semaphore(%run_scoped3A : memref<!tpu.dma_semaphore, #tpu.memory_space<semaphore_mem>>)
      %dma_wait3A_65 = arith.constant 0 : i32
      %dma_wait3A_66 = tpu.memref_slice %arg4[%add3A_60, %dma_wait3A_65] : memref<6144x1024xi32, #tpu.memory_space<hbm>> -> memref<32x1024xi32, #tpu.memory_space<hbm>>
      %dma_wait3A_67 = arith.constant 0 : i32
      %dma_wait3A_68 = tpu.memref_slice %arg4[%add3A_60, %dma_wait3A_67] : memref<6144x1024xi32, #tpu.memory_space<hbm>> -> memref<32x1024xi32, #tpu.memory_space<hbm>>
      tpu.wait_dma2 semaphore(%run_scoped3A : memref<!tpu.dma_semaphore, #tpu.memory_space<semaphore_mem>>) src(%arg8 : memref<32x1024xi32, #tpu.memory_space<vmem>>) dst(%dma_wait3A_68 : memref<32x1024xi32, #tpu.memory_space<hbm>>)
      tpu.yield
    }) : () -> ()
    return
  }
}

module attributes {stable_mosaic.version = 14 : i64} {
  func.func @_router_body(%arg0: i32, %arg1: memref<2048x2048xf32, #tpu.memory_space<vmem>>, %arg2: memref<2048x8xf32, #tpu.memory_space<vmem>>, %arg3: memref<2048x1xf32, #tpu.memory_space<vmem>>, %arg4: memref<2048x2xi32, #tpu.memory_space<vmem>>, %arg5: memref<2048x2xf32, #tpu.memory_space<vmem>>, %arg6: memref<2048x1xf32, #tpu.memory_space<vmem>>, %arg7: memref<1x32xi32, #tpu.memory_space<vmem>>, %arg8: memref<1x6144xi32, #tpu.memory_space<vmem>>) attributes {dimension_semantics = [#tpu.dimension_semantics<arbitrary>], iteration_bounds = array<i64: 1>, scalar_prefetch = 0 : i64, scratch_operands = 0 : i64, tpu.core_type = #tpu.core_type<tc>, window_params = [{pipeline_mode = #tpu.pipeline_mode<synchronous>, transform_indices = @transform_0, window_bounds = array<i64: 2048, 2048>}, {pipeline_mode = #tpu.pipeline_mode<synchronous>, transform_indices = @transform_1, window_bounds = array<i64: 2048, 8>}, {pipeline_mode = #tpu.pipeline_mode<synchronous>, transform_indices = @transform_2, window_bounds = array<i64: 2048, 1>}, {pipeline_mode = #tpu.pipeline_mode<synchronous>, transform_indices = @transform_3, window_bounds = array<i64: 2048, 2>}, {pipeline_mode = #tpu.pipeline_mode<synchronous>, transform_indices = @transform_4, window_bounds = array<i64: 2048, 2>}, {pipeline_mode = #tpu.pipeline_mode<synchronous>, transform_indices = @transform_5, window_bounds = array<i64: 2048, 1>}, {pipeline_mode = #tpu.pipeline_mode<synchronous>, transform_indices = @transform_6, window_bounds = array<i64: 1, 32>}, {pipeline_mode = #tpu.pipeline_mode<synchronous>, transform_indices = @transform_7, window_bounds = array<i64: 1, 6144>}]} {
    %get3A = arith.constant 0 : index
    %get3A_0 = arith.constant 0 : index
    %get3A_1 = vector.load %arg1[%get3A, %get3A_0] : memref<2048x2048xf32, #tpu.memory_space<vmem>>, vector<2048x2048xf32>
    %get3A_2 = arith.constant 0 : index
    %get3A_3 = arith.constant 0 : index
    %get3A_4 = vector.load %arg2[%get3A_2, %get3A_3] : memref<2048x8xf32, #tpu.memory_space<vmem>>, vector<2048x8xf32>
    %dot_general3A = arith.constant dense<0.000000e+00> : vector<2048x8xf32>
    %dot_general3A_5 = tpu.matmul %get3A_1, %get3A_4, %dot_general3A {dimension_numbers = #tpu.dot_dimension_numbers<[1], [0], [0], [1], [0, 0, 1, 1], [], []>, transpose_lhs_hint = false} : vector<2048x2048xf32>, vector<2048x8xf32>, vector<2048x8xf32> -> vector<2048x8xf32>
    %iota3A = tpu.iota {dimensions = array<i32: 1>} : vector<2048x8xi32>
    %reduce_max3A = arith.constant dense<0xFF800000> : vector<2048xf32>
    %reduce_max3A_6 = vector.multi_reduction <maximumf>, %dot_general3A_5, %reduce_max3A [1] : vector<2048x8xf32> to vector<2048xf32>
    %broadcast_in_dim3A = vector.shape_cast %reduce_max3A_6 : vector<2048xf32> to vector<2048x1xf32>
    %eq3A = vector.broadcast %broadcast_in_dim3A : vector<2048x1xf32> to vector<2048x8xf32>
    %eq3A_7 = arith.cmpf oeq, %dot_general3A_5, %eq3A : vector<2048x8xf32>
    %jit3A = arith.constant 8 : i32
    %broadcast_in_dim3A_8 = vector.broadcast %jit3A : i32 to vector<2048x8xi32>
    %select_n3A = arith.select %eq3A_7, %iota3A, %broadcast_in_dim3A_8 : vector<2048x8xi1>, vector<2048x8xi32>
    %reduce_min3A = arith.constant dense<2147483647> : vector<2048xi32>
    %reduce_min3A_9 = vector.multi_reduction <minsi>, %select_n3A, %reduce_min3A [1] : vector<2048x8xi32> to vector<2048xi32>
    %broadcast_in_dim3A_10 = vector.shape_cast %reduce_min3A_9 : vector<2048xi32> to vector<2048x1xi32>
    %eq3A_11 = vector.broadcast %broadcast_in_dim3A_10 : vector<2048x1xi32> to vector<2048x8xi32>
    %eq3A_12 = arith.cmpi eq, %iota3A, %eq3A_11 : vector<2048x8xi32>
    %jit3A_13 = arith.constant 0xFF800000 : f32
    %broadcast_in_dim3A_14 = vector.broadcast %jit3A_13 : f32 to vector<2048x8xf32>
    %select_n3A_15 = arith.select %eq3A_12, %broadcast_in_dim3A_14, %dot_general3A_5 : vector<2048x8xi1>, vector<2048x8xf32>
    %reduce_max3A_16 = arith.constant dense<0xFF800000> : vector<2048xf32>
    %reduce_max3A_17 = vector.multi_reduction <maximumf>, %select_n3A_15, %reduce_max3A_16 [1] : vector<2048x8xf32> to vector<2048xf32>
    %broadcast_in_dim3A_18 = vector.shape_cast %reduce_max3A_17 : vector<2048xf32> to vector<2048x1xf32>
    %eq3A_19 = vector.broadcast %broadcast_in_dim3A_18 : vector<2048x1xf32> to vector<2048x8xf32>
    %eq3A_20 = arith.cmpf oeq, %select_n3A_15, %eq3A_19 : vector<2048x8xf32>
    %jit3A_21 = arith.constant 8 : i32
    %broadcast_in_dim3A_22 = vector.broadcast %jit3A_21 : i32 to vector<2048x8xi32>
    %select_n3A_23 = arith.select %eq3A_20, %iota3A, %broadcast_in_dim3A_22 : vector<2048x8xi1>, vector<2048x8xi32>
    %reduce_min3A_24 = arith.constant dense<2147483647> : vector<2048xi32>
    %reduce_min3A_25 = vector.multi_reduction <minsi>, %select_n3A_23, %reduce_min3A_24 [1] : vector<2048x8xi32> to vector<2048xi32>
    %broadcast_in_dim3A_26 = vector.shape_cast %reduce_min3A_25 : vector<2048xi32> to vector<2048x1xi32>
    %sub3A = arith.subf %broadcast_in_dim3A, %broadcast_in_dim3A_18 : vector<2048x1xf32>
    %logistic3A = arith.negf %sub3A : vector<2048x1xf32>
    %logistic3A_27 = math.exp %logistic3A : vector<2048x1xf32>
    %logistic3A_28 = arith.constant 1.000000e+00 : f32
    %logistic3A_29 = vector.broadcast %logistic3A_28 : f32 to vector<2048x1xf32>
    %logistic3A_30 = arith.addf %logistic3A_29, %logistic3A_27 : vector<2048x1xf32>
    %logistic3A_31 = arith.divf %logistic3A_29, %logistic3A_30 : vector<2048x1xf32>
    %sub3A_32 = arith.constant 1.000000e+00 : f32
    %sub3A_33 = vector.broadcast %sub3A_32 : f32 to vector<2048x1xf32>
    %sub3A_34 = arith.subf %sub3A_33, %logistic3A_31 : vector<2048x1xf32>
    %concatenate3A = tpu.concatenate %logistic3A_31, %sub3A_34 in 1 : vector<2048x1xf32>, vector<2048x1xf32> -> vector<2048x2xf32>
    %swap3A = arith.constant 0 : index
    %swap3A_35 = arith.constant 0 : index
    %swap3A_36 = vector.load %arg5[%swap3A, %swap3A_35] : memref<2048x2xf32, #tpu.memory_space<vmem>>, vector<2048x2xf32>
    tpu.vector_store %arg5[%swap3A, %swap3A_35], %concatenate3A {strides = array<i32>} : memref<2048x2xf32, #tpu.memory_space<vmem>>, vector<2048x2xf32>,
    %eq3A_37 = vector.broadcast %broadcast_in_dim3A_10 : vector<2048x1xi32> to vector<2048x8xi32>
    %eq3A_38 = arith.cmpi eq, %iota3A, %eq3A_37 : vector<2048x8xi32>
    %eq3A_39 = vector.broadcast %broadcast_in_dim3A_26 : vector<2048x1xi32> to vector<2048x8xi32>
    %eq3A_40 = arith.cmpi eq, %iota3A, %eq3A_39 : vector<2048x8xi32>
    %or3A = arith.ori %eq3A_38, %eq3A_40 : vector<2048x8xi1>
    %convert_element_type3A = arith.extui %or3A : vector<2048x8xi1> to vector<2048x8xi32>
    %convert_element_type3A_41 = arith.sitofp %convert_element_type3A : vector<2048x8xi32> to vector<2048x8xf32>
    %iota3A_42 = tpu.iota {dimensions = array<i32: 0>} : vector<256x256xi32>
    %iota3A_43 = tpu.iota {dimensions = array<i32: 1>} : vector<256x256xi32>
    %lt3A = arith.cmpi slt, %iota3A_43, %iota3A_42 : vector<256x256xi32>
    %convert_element_type3A_44 = arith.extui %lt3A : vector<256x256xi1> to vector<256x256xi32>
    %convert_element_type3A_45 = arith.sitofp %convert_element_type3A_44 : vector<256x256xi32> to vector<256x256xf32>
    %slice3A = vector.extract_strided_slice %convert_element_type3A_41 {offsets = [0, 0], sizes = [256, 8], strides = [1, 1]} : vector<2048x8xf32> to vector<256x8xf32>
    %dot_general3A_46 = arith.constant dense<0.000000e+00> : vector<256x8xf32>
    %dot_general3A_47 = tpu.matmul %convert_element_type3A_45, %slice3A, %dot_general3A_46 {dimension_numbers = #tpu.dot_dimension_numbers<[1], [0], [0], [1], [0, 0, 1, 1], [], []>, transpose_lhs_hint = false} : vector<256x256xf32>, vector<256x8xf32>, vector<256x8xf32> -> vector<256x8xf32>
    %reduce_sum3A = arith.constant dense<0.000000e+00> : vector<8xf32>
    %reduce_sum3A_48 = vector.multi_reduction <add>, %slice3A, %reduce_sum3A [0] : vector<256x8xf32> to vector<8xf32>
    %broadcast_in_dim3A_49 = vector.shape_cast %reduce_sum3A_48 : vector<8xf32> to vector<1x8xf32>
    %slice3A_50 = vector.extract_strided_slice %convert_element_type3A_41 {offsets = [256, 0], sizes = [256, 8], strides = [1, 1]} : vector<2048x8xf32> to vector<256x8xf32>
    %dot_general3A_51 = arith.constant dense<0.000000e+00> : vector<256x8xf32>
    %dot_general3A_52 = tpu.matmul %convert_element_type3A_45, %slice3A_50, %dot_general3A_51 {dimension_numbers = #tpu.dot_dimension_numbers<[1], [0], [0], [1], [0, 0, 1, 1], [], []>, transpose_lhs_hint = false} : vector<256x256xf32>, vector<256x8xf32>, vector<256x8xf32> -> vector<256x8xf32>
    %reduce_sum3A_53 = arith.constant dense<0.000000e+00> : vector<8xf32>
    %reduce_sum3A_54 = vector.multi_reduction <add>, %slice3A_50, %reduce_sum3A_53 [0] : vector<256x8xf32> to vector<8xf32>
    %broadcast_in_dim3A_55 = vector.shape_cast %reduce_sum3A_54 : vector<8xf32> to vector<1x8xf32>
    %slice3A_56 = vector.extract_strided_slice %convert_element_type3A_41 {offsets = [512, 0], sizes = [256, 8], strides = [1, 1]} : vector<2048x8xf32> to vector<256x8xf32>
    %dot_general3A_57 = arith.constant dense<0.000000e+00> : vector<256x8xf32>
    %dot_general3A_58 = tpu.matmul %convert_element_type3A_45, %slice3A_56, %dot_general3A_57 {dimension_numbers = #tpu.dot_dimension_numbers<[1], [0], [0], [1], [0, 0, 1, 1], [], []>, transpose_lhs_hint = false} : vector<256x256xf32>, vector<256x8xf32>, vector<256x8xf32> -> vector<256x8xf32>
    %reduce_sum3A_59 = arith.constant dense<0.000000e+00> : vector<8xf32>
    %reduce_sum3A_60 = vector.multi_reduction <add>, %slice3A_56, %reduce_sum3A_59 [0] : vector<256x8xf32> to vector<8xf32>
    %broadcast_in_dim3A_61 = vector.shape_cast %reduce_sum3A_60 : vector<8xf32> to vector<1x8xf32>
    %slice3A_62 = vector.extract_strided_slice %convert_element_type3A_41 {offsets = [768, 0], sizes = [256, 8], strides = [1, 1]} : vector<2048x8xf32> to vector<256x8xf32>
    %dot_general3A_63 = arith.constant dense<0.000000e+00> : vector<256x8xf32>
    %dot_general3A_64 = tpu.matmul %convert_element_type3A_45, %slice3A_62, %dot_general3A_63 {dimension_numbers = #tpu.dot_dimension_numbers<[1], [0], [0], [1], [0, 0, 1, 1], [], []>, transpose_lhs_hint = false} : vector<256x256xf32>, vector<256x8xf32>, vector<256x8xf32> -> vector<256x8xf32>
    %reduce_sum3A_65 = arith.constant dense<0.000000e+00> : vector<8xf32>
    %reduce_sum3A_66 = vector.multi_reduction <add>, %slice3A_62, %reduce_sum3A_65 [0] : vector<256x8xf32> to vector<8xf32>
    %broadcast_in_dim3A_67 = vector.shape_cast %reduce_sum3A_66 : vector<8xf32> to vector<1x8xf32>
    %slice3A_68 = vector.extract_strided_slice %convert_element_type3A_41 {offsets = [1024, 0], sizes = [256, 8], strides = [1, 1]} : vector<2048x8xf32> to vector<256x8xf32>
    %dot_general3A_69 = arith.constant dense<0.000000e+00> : vector<256x8xf32>
    %dot_general3A_70 = tpu.matmul %convert_element_type3A_45, %slice3A_68, %dot_general3A_69 {dimension_numbers = #tpu.dot_dimension_numbers<[1], [0], [0], [1], [0, 0, 1, 1], [], []>, transpose_lhs_hint = false} : vector<256x256xf32>, vector<256x8xf32>, vector<256x8xf32> -> vector<256x8xf32>
    %reduce_sum3A_71 = arith.constant dense<0.000000e+00> : vector<8xf32>
    %reduce_sum3A_72 = vector.multi_reduction <add>, %slice3A_68, %reduce_sum3A_71 [0] : vector<256x8xf32> to vector<8xf32>
    %broadcast_in_dim3A_73 = vector.shape_cast %reduce_sum3A_72 : vector<8xf32> to vector<1x8xf32>
    %slice3A_74 = vector.extract_strided_slice %convert_element_type3A_41 {offsets = [1280, 0], sizes = [256, 8], strides = [1, 1]} : vector<2048x8xf32> to vector<256x8xf32>
    %dot_general3A_75 = arith.constant dense<0.000000e+00> : vector<256x8xf32>
    %dot_general3A_76 = tpu.matmul %convert_element_type3A_45, %slice3A_74, %dot_general3A_75 {dimension_numbers = #tpu.dot_dimension_numbers<[1], [0], [0], [1], [0, 0, 1, 1], [], []>, transpose_lhs_hint = false} : vector<256x256xf32>, vector<256x8xf32>, vector<256x8xf32> -> vector<256x8xf32>
    %reduce_sum3A_77 = arith.constant dense<0.000000e+00> : vector<8xf32>
    %reduce_sum3A_78 = vector.multi_reduction <add>, %slice3A_74, %reduce_sum3A_77 [0] : vector<256x8xf32> to vector<8xf32>
    %broadcast_in_dim3A_79 = vector.shape_cast %reduce_sum3A_78 : vector<8xf32> to vector<1x8xf32>
    %slice3A_80 = vector.extract_strided_slice %convert_element_type3A_41 {offsets = [1536, 0], sizes = [256, 8], strides = [1, 1]} : vector<2048x8xf32> to vector<256x8xf32>
    %dot_general3A_81 = arith.constant dense<0.000000e+00> : vector<256x8xf32>
    %dot_general3A_82 = tpu.matmul %convert_element_type3A_45, %slice3A_80, %dot_general3A_81 {dimension_numbers = #tpu.dot_dimension_numbers<[1], [0], [0], [1], [0, 0, 1, 1], [], []>, transpose_lhs_hint = false} : vector<256x256xf32>, vector<256x8xf32>, vector<256x8xf32> -> vector<256x8xf32>
    %reduce_sum3A_83 = arith.constant dense<0.000000e+00> : vector<8xf32>
    %reduce_sum3A_84 = vector.multi_reduction <add>, %slice3A_80, %reduce_sum3A_83 [0] : vector<256x8xf32> to vector<8xf32>
    %broadcast_in_dim3A_85 = vector.shape_cast %reduce_sum3A_84 : vector<8xf32> to vector<1x8xf32>
    %slice3A_86 = vector.extract_strided_slice %convert_element_type3A_41 {offsets = [1792, 0], sizes = [256, 8], strides = [1, 1]} : vector<2048x8xf32> to vector<256x8xf32>
    %dot_general3A_87 = arith.constant dense<0.000000e+00> : vector<256x8xf32>
    %dot_general3A_88 = tpu.matmul %convert_element_type3A_45, %slice3A_86, %dot_general3A_87 {dimension_numbers = #tpu.dot_dimension_numbers<[1], [0], [0], [1], [0, 0, 1, 1], [], []>, transpose_lhs_hint = false} : vector<256x256xf32>, vector<256x8xf32>, vector<256x8xf32> -> vector<256x8xf32>
    %reduce_sum3A_89 = arith.constant dense<0.000000e+00> : vector<8xf32>
    %reduce_sum3A_90 = vector.multi_reduction <add>, %slice3A_86, %reduce_sum3A_89 [0] : vector<256x8xf32> to vector<8xf32>
    %broadcast_in_dim3A_91 = vector.shape_cast %reduce_sum3A_90 : vector<8xf32> to vector<1x8xf32>
    %concatenate3A_92 = tpu.concatenate %broadcast_in_dim3A_49, %broadcast_in_dim3A_55, %broadcast_in_dim3A_61, %broadcast_in_dim3A_67, %broadcast_in_dim3A_73, %broadcast_in_dim3A_79, %broadcast_in_dim3A_85, %broadcast_in_dim3A_91 in 0 : vector<1x8xf32>, vector<1x8xf32>, vector<1x8xf32>, vector<1x8xf32>, vector<1x8xf32>, vector<1x8xf32>, vector<1x8xf32>, vector<1x8xf32> -> vector<8x8xf32>
    %iota3A_93 = tpu.iota {dimensions = array<i32: 0>} : vector<8x8xi32>
    %iota3A_94 = tpu.iota {dimensions = array<i32: 1>} : vector<8x8xi32>
    %lt3A_95 = arith.cmpi slt, %iota3A_94, %iota3A_93 : vector<8x8xi32>
    %convert_element_type3A_96 = arith.extui %lt3A_95 : vector<8x8xi1> to vector<8x8xi32>
    %convert_element_type3A_97 = arith.sitofp %convert_element_type3A_96 : vector<8x8xi32> to vector<8x8xf32>
    %dot_general3A_98 = arith.constant dense<0.000000e+00> : vector<8x8xf32>
    %dot_general3A_99 = tpu.matmul %convert_element_type3A_97, %concatenate3A_92, %dot_general3A_98 {dimension_numbers = #tpu.dot_dimension_numbers<[1], [0], [0], [1], [0, 0, 1, 1], [], []>, transpose_lhs_hint = false} : vector<8x8xf32>, vector<8x8xf32>, vector<8x8xf32> -> vector<8x8xf32>
    %slice3A_100 = vector.extract_strided_slice %dot_general3A_99 {offsets = [0, 0], sizes = [1, 8], strides = [1, 1]} : vector<8x8xf32> to vector<1x8xf32>
    %add3A = vector.broadcast %slice3A_100 : vector<1x8xf32> to vector<256x8xf32>
    %add3A_101 = arith.addf %dot_general3A_47, %add3A : vector<256x8xf32>
    %slice3A_102 = vector.extract_strided_slice %dot_general3A_99 {offsets = [1, 0], sizes = [1, 8], strides = [1, 1]} : vector<8x8xf32> to vector<1x8xf32>
    %add3A_103 = vector.broadcast %slice3A_102 : vector<1x8xf32> to vector<256x8xf32>
    %add3A_104 = arith.addf %dot_general3A_52, %add3A_103 : vector<256x8xf32>
    %slice3A_105 = vector.extract_strided_slice %dot_general3A_99 {offsets = [2, 0], sizes = [1, 8], strides = [1, 1]} : vector<8x8xf32> to vector<1x8xf32>
    %add3A_106 = vector.broadcast %slice3A_105 : vector<1x8xf32> to vector<256x8xf32>
    %add3A_107 = arith.addf %dot_general3A_58, %add3A_106 : vector<256x8xf32>
    %slice3A_108 = vector.extract_strided_slice %dot_general3A_99 {offsets = [3, 0], sizes = [1, 8], strides = [1, 1]} : vector<8x8xf32> to vector<1x8xf32>
    %add3A_109 = vector.broadcast %slice3A_108 : vector<1x8xf32> to vector<256x8xf32>
    %add3A_110 = arith.addf %dot_general3A_64, %add3A_109 : vector<256x8xf32>
    %slice3A_111 = vector.extract_strided_slice %dot_general3A_99 {offsets = [4, 0], sizes = [1, 8], strides = [1, 1]} : vector<8x8xf32> to vector<1x8xf32>
    %add3A_112 = vector.broadcast %slice3A_111 : vector<1x8xf32> to vector<256x8xf32>
    %add3A_113 = arith.addf %dot_general3A_70, %add3A_112 : vector<256x8xf32>
    %slice3A_114 = vector.extract_strided_slice %dot_general3A_99 {offsets = [5, 0], sizes = [1, 8], strides = [1, 1]} : vector<8x8xf32> to vector<1x8xf32>
    %add3A_115 = vector.broadcast %slice3A_114 : vector<1x8xf32> to vector<256x8xf32>
    %add3A_116 = arith.addf %dot_general3A_76, %add3A_115 : vector<256x8xf32>
    %slice3A_117 = vector.extract_strided_slice %dot_general3A_99 {offsets = [6, 0], sizes = [1, 8], strides = [1, 1]} : vector<8x8xf32> to vector<1x8xf32>
    %add3A_118 = vector.broadcast %slice3A_117 : vector<1x8xf32> to vector<256x8xf32>
    %add3A_119 = arith.addf %dot_general3A_82, %add3A_118 : vector<256x8xf32>
    %slice3A_120 = vector.extract_strided_slice %dot_general3A_99 {offsets = [7, 0], sizes = [1, 8], strides = [1, 1]} : vector<8x8xf32> to vector<1x8xf32>
    %add3A_121 = vector.broadcast %slice3A_120 : vector<1x8xf32> to vector<256x8xf32>
    %add3A_122 = arith.addf %dot_general3A_88, %add3A_121 : vector<256x8xf32>
    %concatenate3A_123 = tpu.concatenate %add3A_101, %add3A_104, %add3A_107, %add3A_110, %add3A_113, %add3A_116, %add3A_119, %add3A_122 in 0 : vector<256x8xf32>, vector<256x8xf32>, vector<256x8xf32>, vector<256x8xf32>, vector<256x8xf32>, vector<256x8xf32>, vector<256x8xf32>, vector<256x8xf32> -> vector<2048x8xf32>
    %reduce_sum3A_124 = arith.constant dense<0.000000e+00> : vector<8xf32>
    %reduce_sum3A_125 = vector.multi_reduction <add>, %convert_element_type3A_41, %reduce_sum3A_124 [0] : vector<2048x8xf32> to vector<8xf32>
    %broadcast_in_dim3A_126 = vector.shape_cast %reduce_sum3A_125 : vector<8xf32> to vector<1x8xf32>
    %add3A_127 = arith.constant 2.550000e+02 : f32
    %add3A_128 = vector.broadcast %add3A_127 : f32 to vector<1x8xf32>
    %add3A_129 = arith.addf %broadcast_in_dim3A_126, %add3A_128 : vector<1x8xf32>
    %mul3A = arith.constant 3.906250e-03 : f32
    %mul3A_130 = vector.broadcast %mul3A : f32 to vector<1x8xf32>
    %mul3A_131 = arith.mulf %add3A_129, %mul3A_130 : vector<1x8xf32>
    %floor3A = math.floor %mul3A_131 : vector<1x8xf32>
    %lt3A_132 = arith.cmpi slt, %iota3A_93, %iota3A_94 : vector<8x8xi32>
    %convert_element_type3A_133 = arith.extui %lt3A_132 : vector<8x8xi1> to vector<8x8xi32>
    %convert_element_type3A_134 = arith.sitofp %convert_element_type3A_133 : vector<8x8xi32> to vector<8x8xf32>
    %dot_general3A_135 = arith.constant dense<0.000000e+00> : vector<1x8xf32>
    %dot_general3A_136 = tpu.matmul %floor3A, %convert_element_type3A_134, %dot_general3A_135 {dimension_numbers = #tpu.dot_dimension_numbers<[1], [0], [0], [1], [0, 0, 1, 1], [], []>, transpose_lhs_hint = false} : vector<1x8xf32>, vector<8x8xf32>, vector<1x8xf32> -> vector<1x8xf32>
    %mul3A_137 = arith.constant 2.560000e+02 : f32
    %mul3A_138 = vector.broadcast %mul3A_137 : f32 to vector<1x8xf32>
    %mul3A_139 = arith.mulf %dot_general3A_136, %mul3A_138 : vector<1x8xf32>
    %add3A_140 = vector.broadcast %mul3A_139 : vector<1x8xf32> to vector<2048x8xf32>
    %add3A_141 = arith.addf %add3A_140, %concatenate3A_123 : vector<2048x8xf32>
    %eq3A_142 = vector.broadcast %broadcast_in_dim3A_10 : vector<2048x1xi32> to vector<2048x8xi32>
    %eq3A_143 = arith.cmpi eq, %iota3A, %eq3A_142 : vector<2048x8xi32>
    %jit3A_144 = arith.constant 0.000000e+00 : f32
    %broadcast_in_dim3A_145 = vector.broadcast %jit3A_144 : f32 to vector<2048x8xf32>
    %select_n3A_146 = arith.select %eq3A_143, %add3A_141, %broadcast_in_dim3A_145 : vector<2048x8xi1>, vector<2048x8xf32>
    %reduce_sum3A_147 = arith.constant dense<0.000000e+00> : vector<2048xf32>
    %reduce_sum3A_148 = vector.multi_reduction <add>, %select_n3A_146, %reduce_sum3A_147 [1] : vector<2048x8xf32> to vector<2048xf32>
    %broadcast_in_dim3A_149 = vector.shape_cast %reduce_sum3A_148 : vector<2048xf32> to vector<2048x1xf32>
    %eq3A_150 = vector.broadcast %broadcast_in_dim3A_26 : vector<2048x1xi32> to vector<2048x8xi32>
    %eq3A_151 = arith.cmpi eq, %iota3A, %eq3A_150 : vector<2048x8xi32>
    %jit3A_152 = arith.constant 0.000000e+00 : f32
    %broadcast_in_dim3A_153 = vector.broadcast %jit3A_152 : f32 to vector<2048x8xf32>
    %select_n3A_154 = arith.select %eq3A_151, %add3A_141, %broadcast_in_dim3A_153 : vector<2048x8xi1>, vector<2048x8xf32>
    %reduce_sum3A_155 = arith.constant dense<0.000000e+00> : vector<2048xf32>
    %reduce_sum3A_156 = vector.multi_reduction <add>, %select_n3A_154, %reduce_sum3A_155 [1] : vector<2048x8xf32> to vector<2048xf32>
    %broadcast_in_dim3A_157 = vector.shape_cast %reduce_sum3A_156 : vector<2048xf32> to vector<2048x1xf32>
    %concatenate3A_158 = tpu.concatenate %broadcast_in_dim3A_149, %broadcast_in_dim3A_157 in 1 : vector<2048x1xf32>, vector<2048x1xf32> -> vector<2048x2xf32>
    %convert_element_type3A_159 = arith.fptosi %concatenate3A_158 : vector<2048x2xf32> to vector<2048x2xi32>
    %swap3A_160 = arith.constant 0 : index
    %swap3A_161 = arith.constant 0 : index
    %swap3A_162 = vector.load %arg4[%swap3A_160, %swap3A_161] : memref<2048x2xi32, #tpu.memory_space<vmem>>, vector<2048x2xi32>
    tpu.vector_store %arg4[%swap3A_160, %swap3A_161], %convert_element_type3A_159 {strides = array<i32>} : memref<2048x2xi32, #tpu.memory_space<vmem>>, vector<2048x2xi32>,
    %iota3A_163 = tpu.iota {dimensions = array<i32: 1>} : vector<1x2048xi32>
    %jit3A_164 = arith.constant 256 : i32
    %div3A = vector.broadcast %jit3A_164 : i32 to vector<1x2048xi32>
    %div3A_165 = arith.divsi %iota3A_163, %div3A : vector<1x2048xi32>
    %sign3A = arith.constant 0 : i32
    %sign3A_166 = vector.broadcast %sign3A : i32 to vector<1x2048xi32>
    %sign3A_167 = arith.cmpi sgt, %iota3A_163, %sign3A_166 : vector<1x2048xi32>
    %sign3A_168 = arith.extui %sign3A_167 : vector<1x2048xi1> to vector<1x2048xi32>
    %sign3A_169 = arith.constant 0 : i32
    %sign3A_170 = vector.broadcast %sign3A_169 : i32 to vector<1x2048xi32>
    %sign3A_171 = arith.cmpi slt, %iota3A_163, %sign3A_170 : vector<1x2048xi32>
    %sign3A_172 = arith.extui %sign3A_171 : vector<1x2048xi1> to vector<1x2048xi32>
    %sign3A_173 = arith.subi %sign3A_168, %sign3A_172 : vector<1x2048xi32>
    %sign3A_174 = arith.constant 0 : i32
    %sign3A_175 = arith.cmpi sgt, %jit3A_164, %sign3A_174 : i32
    %sign3A_176 = arith.extui %sign3A_175 : i1 to i32
    %sign3A_177 = arith.constant 0 : i32
    %sign3A_178 = arith.cmpi slt, %jit3A_164, %sign3A_177 : i32
    %sign3A_179 = arith.extui %sign3A_178 : i1 to i32
    %sign3A_180 = arith.subi %sign3A_176, %sign3A_179 : i32
    %ne3A = vector.broadcast %sign3A_180 : i32 to vector<1x2048xi32>
    %ne3A_181 = arith.cmpi ne, %sign3A_173, %ne3A : vector<1x2048xi32>
    %rem3A = vector.broadcast %jit3A_164 : i32 to vector<1x2048xi32>
    %rem3A_182 = arith.remsi %iota3A_163, %rem3A : vector<1x2048xi32>
    %ne3A_183 = arith.constant 0 : i32
    %ne3A_184 = vector.broadcast %ne3A_183 : i32 to vector<1x2048xi32>
    %ne3A_185 = arith.cmpi ne, %rem3A_182, %ne3A_184 : vector<1x2048xi32>
    %and3A = arith.andi %ne3A_181, %ne3A_185 : vector<1x2048xi1>
    %sub3A_186 = arith.constant 1 : i32
    %sub3A_187 = vector.broadcast %sub3A_186 : i32 to vector<1x2048xi32>
    %sub3A_188 = arith.subi %div3A_165, %sub3A_187 : vector<1x2048xi32>
    %select_n3A_189 = arith.select %and3A, %sub3A_188, %div3A_165 : vector<1x2048xi1>, vector<1x2048xi32>
    %convert_element_type3A_190 = arith.sitofp %select_n3A_189 : vector<1x2048xi32> to vector<1x2048xf32>
    %jit3A_191 = arith.constant 256 : i32
    %eq3A_192 = arith.constant 0 : i32
    %eq3A_193 = arith.cmpi eq, %jit3A_191, %eq3A_192 : i32
    %jit3A_194 = arith.constant 1 : i32
    %select_n3A_195 = arith.select %eq3A_193, %jit3A_194, %jit3A_191 : i32
    %rem3A_196 = vector.broadcast %select_n3A_195 : i32 to vector<1x2048xi32>
    %rem3A_197 = arith.remsi %iota3A_163, %rem3A_196 : vector<1x2048xi32>
    %ne3A_198 = arith.constant 0 : i32
    %ne3A_199 = vector.broadcast %ne3A_198 : i32 to vector<1x2048xi32>
    %ne3A_200 = arith.cmpi ne, %rem3A_197, %ne3A_199 : vector<1x2048xi32>
    %lt3A_201 = arith.constant 0 : i32
    %lt3A_202 = vector.broadcast %lt3A_201 : i32 to vector<1x2048xi32>
    %lt3A_203 = arith.cmpi slt, %rem3A_197, %lt3A_202 : vector<1x2048xi32>
    %lt3A_204 = arith.constant 0 : i32
    %lt3A_205 = arith.cmpi slt, %select_n3A_195, %lt3A_204 : i32
    %ne3A_206 = vector.broadcast %lt3A_205 : i1 to vector<1x2048xi1>
    %ne3A_207 = vector.broadcast %ne3A_206 : vector<1x2048xi1> to vector<1x2048xi1>
    %ne3A_208 = arith.xori %lt3A_203, %ne3A_207 : vector<1x2048xi1>
    %and3A_209 = arith.andi %ne3A_208, %ne3A_200 : vector<1x2048xi1>
    %add3A_210 = vector.broadcast %select_n3A_195 : i32 to vector<1x2048xi32>
    %add3A_211 = arith.addi %rem3A_197, %add3A_210 : vector<1x2048xi32>
    %select_n3A_212 = arith.select %and3A_209, %add3A_211, %rem3A_197 : vector<1x2048xi1>, vector<1x2048xi32>
    %convert_element_type3A_213 = arith.sitofp %select_n3A_212 : vector<1x2048xi32> to vector<1x2048xf32>
    %iota3A_214 = tpu.iota {dimensions = array<i32: 1>} : vector<1x512xi32>
    %add3A_215 = arith.constant 0 : i32
    %add3A_216 = vector.broadcast %add3A_215 : i32 to vector<1x512xi32>
    %add3A_217 = arith.addi %iota3A_214, %add3A_216 : vector<1x512xi32>
    %convert_element_type3A_218 = arith.sitofp %add3A_217 : vector<1x512xi32> to vector<1x512xf32>
    %eq3A_219 = vector.broadcast %broadcast_in_dim3A_149 : vector<2048x1xf32> to vector<2048x512xf32>
    %eq3A_220 = vector.broadcast %convert_element_type3A_218 : vector<1x512xf32> to vector<2048x512xf32>
    %eq3A_221 = arith.cmpf oeq, %eq3A_219, %eq3A_220 : vector<2048x512xf32>
    %eq3A_222 = vector.broadcast %broadcast_in_dim3A_157 : vector<2048x1xf32> to vector<2048x512xf32>
    %eq3A_223 = vector.broadcast %convert_element_type3A_218 : vector<1x512xf32> to vector<2048x512xf32>
    %eq3A_224 = arith.cmpf oeq, %eq3A_222, %eq3A_223 : vector<2048x512xf32>
    %or3A_225 = arith.ori %eq3A_221, %eq3A_224 : vector<2048x512xi1>
    %convert_element_type3A_226 = arith.extui %or3A_225 : vector<2048x512xi1> to vector<2048x512xi32>
    %convert_element_type3A_227 = arith.sitofp %convert_element_type3A_226 : vector<2048x512xi32> to vector<2048x512xf32>
    %dot_general3A_228 = arith.constant dense<0.000000e+00> : vector<1x512xf32>
    %dot_general3A_229 = tpu.matmul %convert_element_type3A_190, %convert_element_type3A_227, %dot_general3A_228 {dimension_numbers = #tpu.dot_dimension_numbers<[1], [0], [0], [1], [0, 0, 1, 1], [], []>, transpose_lhs_hint = false} : vector<1x2048xf32>, vector<2048x512xf32>, vector<1x512xf32> -> vector<1x512xf32>
    %dot_general3A_230 = arith.constant dense<0.000000e+00> : vector<1x512xf32>
    %dot_general3A_231 = tpu.matmul %convert_element_type3A_213, %convert_element_type3A_227, %dot_general3A_230 {dimension_numbers = #tpu.dot_dimension_numbers<[1], [0], [0], [1], [0, 0, 1, 1], [], []>, transpose_lhs_hint = false} : vector<1x2048xf32>, vector<2048x512xf32>, vector<1x512xf32> -> vector<1x512xf32>
    %mul3A_232 = arith.constant 2.560000e+02 : f32
    %mul3A_233 = vector.broadcast %mul3A_232 : f32 to vector<1x512xf32>
    %mul3A_234 = arith.mulf %dot_general3A_229, %mul3A_233 : vector<1x512xf32>
    %add3A_235 = arith.addf %mul3A_234, %dot_general3A_231 : vector<1x512xf32>
    %iota3A_236 = tpu.iota {dimensions = array<i32: 1>} : vector<1x512xi32>
    %add3A_237 = arith.constant 512 : i32
    %add3A_238 = vector.broadcast %add3A_237 : i32 to vector<1x512xi32>
    %add3A_239 = arith.addi %iota3A_236, %add3A_238 : vector<1x512xi32>
    %convert_element_type3A_240 = arith.sitofp %add3A_239 : vector<1x512xi32> to vector<1x512xf32>
    %eq3A_241 = vector.broadcast %broadcast_in_dim3A_149 : vector<2048x1xf32> to vector<2048x512xf32>
    %eq3A_242 = vector.broadcast %convert_element_type3A_240 : vector<1x512xf32> to vector<2048x512xf32>
    %eq3A_243 = arith.cmpf oeq, %eq3A_241, %eq3A_242 : vector<2048x512xf32>
    %eq3A_244 = vector.broadcast %broadcast_in_dim3A_157 : vector<2048x1xf32> to vector<2048x512xf32>
    %eq3A_245 = vector.broadcast %convert_element_type3A_240 : vector<1x512xf32> to vector<2048x512xf32>
    %eq3A_246 = arith.cmpf oeq, %eq3A_244, %eq3A_245 : vector<2048x512xf32>
    %or3A_247 = arith.ori %eq3A_243, %eq3A_246 : vector<2048x512xi1>
    %convert_element_type3A_248 = arith.extui %or3A_247 : vector<2048x512xi1> to vector<2048x512xi32>
    %convert_element_type3A_249 = arith.sitofp %convert_element_type3A_248 : vector<2048x512xi32> to vector<2048x512xf32>
    %dot_general3A_250 = arith.constant dense<0.000000e+00> : vector<1x512xf32>
    %dot_general3A_251 = tpu.matmul %convert_element_type3A_190, %convert_element_type3A_249, %dot_general3A_250 {dimension_numbers = #tpu.dot_dimension_numbers<[1], [0], [0], [1], [0, 0, 1, 1], [], []>, transpose_lhs_hint = false} : vector<1x2048xf32>, vector<2048x512xf32>, vector<1x512xf32> -> vector<1x512xf32>
    %dot_general3A_252 = arith.constant dense<0.000000e+00> : vector<1x512xf32>
    %dot_general3A_253 = tpu.matmul %convert_element_type3A_213, %convert_element_type3A_249, %dot_general3A_252 {dimension_numbers = #tpu.dot_dimension_numbers<[1], [0], [0], [1], [0, 0, 1, 1], [], []>, transpose_lhs_hint = false} : vector<1x2048xf32>, vector<2048x512xf32>, vector<1x512xf32> -> vector<1x512xf32>
    %mul3A_254 = arith.constant 2.560000e+02 : f32
    %mul3A_255 = vector.broadcast %mul3A_254 : f32 to vector<1x512xf32>
    %mul3A_256 = arith.mulf %dot_general3A_251, %mul3A_255 : vector<1x512xf32>
    %add3A_257 = arith.addf %mul3A_256, %dot_general3A_253 : vector<1x512xf32>
    %iota3A_258 = tpu.iota {dimensions = array<i32: 1>} : vector<1x512xi32>
    %add3A_259 = arith.constant 1024 : i32
    %add3A_260 = vector.broadcast %add3A_259 : i32 to vector<1x512xi32>
    %add3A_261 = arith.addi %iota3A_258, %add3A_260 : vector<1x512xi32>
    %convert_element_type3A_262 = arith.sitofp %add3A_261 : vector<1x512xi32> to vector<1x512xf32>
    %eq3A_263 = vector.broadcast %broadcast_in_dim3A_149 : vector<2048x1xf32> to vector<2048x512xf32>
    %eq3A_264 = vector.broadcast %convert_element_type3A_262 : vector<1x512xf32> to vector<2048x512xf32>
    %eq3A_265 = arith.cmpf oeq, %eq3A_263, %eq3A_264 : vector<2048x512xf32>
    %eq3A_266 = vector.broadcast %broadcast_in_dim3A_157 : vector<2048x1xf32> to vector<2048x512xf32>
    %eq3A_267 = vector.broadcast %convert_element_type3A_262 : vector<1x512xf32> to vector<2048x512xf32>
    %eq3A_268 = arith.cmpf oeq, %eq3A_266, %eq3A_267 : vector<2048x512xf32>
    %or3A_269 = arith.ori %eq3A_265, %eq3A_268 : vector<2048x512xi1>
    %convert_element_type3A_270 = arith.extui %or3A_269 : vector<2048x512xi1> to vector<2048x512xi32>
    %convert_element_type3A_271 = arith.sitofp %convert_element_type3A_270 : vector<2048x512xi32> to vector<2048x512xf32>
    %dot_general3A_272 = arith.constant dense<0.000000e+00> : vector<1x512xf32>
    %dot_general3A_273 = tpu.matmul %convert_element_type3A_190, %convert_element_type3A_271, %dot_general3A_272 {dimension_numbers = #tpu.dot_dimension_numbers<[1], [0], [0], [1], [0, 0, 1, 1], [], []>, transpose_lhs_hint = false} : vector<1x2048xf32>, vector<2048x512xf32>, vector<1x512xf32> -> vector<1x512xf32>
    %dot_general3A_274 = arith.constant dense<0.000000e+00> : vector<1x512xf32>
    %dot_general3A_275 = tpu.matmul %convert_element_type3A_213, %convert_element_type3A_271, %dot_general3A_274 {dimension_numbers = #tpu.dot_dimension_numbers<[1], [0], [0], [1], [0, 0, 1, 1], [], []>, transpose_lhs_hint = false} : vector<1x2048xf32>, vector<2048x512xf32>, vector<1x512xf32> -> vector<1x512xf32>
    %mul3A_276 = arith.constant 2.560000e+02 : f32
    %mul3A_277 = vector.broadcast %mul3A_276 : f32 to vector<1x512xf32>
    %mul3A_278 = arith.mulf %dot_general3A_273, %mul3A_277 : vector<1x512xf32>
    %add3A_279 = arith.addf %mul3A_278, %dot_general3A_275 : vector<1x512xf32>
    %iota3A_280 = tpu.iota {dimensions = array<i32: 1>} : vector<1x512xi32>
    %add3A_281 = arith.constant 1536 : i32
    %add3A_282 = vector.broadcast %add3A_281 : i32 to vector<1x512xi32>
    %add3A_283 = arith.addi %iota3A_280, %add3A_282 : vector<1x512xi32>
    %convert_element_type3A_284 = arith.sitofp %add3A_283 : vector<1x512xi32> to vector<1x512xf32>
    %eq3A_285 = vector.broadcast %broadcast_in_dim3A_149 : vector<2048x1xf32> to vector<2048x512xf32>
    %eq3A_286 = vector.broadcast %convert_element_type3A_284 : vector<1x512xf32> to vector<2048x512xf32>
    %eq3A_287 = arith.cmpf oeq, %eq3A_285, %eq3A_286 : vector<2048x512xf32>
    %eq3A_288 = vector.broadcast %broadcast_in_dim3A_157 : vector<2048x1xf32> to vector<2048x512xf32>
    %eq3A_289 = vector.broadcast %convert_element_type3A_284 : vector<1x512xf32> to vector<2048x512xf32>
    %eq3A_290 = arith.cmpf oeq, %eq3A_288, %eq3A_289 : vector<2048x512xf32>
    %or3A_291 = arith.ori %eq3A_287, %eq3A_290 : vector<2048x512xi1>
    %convert_element_type3A_292 = arith.extui %or3A_291 : vector<2048x512xi1> to vector<2048x512xi32>
    %convert_element_type3A_293 = arith.sitofp %convert_element_type3A_292 : vector<2048x512xi32> to vector<2048x512xf32>
    %dot_general3A_294 = arith.constant dense<0.000000e+00> : vector<1x512xf32>
    %dot_general3A_295 = tpu.matmul %convert_element_type3A_190, %convert_element_type3A_293, %dot_general3A_294 {dimension_numbers = #tpu.dot_dimension_numbers<[1], [0], [0], [1], [0, 0, 1, 1], [], []>, transpose_lhs_hint = false} : vector<1x2048xf32>, vector<2048x512xf32>, vector<1x512xf32> -> vector<1x512xf32>
    %dot_general3A_296 = arith.constant dense<0.000000e+00> : vector<1x512xf32>
    %dot_general3A_297 = tpu.matmul %convert_element_type3A_213, %convert_element_type3A_293, %dot_general3A_296 {dimension_numbers = #tpu.dot_dimension_numbers<[1], [0], [0], [1], [0, 0, 1, 1], [], []>, transpose_lhs_hint = false} : vector<1x2048xf32>, vector<2048x512xf32>, vector<1x512xf32> -> vector<1x512xf32>
    %mul3A_298 = arith.constant 2.560000e+02 : f32
    %mul3A_299 = vector.broadcast %mul3A_298 : f32 to vector<1x512xf32>
    %mul3A_300 = arith.mulf %dot_general3A_295, %mul3A_299 : vector<1x512xf32>
    %add3A_301 = arith.addf %mul3A_300, %dot_general3A_297 : vector<1x512xf32>
    %iota3A_302 = tpu.iota {dimensions = array<i32: 1>} : vector<1x512xi32>
    %add3A_303 = arith.constant 2048 : i32
    %add3A_304 = vector.broadcast %add3A_303 : i32 to vector<1x512xi32>
    %add3A_305 = arith.addi %iota3A_302, %add3A_304 : vector<1x512xi32>
    %convert_element_type3A_306 = arith.sitofp %add3A_305 : vector<1x512xi32> to vector<1x512xf32>
    %eq3A_307 = vector.broadcast %broadcast_in_dim3A_149 : vector<2048x1xf32> to vector<2048x512xf32>
    %eq3A_308 = vector.broadcast %convert_element_type3A_306 : vector<1x512xf32> to vector<2048x512xf32>
    %eq3A_309 = arith.cmpf oeq, %eq3A_307, %eq3A_308 : vector<2048x512xf32>
    %eq3A_310 = vector.broadcast %broadcast_in_dim3A_157 : vector<2048x1xf32> to vector<2048x512xf32>
    %eq3A_311 = vector.broadcast %convert_element_type3A_306 : vector<1x512xf32> to vector<2048x512xf32>
    %eq3A_312 = arith.cmpf oeq, %eq3A_310, %eq3A_311 : vector<2048x512xf32>
    %or3A_313 = arith.ori %eq3A_309, %eq3A_312 : vector<2048x512xi1>
    %convert_element_type3A_314 = arith.extui %or3A_313 : vector<2048x512xi1> to vector<2048x512xi32>
    %convert_element_type3A_315 = arith.sitofp %convert_element_type3A_314 : vector<2048x512xi32> to vector<2048x512xf32>
    %dot_general3A_316 = arith.constant dense<0.000000e+00> : vector<1x512xf32>
    %dot_general3A_317 = tpu.matmul %convert_element_type3A_190, %convert_element_type3A_315, %dot_general3A_316 {dimension_numbers = #tpu.dot_dimension_numbers<[1], [0], [0], [1], [0, 0, 1, 1], [], []>, transpose_lhs_hint = false} : vector<1x2048xf32>, vector<2048x512xf32>, vector<1x512xf32> -> vector<1x512xf32>
    %dot_general3A_318 = arith.constant dense<0.000000e+00> : vector<1x512xf32>
    %dot_general3A_319 = tpu.matmul %convert_element_type3A_213, %convert_element_type3A_315, %dot_general3A_318 {dimension_numbers = #tpu.dot_dimension_numbers<[1], [0], [0], [1], [0, 0, 1, 1], [], []>, transpose_lhs_hint = false} : vector<1x2048xf32>, vector<2048x512xf32>, vector<1x512xf32> -> vector<1x512xf32>
    %mul3A_320 = arith.constant 2.560000e+02 : f32
    %mul3A_321 = vector.broadcast %mul3A_320 : f32 to vector<1x512xf32>
    %mul3A_322 = arith.mulf %dot_general3A_317, %mul3A_321 : vector<1x512xf32>
    %add3A_323 = arith.addf %mul3A_322, %dot_general3A_319 : vector<1x512xf32>
    %iota3A_324 = tpu.iota {dimensions = array<i32: 1>} : vector<1x512xi32>
    %add3A_325 = arith.constant 2560 : i32
    %add3A_326 = vector.broadcast %add3A_325 : i32 to vector<1x512xi32>
    %add3A_327 = arith.addi %iota3A_324, %add3A_326 : vector<1x512xi32>
    %convert_element_type3A_328 = arith.sitofp %add3A_327 : vector<1x512xi32> to vector<1x512xf32>
    %eq3A_329 = vector.broadcast %broadcast_in_dim3A_149 : vector<2048x1xf32> to vector<2048x512xf32>
    %eq3A_330 = vector.broadcast %convert_element_type3A_328 : vector<1x512xf32> to vector<2048x512xf32>
    %eq3A_331 = arith.cmpf oeq, %eq3A_329, %eq3A_330 : vector<2048x512xf32>
    %eq3A_332 = vector.broadcast %broadcast_in_dim3A_157 : vector<2048x1xf32> to vector<2048x512xf32>
    %eq3A_333 = vector.broadcast %convert_element_type3A_328 : vector<1x512xf32> to vector<2048x512xf32>
    %eq3A_334 = arith.cmpf oeq, %eq3A_332, %eq3A_333 : vector<2048x512xf32>
    %or3A_335 = arith.ori %eq3A_331, %eq3A_334 : vector<2048x512xi1>
    %convert_element_type3A_336 = arith.extui %or3A_335 : vector<2048x512xi1> to vector<2048x512xi32>
    %convert_element_type3A_337 = arith.sitofp %convert_element_type3A_336 : vector<2048x512xi32> to vector<2048x512xf32>
    %dot_general3A_338 = arith.constant dense<0.000000e+00> : vector<1x512xf32>
    %dot_general3A_339 = tpu.matmul %convert_element_type3A_190, %convert_element_type3A_337, %dot_general3A_338 {dimension_numbers = #tpu.dot_dimension_numbers<[1], [0], [0], [1], [0, 0, 1, 1], [], []>, transpose_lhs_hint = false} : vector<1x2048xf32>, vector<2048x512xf32>, vector<1x512xf32> -> vector<1x512xf32>
    %dot_general3A_340 = arith.constant dense<0.000000e+00> : vector<1x512xf32>
    %dot_general3A_341 = tpu.matmul %convert_element_type3A_213, %convert_element_type3A_337, %dot_general3A_340 {dimension_numbers = #tpu.dot_dimension_numbers<[1], [0], [0], [1], [0, 0, 1, 1], [], []>, transpose_lhs_hint = false} : vector<1x2048xf32>, vector<2048x512xf32>, vector<1x512xf32> -> vector<1x512xf32>
    %mul3A_342 = arith.constant 2.560000e+02 : f32
    %mul3A_343 = vector.broadcast %mul3A_342 : f32 to vector<1x512xf32>
    %mul3A_344 = arith.mulf %dot_general3A_339, %mul3A_343 : vector<1x512xf32>
    %add3A_345 = arith.addf %mul3A_344, %dot_general3A_341 : vector<1x512xf32>
    %iota3A_346 = tpu.iota {dimensions = array<i32: 1>} : vector<1x512xi32>
    %add3A_347 = arith.constant 3072 : i32
    %add3A_348 = vector.broadcast %add3A_347 : i32 to vector<1x512xi32>
    %add3A_349 = arith.addi %iota3A_346, %add3A_348 : vector<1x512xi32>
    %convert_element_type3A_350 = arith.sitofp %add3A_349 : vector<1x512xi32> to vector<1x512xf32>
    %eq3A_351 = vector.broadcast %broadcast_in_dim3A_149 : vector<2048x1xf32> to vector<2048x512xf32>
    %eq3A_352 = vector.broadcast %convert_element_type3A_350 : vector<1x512xf32> to vector<2048x512xf32>
    %eq3A_353 = arith.cmpf oeq, %eq3A_351, %eq3A_352 : vector<2048x512xf32>
    %eq3A_354 = vector.broadcast %broadcast_in_dim3A_157 : vector<2048x1xf32> to vector<2048x512xf32>
    %eq3A_355 = vector.broadcast %convert_element_type3A_350 : vector<1x512xf32> to vector<2048x512xf32>
    %eq3A_356 = arith.cmpf oeq, %eq3A_354, %eq3A_355 : vector<2048x512xf32>
    %or3A_357 = arith.ori %eq3A_353, %eq3A_356 : vector<2048x512xi1>
    %convert_element_type3A_358 = arith.extui %or3A_357 : vector<2048x512xi1> to vector<2048x512xi32>
    %convert_element_type3A_359 = arith.sitofp %convert_element_type3A_358 : vector<2048x512xi32> to vector<2048x512xf32>
    %dot_general3A_360 = arith.constant dense<0.000000e+00> : vector<1x512xf32>
    %dot_general3A_361 = tpu.matmul %convert_element_type3A_190, %convert_element_type3A_359, %dot_general3A_360 {dimension_numbers = #tpu.dot_dimension_numbers<[1], [0], [0], [1], [0, 0, 1, 1], [], []>, transpose_lhs_hint = false} : vector<1x2048xf32>, vector<2048x512xf32>, vector<1x512xf32> -> vector<1x512xf32>
    %dot_general3A_362 = arith.constant dense<0.000000e+00> : vector<1x512xf32>
    %dot_general3A_363 = tpu.matmul %convert_element_type3A_213, %convert_element_type3A_359, %dot_general3A_362 {dimension_numbers = #tpu.dot_dimension_numbers<[1], [0], [0], [1], [0, 0, 1, 1], [], []>, transpose_lhs_hint = false} : vector<1x2048xf32>, vector<2048x512xf32>, vector<1x512xf32> -> vector<1x512xf32>
    %mul3A_364 = arith.constant 2.560000e+02 : f32
    %mul3A_365 = vector.broadcast %mul3A_364 : f32 to vector<1x512xf32>
    %mul3A_366 = arith.mulf %dot_general3A_361, %mul3A_365 : vector<1x512xf32>
    %add3A_367 = arith.addf %mul3A_366, %dot_general3A_363 : vector<1x512xf32>
    %iota3A_368 = tpu.iota {dimensions = array<i32: 1>} : vector<1x512xi32>
    %add3A_369 = arith.constant 3584 : i32
    %add3A_370 = vector.broadcast %add3A_369 : i32 to vector<1x512xi32>
    %add3A_371 = arith.addi %iota3A_368, %add3A_370 : vector<1x512xi32>
    %convert_element_type3A_372 = arith.sitofp %add3A_371 : vector<1x512xi32> to vector<1x512xf32>
    %eq3A_373 = vector.broadcast %broadcast_in_dim3A_149 : vector<2048x1xf32> to vector<2048x512xf32>
    %eq3A_374 = vector.broadcast %convert_element_type3A_372 : vector<1x512xf32> to vector<2048x512xf32>
    %eq3A_375 = arith.cmpf oeq, %eq3A_373, %eq3A_374 : vector<2048x512xf32>
    %eq3A_376 = vector.broadcast %broadcast_in_dim3A_157 : vector<2048x1xf32> to vector<2048x512xf32>
    %eq3A_377 = vector.broadcast %convert_element_type3A_372 : vector<1x512xf32> to vector<2048x512xf32>
    %eq3A_378 = arith.cmpf oeq, %eq3A_376, %eq3A_377 : vector<2048x512xf32>
    %or3A_379 = arith.ori %eq3A_375, %eq3A_378 : vector<2048x512xi1>
    %convert_element_type3A_380 = arith.extui %or3A_379 : vector<2048x512xi1> to vector<2048x512xi32>
    %convert_element_type3A_381 = arith.sitofp %convert_element_type3A_380 : vector<2048x512xi32> to vector<2048x512xf32>
    %dot_general3A_382 = arith.constant dense<0.000000e+00> : vector<1x512xf32>
    %dot_general3A_383 = tpu.matmul %convert_element_type3A_190, %convert_element_type3A_381, %dot_general3A_382 {dimension_numbers = #tpu.dot_dimension_numbers<[1], [0], [0], [1], [0, 0, 1, 1], [], []>, transpose_lhs_hint = false} : vector<1x2048xf32>, vector<2048x512xf32>, vector<1x512xf32> -> vector<1x512xf32>
    %dot_general3A_384 = arith.constant dense<0.000000e+00> : vector<1x512xf32>
    %dot_general3A_385 = tpu.matmul %convert_element_type3A_213, %convert_element_type3A_381, %dot_general3A_384 {dimension_numbers = #tpu.dot_dimension_numbers<[1], [0], [0], [1], [0, 0, 1, 1], [], []>, transpose_lhs_hint = false} : vector<1x2048xf32>, vector<2048x512xf32>, vector<1x512xf32> -> vector<1x512xf32>
    %mul3A_386 = arith.constant 2.560000e+02 : f32
    %mul3A_387 = vector.broadcast %mul3A_386 : f32 to vector<1x512xf32>
    %mul3A_388 = arith.mulf %dot_general3A_383, %mul3A_387 : vector<1x512xf32>
    %add3A_389 = arith.addf %mul3A_388, %dot_general3A_385 : vector<1x512xf32>
    %iota3A_390 = tpu.iota {dimensions = array<i32: 1>} : vector<1x512xi32>
    %add3A_391 = arith.constant 4096 : i32
    %add3A_392 = vector.broadcast %add3A_391 : i32 to vector<1x512xi32>
    %add3A_393 = arith.addi %iota3A_390, %add3A_392 : vector<1x512xi32>
    %convert_element_type3A_394 = arith.sitofp %add3A_393 : vector<1x512xi32> to vector<1x512xf32>
    %eq3A_395 = vector.broadcast %broadcast_in_dim3A_149 : vector<2048x1xf32> to vector<2048x512xf32>
    %eq3A_396 = vector.broadcast %convert_element_type3A_394 : vector<1x512xf32> to vector<2048x512xf32>
    %eq3A_397 = arith.cmpf oeq, %eq3A_395, %eq3A_396 : vector<2048x512xf32>
    %eq3A_398 = vector.broadcast %broadcast_in_dim3A_157 : vector<2048x1xf32> to vector<2048x512xf32>
    %eq3A_399 = vector.broadcast %convert_element_type3A_394 : vector<1x512xf32> to vector<2048x512xf32>
    %eq3A_400 = arith.cmpf oeq, %eq3A_398, %eq3A_399 : vector<2048x512xf32>
    %or3A_401 = arith.ori %eq3A_397, %eq3A_400 : vector<2048x512xi1>
    %convert_element_type3A_402 = arith.extui %or3A_401 : vector<2048x512xi1> to vector<2048x512xi32>
    %convert_element_type3A_403 = arith.sitofp %convert_element_type3A_402 : vector<2048x512xi32> to vector<2048x512xf32>
    %dot_general3A_404 = arith.constant dense<0.000000e+00> : vector<1x512xf32>
    %dot_general3A_405 = tpu.matmul %convert_element_type3A_190, %convert_element_type3A_403, %dot_general3A_404 {dimension_numbers = #tpu.dot_dimension_numbers<[1], [0], [0], [1], [0, 0, 1, 1], [], []>, transpose_lhs_hint = false} : vector<1x2048xf32>, vector<2048x512xf32>, vector<1x512xf32> -> vector<1x512xf32>
    %dot_general3A_406 = arith.constant dense<0.000000e+00> : vector<1x512xf32>
    %dot_general3A_407 = tpu.matmul %convert_element_type3A_213, %convert_element_type3A_403, %dot_general3A_406 {dimension_numbers = #tpu.dot_dimension_numbers<[1], [0], [0], [1], [0, 0, 1, 1], [], []>, transpose_lhs_hint = false} : vector<1x2048xf32>, vector<2048x512xf32>, vector<1x512xf32> -> vector<1x512xf32>
    %mul3A_408 = arith.constant 2.560000e+02 : f32
    %mul3A_409 = vector.broadcast %mul3A_408 : f32 to vector<1x512xf32>
    %mul3A_410 = arith.mulf %dot_general3A_405, %mul3A_409 : vector<1x512xf32>
    %add3A_411 = arith.addf %mul3A_410, %dot_general3A_407 : vector<1x512xf32>
    %iota3A_412 = tpu.iota {dimensions = array<i32: 1>} : vector<1x512xi32>
    %add3A_413 = arith.constant 4608 : i32
    %add3A_414 = vector.broadcast %add3A_413 : i32 to vector<1x512xi32>
    %add3A_415 = arith.addi %iota3A_412, %add3A_414 : vector<1x512xi32>
    %convert_element_type3A_416 = arith.sitofp %add3A_415 : vector<1x512xi32> to vector<1x512xf32>
    %eq3A_417 = vector.broadcast %broadcast_in_dim3A_149 : vector<2048x1xf32> to vector<2048x512xf32>
    %eq3A_418 = vector.broadcast %convert_element_type3A_416 : vector<1x512xf32> to vector<2048x512xf32>
    %eq3A_419 = arith.cmpf oeq, %eq3A_417, %eq3A_418 : vector<2048x512xf32>
    %eq3A_420 = vector.broadcast %broadcast_in_dim3A_157 : vector<2048x1xf32> to vector<2048x512xf32>
    %eq3A_421 = vector.broadcast %convert_element_type3A_416 : vector<1x512xf32> to vector<2048x512xf32>
    %eq3A_422 = arith.cmpf oeq, %eq3A_420, %eq3A_421 : vector<2048x512xf32>
    %or3A_423 = arith.ori %eq3A_419, %eq3A_422 : vector<2048x512xi1>
    %convert_element_type3A_424 = arith.extui %or3A_423 : vector<2048x512xi1> to vector<2048x512xi32>
    %convert_element_type3A_425 = arith.sitofp %convert_element_type3A_424 : vector<2048x512xi32> to vector<2048x512xf32>
    %dot_general3A_426 = arith.constant dense<0.000000e+00> : vector<1x512xf32>
    %dot_general3A_427 = tpu.matmul %convert_element_type3A_190, %convert_element_type3A_425, %dot_general3A_426 {dimension_numbers = #tpu.dot_dimension_numbers<[1], [0], [0], [1], [0, 0, 1, 1], [], []>, transpose_lhs_hint = false} : vector<1x2048xf32>, vector<2048x512xf32>, vector<1x512xf32> -> vector<1x512xf32>
    %dot_general3A_428 = arith.constant dense<0.000000e+00> : vector<1x512xf32>
    %dot_general3A_429 = tpu.matmul %convert_element_type3A_213, %convert_element_type3A_425, %dot_general3A_428 {dimension_numbers = #tpu.dot_dimension_numbers<[1], [0], [0], [1], [0, 0, 1, 1], [], []>, transpose_lhs_hint = false} : vector<1x2048xf32>, vector<2048x512xf32>, vector<1x512xf32> -> vector<1x512xf32>
    %mul3A_430 = arith.constant 2.560000e+02 : f32
    %mul3A_431 = vector.broadcast %mul3A_430 : f32 to vector<1x512xf32>
    %mul3A_432 = arith.mulf %dot_general3A_427, %mul3A_431 : vector<1x512xf32>
    %add3A_433 = arith.addf %mul3A_432, %dot_general3A_429 : vector<1x512xf32>
    %iota3A_434 = tpu.iota {dimensions = array<i32: 1>} : vector<1x512xi32>
    %add3A_435 = arith.constant 5120 : i32
    %add3A_436 = vector.broadcast %add3A_435 : i32 to vector<1x512xi32>
    %add3A_437 = arith.addi %iota3A_434, %add3A_436 : vector<1x512xi32>
    %convert_element_type3A_438 = arith.sitofp %add3A_437 : vector<1x512xi32> to vector<1x512xf32>
    %eq3A_439 = vector.broadcast %broadcast_in_dim3A_149 : vector<2048x1xf32> to vector<2048x512xf32>
    %eq3A_440 = vector.broadcast %convert_element_type3A_438 : vector<1x512xf32> to vector<2048x512xf32>
    %eq3A_441 = arith.cmpf oeq, %eq3A_439, %eq3A_440 : vector<2048x512xf32>
    %eq3A_442 = vector.broadcast %broadcast_in_dim3A_157 : vector<2048x1xf32> to vector<2048x512xf32>
    %eq3A_443 = vector.broadcast %convert_element_type3A_438 : vector<1x512xf32> to vector<2048x512xf32>
    %eq3A_444 = arith.cmpf oeq, %eq3A_442, %eq3A_443 : vector<2048x512xf32>
    %or3A_445 = arith.ori %eq3A_441, %eq3A_444 : vector<2048x512xi1>
    %convert_element_type3A_446 = arith.extui %or3A_445 : vector<2048x512xi1> to vector<2048x512xi32>
    %convert_element_type3A_447 = arith.sitofp %convert_element_type3A_446 : vector<2048x512xi32> to vector<2048x512xf32>
    %dot_general3A_448 = arith.constant dense<0.000000e+00> : vector<1x512xf32>
    %dot_general3A_449 = tpu.matmul %convert_element_type3A_190, %convert_element_type3A_447, %dot_general3A_448 {dimension_numbers = #tpu.dot_dimension_numbers<[1], [0], [0], [1], [0, 0, 1, 1], [], []>, transpose_lhs_hint = false} : vector<1x2048xf32>, vector<2048x512xf32>, vector<1x512xf32> -> vector<1x512xf32>
    %dot_general3A_450 = arith.constant dense<0.000000e+00> : vector<1x512xf32>
    %dot_general3A_451 = tpu.matmul %convert_element_type3A_213, %convert_element_type3A_447, %dot_general3A_450 {dimension_numbers = #tpu.dot_dimension_numbers<[1], [0], [0], [1], [0, 0, 1, 1], [], []>, transpose_lhs_hint = false} : vector<1x2048xf32>, vector<2048x512xf32>, vector<1x512xf32> -> vector<1x512xf32>
    %mul3A_452 = arith.constant 2.560000e+02 : f32
    %mul3A_453 = vector.broadcast %mul3A_452 : f32 to vector<1x512xf32>
    %mul3A_454 = arith.mulf %dot_general3A_449, %mul3A_453 : vector<1x512xf32>
    %add3A_455 = arith.addf %mul3A_454, %dot_general3A_451 : vector<1x512xf32>
    %iota3A_456 = tpu.iota {dimensions = array<i32: 1>} : vector<1x512xi32>
    %add3A_457 = arith.constant 5632 : i32
    %add3A_458 = vector.broadcast %add3A_457 : i32 to vector<1x512xi32>
    %add3A_459 = arith.addi %iota3A_456, %add3A_458 : vector<1x512xi32>
    %convert_element_type3A_460 = arith.sitofp %add3A_459 : vector<1x512xi32> to vector<1x512xf32>
    %eq3A_461 = vector.broadcast %broadcast_in_dim3A_149 : vector<2048x1xf32> to vector<2048x512xf32>
    %eq3A_462 = vector.broadcast %convert_element_type3A_460 : vector<1x512xf32> to vector<2048x512xf32>
    %eq3A_463 = arith.cmpf oeq, %eq3A_461, %eq3A_462 : vector<2048x512xf32>
    %eq3A_464 = vector.broadcast %broadcast_in_dim3A_157 : vector<2048x1xf32> to vector<2048x512xf32>
    %eq3A_465 = vector.broadcast %convert_element_type3A_460 : vector<1x512xf32> to vector<2048x512xf32>
    %eq3A_466 = arith.cmpf oeq, %eq3A_464, %eq3A_465 : vector<2048x512xf32>
    %or3A_467 = arith.ori %eq3A_463, %eq3A_466 : vector<2048x512xi1>
    %convert_element_type3A_468 = arith.extui %or3A_467 : vector<2048x512xi1> to vector<2048x512xi32>
    %convert_element_type3A_469 = arith.sitofp %convert_element_type3A_468 : vector<2048x512xi32> to vector<2048x512xf32>
    %dot_general3A_470 = arith.constant dense<0.000000e+00> : vector<1x512xf32>
    %dot_general3A_471 = tpu.matmul %convert_element_type3A_190, %convert_element_type3A_469, %dot_general3A_470 {dimension_numbers = #tpu.dot_dimension_numbers<[1], [0], [0], [1], [0, 0, 1, 1], [], []>, transpose_lhs_hint = false} : vector<1x2048xf32>, vector<2048x512xf32>, vector<1x512xf32> -> vector<1x512xf32>
    %dot_general3A_472 = arith.constant dense<0.000000e+00> : vector<1x512xf32>
    %dot_general3A_473 = tpu.matmul %convert_element_type3A_213, %convert_element_type3A_469, %dot_general3A_472 {dimension_numbers = #tpu.dot_dimension_numbers<[1], [0], [0], [1], [0, 0, 1, 1], [], []>, transpose_lhs_hint = false} : vector<1x2048xf32>, vector<2048x512xf32>, vector<1x512xf32> -> vector<1x512xf32>
    %mul3A_474 = arith.constant 2.560000e+02 : f32
    %mul3A_475 = vector.broadcast %mul3A_474 : f32 to vector<1x512xf32>
    %mul3A_476 = arith.mulf %dot_general3A_471, %mul3A_475 : vector<1x512xf32>
    %add3A_477 = arith.addf %mul3A_476, %dot_general3A_473 : vector<1x512xf32>
    %concatenate3A_478 = tpu.concatenate %add3A_235, %add3A_257, %add3A_279, %add3A_301, %add3A_323, %add3A_345, %add3A_367, %add3A_389, %add3A_411, %add3A_433, %add3A_455, %add3A_477 in 1 : vector<1x512xf32>, vector<1x512xf32>, vector<1x512xf32>, vector<1x512xf32>, vector<1x512xf32>, vector<1x512xf32>, vector<1x512xf32>, vector<1x512xf32>, vector<1x512xf32>, vector<1x512xf32>, vector<1x512xf32>, vector<1x512xf32> -> vector<1x6144xf32>
    %convert_element_type3A_479 = arith.fptosi %concatenate3A_478 : vector<1x6144xf32> to vector<1x6144xi32>
    %swap3A_480 = arith.constant 0 : index
    %swap3A_481 = arith.constant 0 : index
    %swap3A_482 = vector.load %arg8[%swap3A_480, %swap3A_481] : memref<1x6144xi32, #tpu.memory_space<vmem>>, vector<1x6144xi32>
    tpu.vector_store %arg8[%swap3A_480, %swap3A_481], %convert_element_type3A_479 {strides = array<i32>} : memref<1x6144xi32, #tpu.memory_space<vmem>>, vector<1x6144xi32>,
    %iota3A_483 = tpu.iota {dimensions = array<i32: 1>} : vector<1x32xi32>
    %convert_element_type3A_484 = arith.sitofp %iota3A_483 : vector<1x32xi32> to vector<1x32xf32>
    %broadcast_in_dim3A_485 = arith.constant -1.000000e+00 : f32
    %broadcast_in_dim3A_486 = vector.broadcast %broadcast_in_dim3A_485 : f32 to vector<1x32xf32>
    %slice3A_487 = vector.extract_strided_slice %dot_general3A_136 {offsets = [0, 0], sizes = [1, 1], strides = [1, 1]} : vector<1x8xf32> to vector<1x1xf32>
    %broadcast_in_dim3A_488 = vector.shape_cast %slice3A_487 : vector<1x1xf32> to vector<1x1xf32>
    %broadcast_in_dim3A_489 = vector.broadcast %broadcast_in_dim3A_488 : vector<1x1xf32> to vector<1x32xf32>
    %ge3A = arith.cmpf oge, %convert_element_type3A_484, %broadcast_in_dim3A_489 : vector<1x32xf32>
    %convert_element_type3A_490 = arith.extui %ge3A : vector<1x32xi1> to vector<1x32xi32>
    %convert_element_type3A_491 = arith.sitofp %convert_element_type3A_490 : vector<1x32xi32> to vector<1x32xf32>
    %add3A_492 = arith.addf %broadcast_in_dim3A_486, %convert_element_type3A_491 : vector<1x32xf32>
    %slice3A_493 = vector.extract_strided_slice %dot_general3A_136 {offsets = [0, 1], sizes = [1, 1], strides = [1, 1]} : vector<1x8xf32> to vector<1x1xf32>
    %broadcast_in_dim3A_494 = vector.shape_cast %slice3A_493 : vector<1x1xf32> to vector<1x1xf32>
    %broadcast_in_dim3A_495 = vector.broadcast %broadcast_in_dim3A_494 : vector<1x1xf32> to vector<1x32xf32>
    %ge3A_496 = arith.cmpf oge, %convert_element_type3A_484, %broadcast_in_dim3A_495 : vector<1x32xf32>
    %convert_element_type3A_497 = arith.extui %ge3A_496 : vector<1x32xi1> to vector<1x32xi32>
    %convert_element_type3A_498 = arith.sitofp %convert_element_type3A_497 : vector<1x32xi32> to vector<1x32xf32>
    %add3A_499 = arith.addf %add3A_492, %convert_element_type3A_498 : vector<1x32xf32>
    %slice3A_500 = vector.extract_strided_slice %dot_general3A_136 {offsets = [0, 2], sizes = [1, 1], strides = [1, 1]} : vector<1x8xf32> to vector<1x1xf32>
    %broadcast_in_dim3A_501 = vector.shape_cast %slice3A_500 : vector<1x1xf32> to vector<1x1xf32>
    %broadcast_in_dim3A_502 = vector.broadcast %broadcast_in_dim3A_501 : vector<1x1xf32> to vector<1x32xf32>
    %ge3A_503 = arith.cmpf oge, %convert_element_type3A_484, %broadcast_in_dim3A_502 : vector<1x32xf32>
    %convert_element_type3A_504 = arith.extui %ge3A_503 : vector<1x32xi1> to vector<1x32xi32>
    %convert_element_type3A_505 = arith.sitofp %convert_element_type3A_504 : vector<1x32xi32> to vector<1x32xf32>
    %add3A_506 = arith.addf %add3A_499, %convert_element_type3A_505 : vector<1x32xf32>
    %slice3A_507 = vector.extract_strided_slice %dot_general3A_136 {offsets = [0, 3], sizes = [1, 1], strides = [1, 1]} : vector<1x8xf32> to vector<1x1xf32>
    %broadcast_in_dim3A_508 = vector.shape_cast %slice3A_507 : vector<1x1xf32> to vector<1x1xf32>
    %broadcast_in_dim3A_509 = vector.broadcast %broadcast_in_dim3A_508 : vector<1x1xf32> to vector<1x32xf32>
    %ge3A_510 = arith.cmpf oge, %convert_element_type3A_484, %broadcast_in_dim3A_509 : vector<1x32xf32>
    %convert_element_type3A_511 = arith.extui %ge3A_510 : vector<1x32xi1> to vector<1x32xi32>
    %convert_element_type3A_512 = arith.sitofp %convert_element_type3A_511 : vector<1x32xi32> to vector<1x32xf32>
    %add3A_513 = arith.addf %add3A_506, %convert_element_type3A_512 : vector<1x32xf32>
    %slice3A_514 = vector.extract_strided_slice %dot_general3A_136 {offsets = [0, 4], sizes = [1, 1], strides = [1, 1]} : vector<1x8xf32> to vector<1x1xf32>
    %broadcast_in_dim3A_515 = vector.shape_cast %slice3A_514 : vector<1x1xf32> to vector<1x1xf32>
    %broadcast_in_dim3A_516 = vector.broadcast %broadcast_in_dim3A_515 : vector<1x1xf32> to vector<1x32xf32>
    %ge3A_517 = arith.cmpf oge, %convert_element_type3A_484, %broadcast_in_dim3A_516 : vector<1x32xf32>
    %convert_element_type3A_518 = arith.extui %ge3A_517 : vector<1x32xi1> to vector<1x32xi32>
    %convert_element_type3A_519 = arith.sitofp %convert_element_type3A_518 : vector<1x32xi32> to vector<1x32xf32>
    %add3A_520 = arith.addf %add3A_513, %convert_element_type3A_519 : vector<1x32xf32>
    %slice3A_521 = vector.extract_strided_slice %dot_general3A_136 {offsets = [0, 5], sizes = [1, 1], strides = [1, 1]} : vector<1x8xf32> to vector<1x1xf32>
    %broadcast_in_dim3A_522 = vector.shape_cast %slice3A_521 : vector<1x1xf32> to vector<1x1xf32>
    %broadcast_in_dim3A_523 = vector.broadcast %broadcast_in_dim3A_522 : vector<1x1xf32> to vector<1x32xf32>
    %ge3A_524 = arith.cmpf oge, %convert_element_type3A_484, %broadcast_in_dim3A_523 : vector<1x32xf32>
    %convert_element_type3A_525 = arith.extui %ge3A_524 : vector<1x32xi1> to vector<1x32xi32>
    %convert_element_type3A_526 = arith.sitofp %convert_element_type3A_525 : vector<1x32xi32> to vector<1x32xf32>
    %add3A_527 = arith.addf %add3A_520, %convert_element_type3A_526 : vector<1x32xf32>
    %slice3A_528 = vector.extract_strided_slice %dot_general3A_136 {offsets = [0, 6], sizes = [1, 1], strides = [1, 1]} : vector<1x8xf32> to vector<1x1xf32>
    %broadcast_in_dim3A_529 = vector.shape_cast %slice3A_528 : vector<1x1xf32> to vector<1x1xf32>
    %broadcast_in_dim3A_530 = vector.broadcast %broadcast_in_dim3A_529 : vector<1x1xf32> to vector<1x32xf32>
    %ge3A_531 = arith.cmpf oge, %convert_element_type3A_484, %broadcast_in_dim3A_530 : vector<1x32xf32>
    %convert_element_type3A_532 = arith.extui %ge3A_531 : vector<1x32xi1> to vector<1x32xi32>
    %convert_element_type3A_533 = arith.sitofp %convert_element_type3A_532 : vector<1x32xi32> to vector<1x32xf32>
    %add3A_534 = arith.addf %add3A_527, %convert_element_type3A_533 : vector<1x32xf32>
    %slice3A_535 = vector.extract_strided_slice %dot_general3A_136 {offsets = [0, 7], sizes = [1, 1], strides = [1, 1]} : vector<1x8xf32> to vector<1x1xf32>
    %broadcast_in_dim3A_536 = vector.shape_cast %slice3A_535 : vector<1x1xf32> to vector<1x1xf32>
    %broadcast_in_dim3A_537 = vector.broadcast %broadcast_in_dim3A_536 : vector<1x1xf32> to vector<1x32xf32>
    %ge3A_538 = arith.cmpf oge, %convert_element_type3A_484, %broadcast_in_dim3A_537 : vector<1x32xf32>
    %convert_element_type3A_539 = arith.extui %ge3A_538 : vector<1x32xi1> to vector<1x32xi32>
    %convert_element_type3A_540 = arith.sitofp %convert_element_type3A_539 : vector<1x32xi32> to vector<1x32xf32>
    %add3A_541 = arith.addf %add3A_534, %convert_element_type3A_540 : vector<1x32xf32>
    %reduce_sum3A_542 = arith.constant dense<0.000000e+00> : vector<1xf32>
    %reduce_sum3A_543 = vector.multi_reduction <add>, %floor3A, %reduce_sum3A_542 [1] : vector<1x8xf32> to vector<1xf32>
    %broadcast_in_dim3A_544 = vector.shape_cast %reduce_sum3A_543 : vector<1xf32> to vector<1x1xf32>
    %iota3A_545 = tpu.iota {dimensions = array<i32: 1>} : vector<1x32xi32>
    %eq3A_546 = arith.constant 31 : i32
    %eq3A_547 = vector.broadcast %eq3A_546 : i32 to vector<1x32xi32>
    %eq3A_548 = arith.cmpi eq, %iota3A_545, %eq3A_547 : vector<1x32xi32>
    %broadcast_in_dim3A_549 = vector.shape_cast %broadcast_in_dim3A_544 : vector<1x1xf32> to vector<1x1xf32>
    %broadcast_in_dim3A_550 = vector.broadcast %broadcast_in_dim3A_549 : vector<1x1xf32> to vector<1x32xf32>
    %select_n3A_551 = arith.select %eq3A_548, %broadcast_in_dim3A_550, %add3A_541 : vector<1x32xi1>, vector<1x32xf32>
    %convert_element_type3A_552 = arith.fptosi %select_n3A_551 : vector<1x32xf32> to vector<1x32xi32>
    %swap3A_553 = arith.constant 0 : index
    %swap3A_554 = arith.constant 0 : index
    %swap3A_555 = vector.load %arg7[%swap3A_553, %swap3A_554] : memref<1x32xi32, #tpu.memory_space<vmem>>, vector<1x32xi32>
    tpu.vector_store %arg7[%swap3A_553, %swap3A_554], %convert_element_type3A_552 {strides = array<i32>} : memref<1x32xi32, #tpu.memory_space<vmem>>, vector<1x32xi32>,
    %get3A_556 = arith.constant 0 : index
    %get3A_557 = arith.constant 0 : index
    %get3A_558 = vector.load %arg3[%get3A_556, %get3A_557] : memref<2048x1xf32, #tpu.memory_space<vmem>>, vector<2048x1xf32>
    %dot_general3A_559 = arith.constant dense<0.000000e+00> : vector<2048x1xf32>
    %dot_general3A_560 = tpu.matmul %get3A_1, %get3A_558, %dot_general3A_559 {dimension_numbers = #tpu.dot_dimension_numbers<[1], [0], [0], [1], [0, 0, 1, 1], [], []>, transpose_lhs_hint = false} : vector<2048x2048xf32>, vector<2048x1xf32>, vector<2048x1xf32> -> vector<2048x1xf32>
    %logistic3A_561 = arith.negf %dot_general3A_560 : vector<2048x1xf32>
    %logistic3A_562 = math.exp %logistic3A_561 : vector<2048x1xf32>
    %logistic3A_563 = arith.constant 1.000000e+00 : f32
    %logistic3A_564 = vector.broadcast %logistic3A_563 : f32 to vector<2048x1xf32>
    %logistic3A_565 = arith.addf %logistic3A_564, %logistic3A_562 : vector<2048x1xf32>
    %logistic3A_566 = arith.divf %logistic3A_564, %logistic3A_565 : vector<2048x1xf32>
    %swap3A_567 = arith.constant 0 : index
    %swap3A_568 = arith.constant 0 : index
    %swap3A_569 = vector.load %arg6[%swap3A_567, %swap3A_568] : memref<2048x1xf32, #tpu.memory_space<vmem>>, vector<2048x1xf32>
    tpu.vector_store %arg6[%swap3A_567, %swap3A_568], %logistic3A_566 {strides = array<i32>} : memref<2048x1xf32, #tpu.memory_space<vmem>>, vector<2048x1xf32>,
    return
  }
  func.func @transform_0(%arg0: i32) -> (i32, i32) {
    %c0_i32 = arith.constant 0 : i32
    %c0_i32_0 = arith.constant 0 : i32
    %c0_i32_1 = arith.constant 0 : i32
    return %c0_i32, %c0_i32_0 : i32, i32
  }
  func.func @transform_1(%arg0: i32) -> (i32, i32) {
    %c0_i32 = arith.constant 0 : i32
    %c0_i32_0 = arith.constant 0 : i32
    %c0_i32_1 = arith.constant 0 : i32
    return %c0_i32, %c0_i32_0 : i32, i32
  }
  func.func @transform_2(%arg0: i32) -> (i32, i32) {
    %c0_i32 = arith.constant 0 : i32
    %c0_i32_0 = arith.constant 0 : i32
    %c0_i32_1 = arith.constant 0 : i32
    return %c0_i32, %c0_i32_0 : i32, i32
  }
  func.func @transform_3(%arg0: i32) -> (i32, i32) {
    %c0_i32 = arith.constant 0 : i32
    %c0_i32_0 = arith.constant 0 : i32
    %c0_i32_1 = arith.constant 0 : i32
    return %c0_i32, %c0_i32_0 : i32, i32
  }
  func.func @transform_4(%arg0: i32) -> (i32, i32) {
    %c0_i32 = arith.constant 0 : i32
    %c0_i32_0 = arith.constant 0 : i32
    %c0_i32_1 = arith.constant 0 : i32
    return %c0_i32, %c0_i32_0 : i32, i32
  }
  func.func @transform_5(%arg0: i32) -> (i32, i32) {
    %c0_i32 = arith.constant 0 : i32
    %c0_i32_0 = arith.constant 0 : i32
    %c0_i32_1 = arith.constant 0 : i32
    return %c0_i32, %c0_i32_0 : i32, i32
  }
  func.func @transform_6(%arg0: i32) -> (i32, i32) {
    %c0_i32 = arith.constant 0 : i32
    %c0_i32_0 = arith.constant 0 : i32
    %c0_i32_1 = arith.constant 0 : i32
    return %c0_i32, %c0_i32_0 : i32, i32
  }
  func.func @transform_7(%arg0: i32) -> (i32, i32) {
    %c0_i32 = arith.constant 0 : i32
    %c0_i32_0 = arith.constant 0 : i32
    %c0_i32_1 = arith.constant 0 : i32
    return %c0_i32, %c0_i32_0 : i32, i32
  }
}

module attributes {stable_mosaic.version = 14 : i64} {
  func.func @_grouped_body(%arg0: i32, %arg1: memref<32xi32, #tpu.memory_space<smem>>, %arg2: memref<256x2048xbf16, #tpu.memory_space<vmem>>, %arg3: memref<1x2048x768xbf16, #tpu.memory_space<vmem>>, %arg4: memref<1x2048x768xbf16, #tpu.memory_space<vmem>>, %arg5: memref<1x768x2048xbf16, #tpu.memory_space<vmem>>, %arg6: memref<256x2048xf32, #tpu.memory_space<vmem>>) attributes {dimension_semantics = [#tpu.dimension_semantics<arbitrary>], iteration_bounds = array<i64: 24>, scalar_prefetch = 1 : i64, scratch_operands = 0 : i64, tpu.core_type = #tpu.core_type<tc>, window_params = [{transform_indices = @transform_0, window_bounds = array<i64: 256, 2048>}, {transform_indices = @transform_1, window_bounds = array<i64: 1, 2048, 768>}, {transform_indices = @transform_2, window_bounds = array<i64: 1, 2048, 768>}, {transform_indices = @transform_3, window_bounds = array<i64: 1, 768, 2048>}, {transform_indices = @transform_4, window_bounds = array<i64: 256, 2048>}]} {
    %get3A = arith.constant 31 : index
    %get3A_0 = memref.load %arg1[%get3A] : memref<32xi32, #tpu.memory_space<smem>>
    %lt3A = arith.cmpi slt, %arg0, %get3A_0 : i32
    %convert_element_type3A = arith.extui %lt3A : i1 to i32
    %cond3A = arith.constant 0 : i32
    %cond3A_1 = arith.cmpi ne, %convert_element_type3A, %cond3A : i32
    scf.if %cond3A_1 {
      %get3A_2 = arith.constant 0 : index
      %get3A_3 = arith.constant 0 : index
      %get3A_4 = vector.load %arg2[%get3A_2, %get3A_3] : memref<256x2048xbf16, #tpu.memory_space<vmem>>, vector<256x2048xbf16>
      %get3A_5 = arith.constant 0 : index
      %get3A_6 = arith.constant 0 : index
      %get3A_7 = arith.constant 0 : index
      %get3A_8 = vector.load %arg3[%get3A_5, %get3A_6, %get3A_7] : memref<1x2048x768xbf16, #tpu.memory_space<vmem>>, vector<1x2048x768xbf16>
      %get3A_9 = vector.shape_cast %get3A_8 : vector<1x2048x768xbf16> to vector<2048x768xbf16>
      %dot_general3A = arith.constant dense<0.000000e+00> : vector<256x768xf32>
      %dot_general3A_10 = tpu.matmul %get3A_4, %get3A_9, %dot_general3A {dimension_numbers = #tpu.dot_dimension_numbers<[1], [0], [0], [1], [0, 0, 1, 1], [], []>, transpose_lhs_hint = false} : vector<256x2048xbf16>, vector<2048x768xbf16>, vector<256x768xf32> -> vector<256x768xf32>
      %get3A_11 = arith.constant 0 : index
      %get3A_12 = arith.constant 0 : index
      %get3A_13 = arith.constant 0 : index
      %get3A_14 = vector.load %arg4[%get3A_11, %get3A_12, %get3A_13] : memref<1x2048x768xbf16, #tpu.memory_space<vmem>>, vector<1x2048x768xbf16>
      %get3A_15 = vector.shape_cast %get3A_14 : vector<1x2048x768xbf16> to vector<2048x768xbf16>
      %dot_general3A_16 = arith.constant dense<0.000000e+00> : vector<256x768xf32>
      %dot_general3A_17 = tpu.matmul %get3A_4, %get3A_15, %dot_general3A_16 {dimension_numbers = #tpu.dot_dimension_numbers<[1], [0], [0], [1], [0, 0, 1, 1], [], []>, transpose_lhs_hint = false} : vector<256x2048xbf16>, vector<2048x768xbf16>, vector<256x768xf32> -> vector<256x768xf32>
      %logistic3A = arith.negf %dot_general3A_10 : vector<256x768xf32>
      %logistic3A_18 = math.exp %logistic3A : vector<256x768xf32>
      %logistic3A_19 = arith.constant 1.000000e+00 : f32
      %logistic3A_20 = vector.broadcast %logistic3A_19 : f32 to vector<256x768xf32>
      %logistic3A_21 = arith.addf %logistic3A_20, %logistic3A_18 : vector<256x768xf32>
      %logistic3A_22 = arith.divf %logistic3A_20, %logistic3A_21 : vector<256x768xf32>
      %mul3A = arith.mulf %dot_general3A_10, %logistic3A_22 : vector<256x768xf32>
      %mul3A_23 = arith.mulf %mul3A, %dot_general3A_17 : vector<256x768xf32>
      %convert_element_type3A_24 = arith.truncf %mul3A_23 : vector<256x768xf32> to vector<256x768xbf16>
      %get3A_25 = arith.constant 0 : index
      %get3A_26 = arith.constant 0 : index
      %get3A_27 = arith.constant 0 : index
      %get3A_28 = vector.load %arg5[%get3A_25, %get3A_26, %get3A_27] : memref<1x768x2048xbf16, #tpu.memory_space<vmem>>, vector<1x768x2048xbf16>
      %get3A_29 = vector.shape_cast %get3A_28 : vector<1x768x2048xbf16> to vector<768x2048xbf16>
      %dot_general3A_30 = arith.constant dense<0.000000e+00> : vector<256x2048xf32>
      %dot_general3A_31 = tpu.matmul %convert_element_type3A_24, %get3A_29, %dot_general3A_30 {dimension_numbers = #tpu.dot_dimension_numbers<[1], [0], [0], [1], [0, 0, 1, 1], [], []>, transpose_lhs_hint = false} : vector<256x768xbf16>, vector<768x2048xbf16>, vector<256x2048xf32> -> vector<256x2048xf32>
      %swap3A = arith.constant 0 : index
      %swap3A_32 = arith.constant 0 : index
      %swap3A_33 = vector.load %arg6[%swap3A, %swap3A_32] : memref<256x2048xf32, #tpu.memory_space<vmem>>, vector<256x2048xf32>
      tpu.vector_store %arg6[%swap3A, %swap3A_32], %dot_general3A_31 {strides = array<i32>} : memref<256x2048xf32, #tpu.memory_space<vmem>>, vector<256x2048xf32>,
    } else {
    }
    return
  }
  func.func @transform_0(%arg0: i32, %arg1: memref<32xi32, #tpu.memory_space<smem>>) -> (i32, i32) {
    %c0_i32 = arith.constant 0 : i32
    %c0_i32_0 = arith.constant 0 : i32
    return %arg0, %c0_i32 : i32, i32
  }
  func.func @transform_1(%arg0: i32, %arg1: memref<32xi32, #tpu.memory_space<smem>>) -> (i32, i32, i32) {
    %get3A = arith.index_cast %arg0 : i32 to index
    %get3A_0 = memref.load %arg1[%get3A] : memref<32xi32, #tpu.memory_space<smem>>
    %c0_i32 = arith.constant 0 : i32
    %c0_i32_1 = arith.constant 0 : i32
    %c0_i32_2 = arith.constant 0 : i32
    return %get3A_0, %c0_i32, %c0_i32_1 : i32, i32, i32
  }
  func.func @transform_2(%arg0: i32, %arg1: memref<32xi32, #tpu.memory_space<smem>>) -> (i32, i32, i32) {
    %get3A = arith.index_cast %arg0 : i32 to index
    %get3A_0 = memref.load %arg1[%get3A] : memref<32xi32, #tpu.memory_space<smem>>
    %c0_i32 = arith.constant 0 : i32
    %c0_i32_1 = arith.constant 0 : i32
    %c0_i32_2 = arith.constant 0 : i32
    return %get3A_0, %c0_i32, %c0_i32_1 : i32, i32, i32
  }
  func.func @transform_3(%arg0: i32, %arg1: memref<32xi32, #tpu.memory_space<smem>>) -> (i32, i32, i32) {
    %get3A = arith.index_cast %arg0 : i32 to index
    %get3A_0 = memref.load %arg1[%get3A] : memref<32xi32, #tpu.memory_space<smem>>
    %c0_i32 = arith.constant 0 : i32
    %c0_i32_1 = arith.constant 0 : i32
    %c0_i32_2 = arith.constant 0 : i32
    return %get3A_0, %c0_i32, %c0_i32_1 : i32, i32, i32
  }
  func.func @transform_4(%arg0: i32, %arg1: memref<32xi32, #tpu.memory_space<smem>>) -> (i32, i32) {
    %c0_i32 = arith.constant 0 : i32
    %c0_i32_0 = arith.constant 0 : i32
    return %arg0, %c0_i32 : i32, i32
  }
}

module attributes {stable_mosaic.version = 14 : i64} {
  func.func @_shared_body(%arg0: i32, %arg1: memref<512x2048xbf16, #tpu.memory_space<vmem>>, %arg2: memref<2048x4096xbf16, #tpu.memory_space<vmem>>, %arg3: memref<2048x2048xbf16, #tpu.memory_space<vmem>>, %arg4: memref<512x1xf32, #tpu.memory_space<vmem>>, %arg5: memref<512x2048xf32, #tpu.memory_space<vmem>>) attributes {dimension_semantics = [#tpu.dimension_semantics<arbitrary>], iteration_bounds = array<i64: 4>, scalar_prefetch = 0 : i64, scratch_operands = 0 : i64, tpu.core_type = #tpu.core_type<tc>, window_params = [{transform_indices = @transform_0, window_bounds = array<i64: 512, 2048>}, {pipeline_mode = #tpu.pipeline_mode<synchronous>, transform_indices = @transform_1, window_bounds = array<i64: 2048, 4096>}, {pipeline_mode = #tpu.pipeline_mode<synchronous>, transform_indices = @transform_2, window_bounds = array<i64: 2048, 2048>}, {transform_indices = @transform_3, window_bounds = array<i64: 512, 1>}, {transform_indices = @transform_4, window_bounds = array<i64: 512, 2048>}]} {
    %get3A = arith.constant 0 : index
    %get3A_0 = arith.constant 0 : index
    %get3A_1 = vector.load %arg1[%get3A, %get3A_0] : memref<512x2048xbf16, #tpu.memory_space<vmem>>, vector<512x2048xbf16>
    %get3A_2 = arith.constant 0 : index
    %get3A_3 = arith.constant 0 : index
    %get3A_4 = vector.load %arg2[%get3A_2, %get3A_3] : memref<2048x4096xbf16, #tpu.memory_space<vmem>>, vector<2048x4096xbf16>
    %dot_general3A = arith.constant dense<0.000000e+00> : vector<512x4096xf32>
    %dot_general3A_5 = tpu.matmul %get3A_1, %get3A_4, %dot_general3A {dimension_numbers = #tpu.dot_dimension_numbers<[1], [0], [0], [1], [0, 0, 1, 1], [], []>, transpose_lhs_hint = false} : vector<512x2048xbf16>, vector<2048x4096xbf16>, vector<512x4096xf32> -> vector<512x4096xf32>
    %slice3A = vector.extract_strided_slice %dot_general3A_5 {offsets = [0, 0], sizes = [512, 2048], strides = [1, 1]} : vector<512x4096xf32> to vector<512x2048xf32>
    %slice3A_6 = vector.extract_strided_slice %dot_general3A_5 {offsets = [0, 2048], sizes = [512, 2048], strides = [1, 1]} : vector<512x4096xf32> to vector<512x2048xf32>
    %logistic3A = arith.negf %slice3A : vector<512x2048xf32>
    %logistic3A_7 = math.exp %logistic3A : vector<512x2048xf32>
    %logistic3A_8 = arith.constant 1.000000e+00 : f32
    %logistic3A_9 = vector.broadcast %logistic3A_8 : f32 to vector<512x2048xf32>
    %logistic3A_10 = arith.addf %logistic3A_9, %logistic3A_7 : vector<512x2048xf32>
    %logistic3A_11 = arith.divf %logistic3A_9, %logistic3A_10 : vector<512x2048xf32>
    %mul3A = arith.mulf %slice3A, %logistic3A_11 : vector<512x2048xf32>
    %mul3A_12 = arith.mulf %mul3A, %slice3A_6 : vector<512x2048xf32>
    %convert_element_type3A = arith.truncf %mul3A_12 : vector<512x2048xf32> to vector<512x2048xbf16>
    %get3A_13 = arith.constant 0 : index
    %get3A_14 = arith.constant 0 : index
    %get3A_15 = vector.load %arg3[%get3A_13, %get3A_14] : memref<2048x2048xbf16, #tpu.memory_space<vmem>>, vector<2048x2048xbf16>
    %dot_general3A_16 = arith.constant dense<0.000000e+00> : vector<512x2048xf32>
    %dot_general3A_17 = tpu.matmul %convert_element_type3A, %get3A_15, %dot_general3A_16 {dimension_numbers = #tpu.dot_dimension_numbers<[1], [0], [0], [1], [0, 0, 1, 1], [], []>, transpose_lhs_hint = false} : vector<512x2048xbf16>, vector<2048x2048xbf16>, vector<512x2048xf32> -> vector<512x2048xf32>
    %get3A_18 = arith.constant 0 : index
    %get3A_19 = arith.constant 0 : index
    %get3A_20 = vector.load %arg4[%get3A_18, %get3A_19] : memref<512x1xf32, #tpu.memory_space<vmem>>, vector<512x1xf32>
    %mul3A_21 = vector.broadcast %get3A_20 : vector<512x1xf32> to vector<512x2048xf32>
    %mul3A_22 = arith.mulf %mul3A_21, %dot_general3A_17 : vector<512x2048xf32>
    %swap3A = arith.constant 0 : index
    %swap3A_23 = arith.constant 0 : index
    %swap3A_24 = vector.load %arg5[%swap3A, %swap3A_23] : memref<512x2048xf32, #tpu.memory_space<vmem>>, vector<512x2048xf32>
    tpu.vector_store %arg5[%swap3A, %swap3A_23], %mul3A_22 {strides = array<i32>} : memref<512x2048xf32, #tpu.memory_space<vmem>>, vector<512x2048xf32>,
    return
  }
  func.func @transform_0(%arg0: i32) -> (i32, i32) {
    %c0_i32 = arith.constant 0 : i32
    %c0_i32_0 = arith.constant 0 : i32
    return %arg0, %c0_i32 : i32, i32
  }
  func.func @transform_1(%arg0: i32) -> (i32, i32) {
    %c0_i32 = arith.constant 0 : i32
    %c0_i32_0 = arith.constant 0 : i32
    %c0_i32_1 = arith.constant 0 : i32
    return %c0_i32, %c0_i32_0 : i32, i32
  }
  func.func @transform_2(%arg0: i32) -> (i32, i32) {
    %c0_i32 = arith.constant 0 : i32
    %c0_i32_0 = arith.constant 0 : i32
    %c0_i32_1 = arith.constant 0 : i32
    return %c0_i32, %c0_i32_0 : i32, i32
  }
  func.func @transform_3(%arg0: i32) -> (i32, i32) {
    %c0_i32 = arith.constant 0 : i32
    %c0_i32_0 = arith.constant 0 : i32
    return %arg0, %c0_i32 : i32, i32
  }
  func.func @transform_4(%arg0: i32) -> (i32, i32) {
    %c0_i32 = arith.constant 0 : i32
    %c0_i32_0 = arith.constant 0 : i32
    return %arg0, %c0_i32 : i32, i32
  }
}

module attributes {stable_mosaic.version = 14 : i64} {
  func.func @_combine_body(%arg0: i32, %arg1: memref<512x2048xf32, #tpu.memory_space<vmem>>, %arg2: memref<512x4096xf32, #tpu.memory_space<vmem>>, %arg3: memref<512x2xf32, #tpu.memory_space<vmem>>, %arg4: memref<512x2048xf32, #tpu.memory_space<vmem>>) attributes {dimension_semantics = [#tpu.dimension_semantics<arbitrary>], iteration_bounds = array<i64: 4>, scalar_prefetch = 0 : i64, scratch_operands = 0 : i64, tpu.core_type = #tpu.core_type<tc>, window_params = [{transform_indices = @transform_0, window_bounds = array<i64: 512, 2048>}, {transform_indices = @transform_1, window_bounds = array<i64: 512, 4096>}, {transform_indices = @transform_2, window_bounds = array<i64: 512, 2>}, {transform_indices = @transform_3, window_bounds = array<i64: 512, 2048>}]} {
    %get3A = arith.constant 0 : index
    %get3A_0 = arith.constant 0 : index
    %get3A_1 = vector.load %arg3[%get3A, %get3A_0] : memref<512x2xf32, #tpu.memory_space<vmem>>, vector<512x2xf32>
    %get3A_2 = arith.constant 0 : index
    %get3A_3 = arith.constant 0 : index
    %get3A_4 = vector.load %arg2[%get3A_2, %get3A_3] : memref<512x4096xf32, #tpu.memory_space<vmem>>, vector<512x4096xf32>
    %get3A_5 = arith.constant 0 : index
    %get3A_6 = arith.constant 0 : index
    %get3A_7 = vector.load %arg1[%get3A_5, %get3A_6] : memref<512x2048xf32, #tpu.memory_space<vmem>>, vector<512x2048xf32>
    %slice3A = vector.extract_strided_slice %get3A_1 {offsets = [0, 0], sizes = [512, 1], strides = [1, 1]} : vector<512x2xf32> to vector<512x1xf32>
    %slice3A_8 = vector.extract_strided_slice %get3A_4 {offsets = [0, 0], sizes = [512, 2048], strides = [1, 1]} : vector<512x4096xf32> to vector<512x2048xf32>
    %mul3A = vector.broadcast %slice3A : vector<512x1xf32> to vector<512x2048xf32>
    %mul3A_9 = arith.mulf %mul3A, %slice3A_8 : vector<512x2048xf32>
    %add3A = arith.addf %get3A_7, %mul3A_9 : vector<512x2048xf32>
    %slice3A_10 = vector.extract_strided_slice %get3A_1 {offsets = [0, 1], sizes = [512, 1], strides = [1, 1]} : vector<512x2xf32> to vector<512x1xf32>
    %slice3A_11 = vector.extract_strided_slice %get3A_4 {offsets = [0, 2048], sizes = [512, 2048], strides = [1, 1]} : vector<512x4096xf32> to vector<512x2048xf32>
    %mul3A_12 = vector.broadcast %slice3A_10 : vector<512x1xf32> to vector<512x2048xf32>
    %mul3A_13 = arith.mulf %mul3A_12, %slice3A_11 : vector<512x2048xf32>
    %add3A_14 = arith.addf %add3A, %mul3A_13 : vector<512x2048xf32>
    %swap3A = arith.constant 0 : index
    %swap3A_15 = arith.constant 0 : index
    %swap3A_16 = vector.load %arg4[%swap3A, %swap3A_15] : memref<512x2048xf32, #tpu.memory_space<vmem>>, vector<512x2048xf32>
    tpu.vector_store %arg4[%swap3A, %swap3A_15], %add3A_14 {strides = array<i32>} : memref<512x2048xf32, #tpu.memory_space<vmem>>, vector<512x2048xf32>,
    return
  }
  func.func @transform_0(%arg0: i32) -> (i32, i32) {
    %c0_i32 = arith.constant 0 : i32
    %c0_i32_0 = arith.constant 0 : i32
    return %arg0, %c0_i32 : i32, i32
  }
  func.func @transform_1(%arg0: i32) -> (i32, i32) {
    %c0_i32 = arith.constant 0 : i32
    %c0_i32_0 = arith.constant 0 : i32
    return %arg0, %c0_i32 : i32, i32
  }
  func.func @transform_2(%arg0: i32) -> (i32, i32) {
    %c0_i32 = arith.constant 0 : i32
    %c0_i32_0 = arith.constant 0 : i32
    return %arg0, %c0_i32 : i32, i32
  }
  func.func @transform_3(%arg0: i32) -> (i32, i32) {
    %c0_i32 = arith.constant 0 : i32
    %c0_i32_0 = arith.constant 0 : i32
    return %arg0, %c0_i32 : i32, i32
  }
}

</mosaic_0001>

<sc_bundles>
// kernel: kernel.11.cloned.1.call-start
scs
__scs_entry_jumppad:
0x0: {  	(pc) =	sbr.rel $0x88, $3  }
0x1: {  	(tag) =	ssettag $0x0;
	lr =	simm.s32 $0x1  }
0x2: {  	[smem:$0x3F99] =	sst lr;
	_ =	strace $0xD0000000  }
0x3: {  	_ = 	snop  }
0x4: {  	_ = 	snop  }
0x5: {  	_ = 	snop  }
0x6: {  	_ = 	snop  }
0x7: {  	_ = 	snop  }
__scs_overlays_trampoline_lowered:
0x8: {  	[smem:$0x3FA8] =	sst s0  }
0x9: {  	[smem:$0x3FA9] =	sst s1  }
0xa: {  	[smem:$0x3FAA] =	sst s2  }
0xb: {  	[smem:$0x3FAB] =	sst s3  }
0xc: {  	[smem:$0x3FAC] =	sst s4  }
0xd: {  	[smem:$0x3FAD] =	sst s5  }
0xe: {  	[smem:$0x3FAE] =	sst s6  }
0xf: {  	[smem:$0x3FAF] =	sst s7  }
0x10: {  	[smem:$0x3FB0] =	sst s8  }
0x11: {  	[smem:$0x3FB1] =	sst s9;
	s0 =	simm.s32 @!p0 $0x0  }
0x12: {  	s1 =	sld [smem:$0x3F97];
	s0 =	simm.s32 @p0 $0x1  }
0x13: {  	[smem:$0x3FB2] =	sst s0;
	s0 =	simm.s32 @!p1 $0x0  }
0x14: {  	s2 =	sld [smem:$0x3F96];
	s0 =	simm.s32 @p1 $0x1  }
0x15: {  	[smem:$0x3FB3] =	sst s0;
	s0 =	simm.s32 @!p2 $0x0  }
0x16: {  	s3 =	sld [smem:$0x3FDB];
	s0 =	simm.s32 @p2 $0x1  }
0x17: {  	s4 =	simm.s32 $0x1BF5;
	[smem:$0x3FB5] =	sst s0  }
0x18: {  	s0 =	sld [smem:$0x3F98];
	_ =	swait.ge [sflag:s4], $0x0  }
0x19: {  	s7 =	sld [smem:$0x3F99]  }
0x1a: {  	s8 =	sadd.s32 $0xFFFFE003, lr  }
0x1b: {  	s9 =	sadd.s32 $0xFFFFFEF7, lr;
	s5 =	simm.s32 $0xFFFFFFFF;
	p2 =	slt.u32 s8, $0xFFFFF086  }
0x1c: {  	p1 =	slt.u32 s9, $0xF7A;
	s5 =	simm.s32 @!p2 $0x0  }
0x1d: {  	s5 =	simm.s32 @p1 $0x1;
	p0 =	seq.s32 s7, s2  }
0x1e: {  	s7 =	smul.u32 @!p0 $0xF7A, s2;
	p2 =	seq.s32 @!p0 s5, $0x0  }
0x1f: {  	s9 =	smul.u32 $0xF7A, s1;
	s8 =	simm.s32 @!p0 $0x1BF5;
	p2 =	por !p2, p0  }
0x20: {  	[sflag:s8] =	ssyncset.s32 @!p0 $0xFFFFF086;
	s6 =	sadd.s32 @!p0 s3, s7;
	s7 =	simm.s32 @!p0 $0x108  }
0x21: {  	s3 =	sadd.s32 s3, s9;
	s6 =	sadd.s32 @!p0 $0x88, s6;
	s7 =	simm.s32 @p2 $0x1082  }
0x22: {  	[simem:s7], [sflag:s8] =	dma.local @!p0 [hbm:s6], $0xF7A  }
0x23: {  	s9 =	sor.u32 $0xD0000000, s2;
	s6 =	simm.s32 $0x108;
	_ =	swait.ge @!p0 [sflag:s8], $0x0  }
0x24: {  	s3 =	sadd.s32 $0x88, s3;
	s6 =	simm.s32 @!p1 $0x1082;
	[sflag:s4] =	ssyncset.s32 $0xFFFFF086  }
0x25: {  	[simem:s6], [sflag:s4] =	dma.local [hbm:s3], $0xF7A  }
0x26: {  	[smem:$0x3F99] =	sst s1;
	(tag) =	ssettag s2;
	_ =	strace s9  }
0x27: {  	s1 =	sld [smem:$0x3FA9]  }
0x28: {  	s2 =	sld [smem:$0x3FAA]  }
0x29: {  	s4 =	sld [smem:$0x3FAC]  }
0x2a: {  	p0 =	seq.s32 s5, $0x0;
	s5 =	sld [smem:$0x3FAD]  }
0x2b: {  	s6 =	sld [smem:$0x3FAE]  }
0x2c: {  	s7 =	sld [smem:$0x3FAF]  }
0x2d: {  	s3 =	simm.s32 $0x108;
	s8 =	sld [smem:$0x3FB0]  }
0x2e: {  	s3 =	simm.s32 @!p0 $0x1082;
	s9 =	sld [smem:$0x3FB1]  }
0x2f: {  	lr =	sadd.s32 s0, s3;
	s0 =	sld [smem:$0x3FA8]  }
0x30: {  	s3 =	sld [smem:$0x3FAB]  }
0x31: {  	[smem:$0x3FB4] =	sst s10  }
0x32: {  	s10 =	sld [smem:$0x3FB2];
	_ =	sdelay $0x3  }
0x33: {  	p0 =	seq.s32 s10, $0x1;
	s10 =	sld [smem:$0x3FB4];
	_ =	sdelay $0x3  }
0x34: {  	[smem:$0x3FB4] =	sst s10  }
0x35: {  	s10 =	sld [smem:$0x3FB3];
	_ =	sdelay $0x3  }
0x36: {  	p1 =	seq.s32 s10, $0x1;
	s10 =	sld [smem:$0x3FB4];
	_ =	sdelay $0x3  }
0x37: {  	[smem:$0x3FB4] =	sst s10  }
0x38: {  	s10 =	sld [smem:$0x3FB5]  }
0x39: {  	_ = 	snop;
	(pc) =	sbr.ind lr, $3  }
0x3a: {  	_ = 	snop  }
0x3b: {  	_ = 	snop  }
0x3c: {  	p2 =	seq.s32 s10, $0x1;
	s10 =	sld [smem:$0x3FB4]  }
0x3d: {  	_ =	shalt  }
0x3e: {  	_ =	shalt  }
0x3f: {  	_ =	shalt  }
0x40: {  	_ =	shalt  }
0x41: {  	_ =	shalt  }
0x42: {  	_ =	shalt  }
0x43: {  	_ =	shalt  }
0x44: {  	_ =	shalt  }
0x45: {  	_ =	shalt  }
0x46: {  	_ =	shalt  }
0x47: {  	_ =	shalt  }
0x48: {  	_ =	shalt  }
0x49: {  	_ =	shalt  }
0x4a: {  	_ =	shalt  }
0x4b: {  	_ =	shalt  }
0x4c: {  	_ =	shalt  }
0x4d: {  	_ =	shalt  }
0x4e: {  	_ =	shalt  }
0x4f: {  	_ =	shalt  }
0x50: {  	_ =	shalt  }
0x51: {  	_ =	shalt  }
0x52: {  	_ =	shalt  }
0x53: {  	_ =	shalt  }
0x54: {  	_ =	shalt  }
0x55: {  	_ =	shalt  }
0x56: {  	_ =	shalt  }
0x57: {  	_ =	shalt  }
0x58: {  	_ =	shalt  }
0x59: {  	_ =	shalt  }
0x5a: {  	_ =	shalt  }
0x5b: {  	_ =	shalt  }
0x5c: {  	_ =	shalt  }
0x5d: {  	_ =	shalt  }
0x5e: {  	_ =	shalt  }
0x5f: {  	_ =	shalt  }
0x60: {  	_ =	shalt  }
0x61: {  	_ =	shalt  }
0x62: {  	_ =	shalt  }
0x63: {  	_ =	shalt  }
0x64: {  	_ =	shalt  }
0x65: {  	_ =	shalt  }
0x66: {  	_ =	shalt  }
0x67: {  	_ =	shalt  }
0x68: {  	_ =	shalt  }
0x69: {  	_ =	shalt  }
0x6a: {  	_ =	shalt  }
0x6b: {  	_ =	shalt  }
0x6c: {  	_ =	shalt  }
0x6d: {  	_ =	shalt  }
0x6e: {  	_ =	shalt  }
0x6f: {  	_ =	shalt  }
0x70: {  	_ =	shalt  }
0x71: {  	_ =	shalt  }
0x72: {  	_ =	shalt  }
0x73: {  	_ =	shalt  }
0x74: {  	_ =	shalt  }
0x75: {  	_ =	shalt  }
0x76: {  	_ =	shalt  }
0x77: {  	_ =	shalt  }
0x78: {  	_ =	shalt  }
0x79: {  	_ =	shalt  }
0x7a: {  	_ =	shalt  }
0x7b: {  	_ =	shalt  }
0x7c: {  	_ =	shalt  }
0x7d: {  	_ =	shalt  }
0x7e: {  	_ =	shalt  }
0x7f: {  	_ =	shalt  }
0x80: {  	_ =	shalt  }
0x81: {  	_ =	shalt  }
0x82: {  	_ =	shalt  }
0x83: {  	_ =	shalt  }
0x84: {  	_ =	shalt  }
0x85: {  	_ =	shalt  }
0x86: {  	_ =	shalt  }
0x87: {  	_ =	shalt  }
.Lfunc_end0:
.L_simem_size_0:
called_computation.2_lowered:
.L_overlay_start_0:
0x88: {  	s2 =	sld [smem:$0x3FD9]  }
0x89: {  	s3 =	sld [smem:$0x3FFE];
	_ =	sdelay $0x1  }
0x8a: {  	s1 =	srdreg.scid  }
0x8b: {  	s0 =	sand.u32 $0x1, s1  }
0x8c: {  	s16 =	sshll.u32 s0, $0xA;
	s2 =	sadd.s32 s3, s2  }
0x8d: {  	s2 =	sadd.s32 s2, s16  }
0x8e: {  	[smem:$0x3FC0] =	sst s2  }
0x8f: {  	_ = 	snop  }
0x90: {  	(tm) =	ssettm $0x1  }
0x91: {  	s17 =	sld [smem:$0x3FFB];
	_ =	sdelay $0x3  }
0x92: {  	_ =	strace s17  }
0x93: {  	s2 =	sld [smem:$0x3FFC];
	_ =	sdelay $0x3  }
0x94: {  	_ =	strace s2  }
0x95: {  	s2 =	sld [smem:$0x3FFD];
	_ =	sdelay $0x3  }
0x96: {  	_ =	strace s2  }
0x97: {  	_ =	strace $0x8FFFFFFF  }
0x98: {  	s18 =	sld [smem:$0x3FDB];
	_ =	sdelay $0x1  }
0x99: {  	s19 =	simm.s32 $_scs_section_size  }
0x9a: {  	s4 =	simm.s32 $_size__tile_overlayer_lowered;
	s5 =	simm.s32 $_tile_overlayer_lowered  }
0x9b: {  	s22 =	simm.s32 $0x1BFF;
	s21 =	sshll.u32 s5, $0x1;
	s2 =	sadd.s32 s19, s18  }
0x9c: {  	s6 =	simm.s32 $0x0;
	s20 =	sshll.u32 s4, $0x1;
	s4 =	sadd.s32 s21, s2  }
0x9d: {  	[timem:s6], [sflag:s22] =	dma.local [hbm:s4], s20  }
0x9e: {  	_ =	swait.ge [sflag:s22], s20  }
0x9f: {  	s3 =	ssub.s32 $0x0, s20;
	[sflag:s22] =	ssyncset.done $0x0  }
0xa0: {  	[sflag:s22] =	ssyncadd.s32 s3;
	_ =	sdelay $0x1  }
0xa1: {  	s23 =	simm.s32 $0x1B8B  }
0xa2: {  	_ =	swait.ge [sflag:s23], $0x1  }
0xa3: {  	[sflag:s23] =	ssyncset.done $0x0  }
0xa4: {  	s25 =	simm.s32 $0x1B8E;
	s24 =	sld [smem:$0x3FFE];
	[sflag:s23] =	ssyncadd.s32 $0xFFFFFFFF  }
0xa5: {  	s26 =	simm.s32 $execute0_lowered;
	[smem:$0x3FD2] =	sst s25  }
0xa6: {  	s4 =	sshll.u32 s26, $0x1;
	_ =	strace $0x8000004C;
	[dreg:$0x1] =	wrdreg $0xFFFFFFFF  }
0xa7: {  	s28 =	simm.s32 $_size_execute0_lowered;
	s2 =	sadd.s32 s2, s4;
	[dreg:$0x0] =	wrdreg $0x0  }
0xa8: {  	s4 =	sshll.u32 s28, $0x1;
	[dreg:$0x2] =	wrdreg s2  }
0xa9: {  	[dreg:$0x3] =	wrdreg s4  }
0xaa: {  	[dreg:$0x4] =	wrdreg $0xC0  }
0xab: {  	_ =	task [dreg:s6], $0x5FFFF  }
0xac: {  	[dreg:$0x1] =	wrdreg $0xFFFFFFFF  }
0xad: {  	[dreg:$0x0] =	wrdreg $0x60  }
0xae: {  	[dreg:$0x2] =	wrdreg s24  }
0xaf: {  	[dreg:$0x3] =	wrdreg $0x9  }
0xb0: {  	_ =	task.clear_ibuf [dreg:s6], $0x4FFFF;
	_ =	strace $0x9000004C  }
0xb1: {  	s29 =	simm.s32 $0x9;
	_ =	strace $0x8000004E  }
0xb2: {  	_ =	swait.ge [sflag:s29], $0x1  }
0xb3: {  	[sflag:s29] =	ssyncadd.s32 $0xFFFFFFFF  }
0xb4: {  	_ =	strace $0x9000004E  }
0xb5: {  	_ =	sfence  }
0xb6: {  	s30 =	sld [smem:$0x0];
	_ =	sdelay $0x2  }
0xb7: {  	s31 =	sshll.u32 s1, $0xD;
	s1 =	sshrl.u32 s1, $0x2  }
0xb8: {  	s3 =	sand.u32 $0x4000, s31;
	s1 =	sadd.s32 s1, s30  }
0xb9: {  	s0 =	sor.u32 s3, s0;
	s1 =	sshll.u32 s1, $0x11  }
0xba: {  	s0 =	sor.u32 s1, s0  }
0xbb: {  	s0 =	sadd.s32 $0x8F2B, s0  }
0xbc: {  	[sflag:s0] =	ssyncadd.remote.s32 $0x1  }
0xbd: {  	_ =	sfence.sel $0xFFFF  }
0xbe: {  	[dreg:$0x0] =	wrdreg $0xFFFFFFFF;
	(pc) =	sbr.abs _section_cstart, $3  }
0xbf: {  	[dreg:$0x1] =	wrdreg $0xFFFFFFFF  }
0xc0: {  	_ =	task.clear_ibuf [dreg:s6], $0x2FFFF;
	_ =	strace $0x9FFFFFFF  }
0xc1: {  	(tm) =	ssettm $0x7FFFFFFF  }
tec
execute0_lowered:
.L_overlay_start_1:
0x0: {  	(tag) =	ssettag $0x1  }
0x1: {  	s0 =	rddreg [dreg:$0x0];
	s2 =	simm.s32 $0x0  }
0x2: {  	s1 =	srdreg.scid;
	s3 =	stileid.u32;
	s28 =	simm.s32 $0x1  }
0x3: {  	s29 =	simm.s32 $0x2;
	[smem:$0x7FF] =	sst s2;
	s1 =	sand.u32 $0x1, s1  }
0x4: {  	s9 =	sadd.s32 $0x43800, s0;
	s4 =	sshll.u32 s3, $0x8;
	s3 =	sadd.s32 $0x53C00, s0  }
0x5: {  	s11 =	sadd.s32 $0x1D3C00, s0;
	s5 =	sshll.u32 s1, $0x7;
	s1 =	ssub.s32 $0x2, s1  }
0x6: {  	_ =	strace $0x8000004D;
	s10 =	sor.u32 s5, s4;
	s13 =	sshrl.u32 s1, $0x1  }
0x7: {  	s4 =	sadd.s32 $0x53D00, s0;
	s5 =	sshrl.u32 s10, $0x3;
	s1 =	ssub.s32 s1, s13  }
0x8: {  	s7 =	sor.u32 $0x10, s10;
	s8 =	sshll.u32 s10, $0x8;
	s12 =	sor.u32 $0x20, s10  }
0x9: {  	s13 =	sor.u32 $0x30, s10;
	s19 =	sor.u32 $0x40, s10;
	s24 =	sor.u32 $0x60, s10  }
0xa: {  	s14 =	sadd.s32 s9, s5;
	s6 =	sshrl.u32 s7, $0x3;
	s5 =	sadd.s32 $0x53E00, s0  }
0xb: {  	s8 =	sadd.s32 s11, s8;
	s15 =	sshrl.u32 s12, $0x3;
	s7 =	sshll.u32 s7, $0x8  }
0xc: {  	s16 =	sshrl.u32 s13, $0x3;
	s18 =	sshll.u32 s12, $0x8;
	[dreg:$0x2] =	wrdreg s14  }
0xd: {  	s20 =	sshrl.u32 s19, $0x3;
	s6 =	sadd.s32 s9, s6;
	[dreg:$0x4] =	wrdreg s8  }
0xe: {  	s13 =	sshll.u32 s13, $0x8;
	s8 =	sadd.s32 s9, s15;
	[dreg:$0x3] =	wrdreg s6  }
0xf: {  	s12 =	sshll.u32 s19, $0x8;
	s7 =	sadd.s32 s11, s7;
	[dreg:$0x5] =	wrdreg s8  }
0x10: {  	s25 =	sshrl.u32 s24, $0x3;
	s17 =	sadd.s32 s9, s16;
	[dreg:$0x6] =	wrdreg s7  }
0x11: {  	s31 =	sshll.u32 s24, $0x8;
	s21 =	sadd.s32 s11, s13;
	[dreg:$0x7] =	wrdreg s17  }
0x12: {  	s14 =	sor.u32 $0x50, s10;
	s12 =	sadd.s32 s11, s12;
	[dreg:$0xa] =	wrdreg s21  }
0x13: {  	s10 =	sor.u32 $0x70, s10;
	s8 =	sadd.s32 s11, s18;
	[dreg:$0xc] =	wrdreg s12  }
0x14: {  	s6 =	sadd.s32 $0x53F00, s0;
	s12 =	sadd.s32 s9, s25;
	[dreg:$0x8] =	wrdreg s8  }
0x15: {  	s22 =	sshrl.u32 s14, $0x3;
	s8 =	sadd.s32 s9, s20;
	[dreg:$0xd] =	wrdreg s12  }
0x16: {  	s14 =	sshll.u32 s14, $0x8;
	s23 =	sadd.s32 s9, s22;
	[dreg:$0x9] =	wrdreg s8  }
0x17: {  	s30 =	sshrl.u32 s10, $0x3;
	s26 =	sadd.s32 s11, s14;
	[dreg:$0xb] =	wrdreg s23  }
0x18: {  	s7 =	sadd.s32 $0x54000, s0;
	s9 =	sadd.s32 s9, s30;
	[dreg:$0xe] =	wrdreg s26  }
0x19: {  	s10 =	sshll.u32 s10, $0x8;
	s12 =	sadd.s32 s11, s31;
	[dreg:$0xf] =	wrdreg s9  }
0x1a: {  	v2 =	vlaneseq.u32;
	s11 =	sadd.s32 s11, s10;
	s10 =	sadd.s32 $0x54300, s0;
	[dreg:$0x10] =	wrdreg s12  }
0x1b: {  	vm0 =	vmmov $0xffff;
	v1 =	vshrl.u32 v2, $0x3;
	s8 =	sadd.s32 $0x54100, s0;
	s9 =	sadd.s32 $0x54200, s0;
	[dreg:$0x11] =	wrdreg s11  }
0x1c: {  	v0 =	vand.u32 $0x7, v2;
	v2 =	vor.u32 $0x8, v2;
	v1 =	vmul.u32 $0x8, v1;
	s11 =	smax.u32 s1, $0x1;
	s12 =	simm.s32 $0x3;
	s1 =	simm.s32 $0x8100  }
.LBB2_1:
0x1d: {  	s30 =	rddreg [dreg:$0x2]  }
0x1e: {  	[tilespmem:s2], [sflag:$0x3] =	stream.linear.gather [hbm4b:s30+s2], $0x10, $0x38;
	[tilespmem:$0x10100] =	vst v63  }
0x1f: {  	_ =	swait.ge [sflag:s12], $0x10  }
0x20: {  	[sflag:s12] =	ssyncset.done $0x0  }
0x21: {  	[sflag:s12] =	ssyncadd.s32 $0xFFFFFFF0  }
0x22: {  	v3 =	vld [tilespmem:$0x0];
	_ =	sdelay $0x4  }
0x23: {  	v4 =	vshll.u32 v3, $0x4  }
0x24: {  	v3 =	vand.u32 $0x7, v3;
	v4 =	vand.u32 $0xFFFFFF80, v4  }
0x25: {  	v3 =	vor.u32 v3, v4  }
0x26: {  	v4 =	vperm.xlane v3, v0;
	_ =	sdelay $0x1  }
0x27: {  	v4 =	vadd.s32 v1, v4;
	_ =	sdelay $0x3  }
0x28: {  	s0 =	simm.s32 $0x100  }
0x29: {  	[tilespmem:s0], [sflag:$0x1] =	stream.indirect_vreg.gather [hbm4b:s3+s2], $0x80, v4, vm0, $0xb8;
	[tilespmem:$0x10100] =	vst v63  }
0x2a: {  	s26 =	simm.s32 $0x900  }
0x2b: {  	[tilespmem:s26], [sflag:$0x1] =	stream.indirect_vreg.gather [hbm4b:s4+s2], $0x80, v4, vm0, $0xb8;
	[tilespmem:$0x10100] =	vst v63  }
0x2c: {  	s30 =	simm.s32 $0x1100  }
0x2d: {  	[tilespmem:s30], [sflag:$0x1] =	stream.indirect_vreg.gather [hbm4b:s5+s2], $0x80, v4, vm0, $0xb8;
	[tilespmem:$0x10100] =	vst v63  }
0x2e: {  	s31 =	simm.s32 $0x1900  }
0x2f: {  	[tilespmem:s31], [sflag:$0x1] =	stream.indirect_vreg.gather [hbm4b:s6+s2], $0x80, v4, vm0, $0xb8;
	[tilespmem:$0x10100] =	vst v63  }
0x30: {  	s13 =	simm.s32 $0x2100  }
0x31: {  	[tilespmem:s13], [sflag:$0x1] =	stream.indirect_vreg.gather [hbm4b:s7+s2], $0x80, v4, vm0, $0xb8;
	[tilespmem:$0x10100] =	vst v63  }
0x32: {  	s14 =	simm.s32 $0x2900;
	v3 =	vperm.xlane v3, v2  }
0x33: {  	[tilespmem:s14], [sflag:$0x1] =	stream.indirect_vreg.gather [hbm4b:s8+s2], $0x80, v4, vm0, $0xb8;
	[tilespmem:$0x10100] =	vst v63  }
0x34: {  	s15 =	simm.s32 $0x3100;
	v3 =	vadd.s32 v1, v3  }
0x35: {  	[tilespmem:s15], [sflag:$0x1] =	stream.indirect_vreg.gather [hbm4b:s9+s2], $0x80, v4, vm0, $0xb8;
	[tilespmem:$0x10100] =	vst v63  }
0x36: {  	s16 =	simm.s32 $0x3900  }
0x37: {  	[tilespmem:s16], [sflag:$0x1] =	stream.indirect_vreg.gather [hbm4b:s10+s2], $0x80, v4, vm0, $0xb8;
	[tilespmem:$0x10100] =	vst v63  }
0x38: {  	s17 =	simm.s32 $0x4100  }
0x39: {  	[tilespmem:s17], [sflag:$0x1] =	stream.indirect_vreg.gather [hbm4b:s3+s2], $0x80, v3, vm0, $0xb8;
	[tilespmem:$0x10100] =	vst v63  }
0x3a: {  	s18 =	simm.s32 $0x4900  }
0x3b: {  	[tilespmem:s18], [sflag:$0x1] =	stream.indirect_vreg.gather [hbm4b:s4+s2], $0x80, v3, vm0, $0xb8;
	[tilespmem:$0x10100] =	vst v63  }
0x3c: {  	s19 =	simm.s32 $0x5100  }
0x3d: {  	[tilespmem:s19], [sflag:$0x1] =	stream.indirect_vreg.gather [hbm4b:s5+s2], $0x80, v3, vm0, $0xb8;
	[tilespmem:$0x10100] =	vst v63  }
0x3e: {  	s20 =	simm.s32 $0x5900  }
0x3f: {  	[tilespmem:s20], [sflag:$0x1] =	stream.indirect_vreg.gather [hbm4b:s6+s2], $0x80, v3, vm0, $0xb8;
	[tilespmem:$0x10100] =	vst v63  }
0x40: {  	s21 =	simm.s32 $0x6100  }
0x41: {  	[tilespmem:s21], [sflag:$0x1] =	stream.indirect_vreg.gather [hbm4b:s7+s2], $0x80, v3, vm0, $0xb8;
	[tilespmem:$0x10100] =	vst v63  }
0x42: {  	s22 =	simm.s32 $0x6900  }
0x43: {  	[tilespmem:s22], [sflag:$0x1] =	stream.indirect_vreg.gather [hbm4b:s8+s2], $0x80, v3, vm0, $0xb8;
	[tilespmem:$0x10100] =	vst v63  }
0x44: {  	s23 =	simm.s32 $0x7100  }
0x45: {  	[tilespmem:s23], [sflag:$0x1] =	stream.indirect_vreg.gather [hbm4b:s9+s2], $0x80, v3, vm0, $0xb8;
	[tilespmem:$0x10100] =	vst v63  }
0x46: {  	s25 =	simm.s32 $0x7900  }
0x47: {  	[tilespmem:s25], [sflag:$0x1] =	stream.indirect_vreg.gather [hbm4b:s10+s2], $0x80, v3, vm0, $0xb8;
	[tilespmem:$0x10100] =	vst v63  }
0x48: {  	s24 =	rddreg [dreg:$0x3];
	s26 =	simm.s32 $0x80  }
0x49: {  	[tilespmem:s26], [sflag:$0x3] =	stream.linear.gather [hbm4b:s24+s2], $0x10, $0x38;
	[tilespmem:$0x10100] =	vst v63  }
0x4a: {  	_ =	swait.ge [sflag:s12], $0x10  }
0x4b: {  	[sflag:s12] =	ssyncset.done $0x0  }
0x4c: {  	[sflag:s12] =	ssyncadd.s32 $0xFFFFFFF0  }
0x4d: {  	v3 =	vld [tilespmem:$0x80];
	_ =	sdelay $0x4  }
0x4e: {  	v57 =	vshll.u32 v3, $0x4  }
0x4f: {  	v3 =	vand.u32 $0x7, v3;
	v4 =	vand.u32 $0xFFFFFF80, v57  }
0x50: {  	v3 =	vor.u32 v3, v4  }
0x51: {  	v4 =	vperm.xlane v3, v0;
	_ =	sdelay $0x1  }
0x52: {  	v4 =	vadd.s32 v1, v4;
	_ =	sdelay $0x4  }
0x53: {  	[tilespmem:s1], [sflag:$0x2] =	stream.indirect_vreg.gather [hbm4b:s3+s2], $0x80, v4, vm0, $0xb8;
	[tilespmem:$0x10100] =	vst v63  }
0x54: {  	s30 =	simm.s32 $0x8900  }
0x55: {  	[tilespmem:s30], [sflag:$0x2] =	stream.indirect_vreg.gather [hbm4b:s4+s2], $0x80, v4, vm0, $0xb8;
	[tilespmem:$0x10100] =	vst v63  }
0x56: {  	s31 =	simm.s32 $0x9100  }
0x57: {  	[tilespmem:s31], [sflag:$0x2] =	stream.indirect_vreg.gather [hbm4b:s5+s2], $0x80, v4, vm0, $0xb8;
	[tilespmem:$0x10100] =	vst v63  }
0x58: {  	s0 =	simm.s32 $0x9900  }
0x59: {  	[tilespmem:s0], [sflag:$0x2] =	stream.indirect_vreg.gather [hbm4b:s6+s2], $0x80, v4, vm0, $0xb8;
	[tilespmem:$0x10100] =	vst v63  }
0x5a: {  	s13 =	simm.s32 $0xA100  }
0x5b: {  	[tilespmem:s13], [sflag:$0x2] =	stream.indirect_vreg.gather [hbm4b:s7+s2], $0x80, v4, vm0, $0xb8;
	[tilespmem:$0x10100] =	vst v63  }
0x5c: {  	s14 =	simm.s32 $0xA900;
	v3 =	vperm.xlane v3, v2  }
0x5d: {  	[tilespmem:s14], [sflag:$0x2] =	stream.indirect_vreg.gather [hbm4b:s8+s2], $0x80, v4, vm0, $0xb8;
	[tilespmem:$0x10100] =	vst v63  }
0x5e: {  	s15 =	simm.s32 $0xB100;
	v3 =	vadd.s32 v1, v3  }
0x5f: {  	[tilespmem:s15], [sflag:$0x2] =	stream.indirect_vreg.gather [hbm4b:s9+s2], $0x80, v4, vm0, $0xb8;
	[tilespmem:$0x10100] =	vst v63  }
0x60: {  	s16 =	simm.s32 $0xB900  }
0x61: {  	[tilespmem:s16], [sflag:$0x2] =	stream.indirect_vreg.gather [hbm4b:s10+s2], $0x80, v4, vm0, $0xb8;
	[tilespmem:$0x10100] =	vst v63  }
0x62: {  	s17 =	simm.s32 $0xC100  }
0x63: {  	[tilespmem:s17], [sflag:$0x2] =	stream.indirect_vreg.gather [hbm4b:s3+s2], $0x80, v3, vm0, $0xb8;
	[tilespmem:$0x10100] =	vst v63  }
0x64: {  	s18 =	simm.s32 $0xC900  }
0x65: {  	[tilespmem:s18], [sflag:$0x2] =	stream.indirect_vreg.gather [hbm4b:s4+s2], $0x80, v3, vm0, $0xb8;
	[tilespmem:$0x10100] =	vst v63  }
0x66: {  	s19 =	simm.s32 $0xD100  }
0x67: {  	[tilespmem:s19], [sflag:$0x2] =	stream.indirect_vreg.gather [hbm4b:s5+s2], $0x80, v3, vm0, $0xb8;
	[tilespmem:$0x10100] =	vst v63  }
0x68: {  	s20 =	simm.s32 $0xD900  }
0x69: {  	[tilespmem:s20], [sflag:$0x2] =	stream.indirect_vreg.gather [hbm4b:s6+s2], $0x80, v3, vm0, $0xb8;
	[tilespmem:$0x10100] =	vst v63  }
0x6a: {  	s21 =	simm.s32 $0xE100  }
0x6b: {  	[tilespmem:s21], [sflag:$0x2] =	stream.indirect_vreg.gather [hbm4b:s7+s2], $0x80, v3, vm0, $0xb8;
	[tilespmem:$0x10100] =	vst v63  }
0x6c: {  	s22 =	simm.s32 $0xE900  }
0x6d: {  	[tilespmem:s22], [sflag:$0x2] =	stream.indirect_vreg.gather [hbm4b:s8+s2], $0x80, v3, vm0, $0xb8;
	[tilespmem:$0x10100] =	vst v63  }
0x6e: {  	s23 =	simm.s32 $0xF100  }
0x6f: {  	[tilespmem:s23], [sflag:$0x2] =	stream.indirect_vreg.gather [hbm4b:s9+s2], $0x80, v3, vm0, $0xb8;
	[tilespmem:$0x10100] =	vst v63  }
0x70: {  	s24 =	simm.s32 $0xF900  }
0x71: {  	[tilespmem:s24], [sflag:$0x2] =	stream.indirect_vreg.gather [hbm4b:s10+s2], $0x80, v3, vm0, $0xb8;
	[tilespmem:$0x10100] =	vst v63  }
0x72: {  	_ =	swait.ge [sflag:s28], $0x8000  }
0x73: {  	[sflag:s28] =	ssyncset.done $0x0  }
0x74: {  	s26 =	simm.s32 $0x100;
	s25 =	rddreg [dreg:$0x4];
	[sflag:s28] =	ssyncadd.s32 $0xFFFF8000  }
0x75: {  	[hbm4b:s25+s2] =	stream.linear.scatter [tilespmem:s26], [sflag:$0x3], $0x8000, $0x38;
	[tilespmem:$0x10100] =	vst v63  }
0x76: {  	_ =	swait.ge [sflag:s12], $0x8000  }
0x77: {  	[sflag:s12] =	ssyncset.done $0x0  }
0x78: {  	s31 =	rddreg [dreg:$0x5];
	[sflag:s12] =	ssyncadd.s32 $0xFFFF8000  }
0x79: {  	[tilespmem:s2], [sflag:$0x3] =	stream.linear.gather [hbm4b:s31+s2], $0x10, $0x38;
	[tilespmem:$0x10100] =	vst v63  }
0x7a: {  	_ =	swait.ge [sflag:s12], $0x10  }
0x7b: {  	[sflag:s12] =	ssyncset.done $0x0  }
0x7c: {  	[sflag:s12] =	ssyncadd.s32 $0xFFFFFFF0  }
0x7d: {  	v3 =	vld [tilespmem:$0x0];
	_ =	sdelay $0x4  }
0x7e: {  	v58 =	vshll.u32 v3, $0x4  }
0x7f: {  	v3 =	vand.u32 $0x7, v3;
	v4 =	vand.u32 $0xFFFFFF80, v58  }
0x80: {  	v3 =	vor.u32 v3, v4  }
0x81: {  	v4 =	vperm.xlane v3, v0;
	_ =	sdelay $0x1  }
0x82: {  	v4 =	vadd.s32 v1, v4;
	_ =	sdelay $0x4  }
0x83: {  	[tilespmem:s26], [sflag:$0x1] =	stream.indirect_vreg.gather [hbm4b:s3+s2], $0x80, v4, vm0, $0xb8;
	[tilespmem:$0x10100] =	vst v63  }
0x84: {  	s31 =	simm.s32 $0x900  }
0x85: {  	[tilespmem:s31], [sflag:$0x1] =	stream.indirect_vreg.gather [hbm4b:s4+s2], $0x80, v4, vm0, $0xb8;
	[tilespmem:$0x10100] =	vst v63  }
0x86: {  	s13 =	simm.s32 $0x1100  }
0x87: {  	[tilespmem:s13], [sflag:$0x1] =	stream.indirect_vreg.gather [hbm4b:s5+s2], $0x80, v4, vm0, $0xb8;
	[tilespmem:$0x10100] =	vst v63  }
0x88: {  	s14 =	simm.s32 $0x1900  }
0x89: {  	[tilespmem:s14], [sflag:$0x1] =	stream.indirect_vreg.gather [hbm4b:s6+s2], $0x80, v4, vm0, $0xb8;
	[tilespmem:$0x10100] =	vst v63  }
0x8a: {  	s15 =	simm.s32 $0x2100  }
0x8b: {  	[tilespmem:s15], [sflag:$0x1] =	stream.indirect_vreg.gather [hbm4b:s7+s2], $0x80, v4, vm0, $0xb8;
	[tilespmem:$0x10100] =	vst v63  }
0x8c: {  	s16 =	simm.s32 $0x2900;
	v3 =	vperm.xlane v3, v2  }
0x8d: {  	[tilespmem:s16], [sflag:$0x1] =	stream.indirect_vreg.gather [hbm4b:s8+s2], $0x80, v4, vm0, $0xb8;
	[tilespmem:$0x10100] =	vst v63  }
0x8e: {  	s17 =	simm.s32 $0x3100;
	v3 =	vadd.s32 v1, v3  }
0x8f: {  	[tilespmem:s17], [sflag:$0x1] =	stream.indirect_vreg.gather [hbm4b:s9+s2], $0x80, v4, vm0, $0xb8;
	[tilespmem:$0x10100] =	vst v63  }
0x90: {  	s18 =	simm.s32 $0x3900  }
0x91: {  	[tilespmem:s18], [sflag:$0x1] =	stream.indirect_vreg.gather [hbm4b:s10+s2], $0x80, v4, vm0, $0xb8;
	[tilespmem:$0x10100] =	vst v63  }
0x92: {  	s19 =	simm.s32 $0x4100  }
0x93: {  	[tilespmem:s19], [sflag:$0x1] =	stream.indirect_vreg.gather [hbm4b:s3+s2], $0x80, v3, vm0, $0xb8;
	[tilespmem:$0x10100] =	vst v63  }
0x94: {  	s20 =	simm.s32 $0x4900  }
0x95: {  	[tilespmem:s20], [sflag:$0x1] =	stream.indirect_vreg.gather [hbm4b:s4+s2], $0x80, v3, vm0, $0xb8;
	[tilespmem:$0x10100] =	vst v63  }
0x96: {  	s21 =	simm.s32 $0x5100  }
0x97: {  	[tilespmem:s21], [sflag:$0x1] =	stream.indirect_vreg.gather [hbm4b:s5+s2], $0x80, v3, vm0, $0xb8;
	[tilespmem:$0x10100] =	vst v63  }
0x98: {  	s22 =	simm.s32 $0x5900  }
0x99: {  	[tilespmem:s22], [sflag:$0x1] =	stream.indirect_vreg.gather [hbm4b:s6+s2], $0x80, v3, vm0, $0xb8;
	[tilespmem:$0x10100] =	vst v63  }
0x9a: {  	s23 =	simm.s32 $0x6100  }
0x9b: {  	[tilespmem:s23], [sflag:$0x1] =	stream.indirect_vreg.gather [hbm4b:s7+s2], $0x80, v3, vm0, $0xb8;
	[tilespmem:$0x10100] =	vst v63  }
0x9c: {  	s24 =	simm.s32 $0x6900  }
0x9d: {  	[tilespmem:s24], [sflag:$0x1] =	stream.indirect_vreg.gather [hbm4b:s8+s2], $0x80, v3, vm0, $0xb8;
	[tilespmem:$0x10100] =	vst v63  }
0x9e: {  	s25 =	simm.s32 $0x7100  }
0x9f: {  	[tilespmem:s25], [sflag:$0x1] =	stream.indirect_vreg.gather [hbm4b:s9+s2], $0x80, v3, vm0, $0xb8;
	[tilespmem:$0x10100] =	vst v63  }
0xa0: {  	s26 =	simm.s32 $0x7900  }
0xa1: {  	[tilespmem:s26], [sflag:$0x1] =	stream.indirect_vreg.gather [hbm4b:s10+s2], $0x80, v3, vm0, $0xb8;
	[tilespmem:$0x10100] =	vst v63  }
0xa2: {  	_ =	swait.ge [sflag:s29], $0x8000  }
0xa3: {  	[sflag:s29] =	ssyncset.done $0x0  }
0xa4: {  	s0 =	rddreg [dreg:$0x6];
	[sflag:s29] =	ssyncadd.s32 $0xFFFF8000  }
0xa5: {  	[hbm4b:s0+s2] =	stream.linear.scatter [tilespmem:s1], [sflag:$0x3], $0x8000, $0x38;
	[tilespmem:$0x10100] =	vst v63  }
0xa6: {  	_ =	swait.ge [sflag:s12], $0x8000  }
0xa7: {  	[sflag:s12] =	ssyncset.done $0x0  }
0xa8: {  	s0 =	simm.s32 $0x80;
	s30 =	rddreg [dreg:$0x7];
	[sflag:s12] =	ssyncadd.s32 $0xFFFF8000  }
0xa9: {  	[tilespmem:s0], [sflag:$0x3] =	stream.linear.gather [hbm4b:s30+s2], $0x10, $0x38;
	[tilespmem:$0x10100] =	vst v63  }
0xaa: {  	_ =	swait.ge [sflag:s12], $0x10  }
0xab: {  	[sflag:s12] =	ssyncset.done $0x0  }
0xac: {  	[sflag:s12] =	ssyncadd.s32 $0xFFFFFFF0  }
0xad: {  	v3 =	vld [tilespmem:$0x80];
	_ =	sdelay $0x4  }
0xae: {  	v59 =	vshll.u32 v3, $0x4  }
0xaf: {  	v3 =	vand.u32 $0x7, v3;
	v4 =	vand.u32 $0xFFFFFF80, v59  }
0xb0: {  	v3 =	vor.u32 v3, v4  }
0xb1: {  	v4 =	vperm.xlane v3, v0;
	_ =	sdelay $0x1  }
0xb2: {  	v4 =	vadd.s32 v1, v4;
	_ =	sdelay $0x4  }
0xb3: {  	[tilespmem:s1], [sflag:$0x2] =	stream.indirect_vreg.gather [hbm4b:s3+s2], $0x80, v4, vm0, $0xb8;
	[tilespmem:$0x10100] =	vst v63  }
0xb4: {  	s30 =	simm.s32 $0x8900  }
0xb5: {  	[tilespmem:s30], [sflag:$0x2] =	stream.indirect_vreg.gather [hbm4b:s4+s2], $0x80, v4, vm0, $0xb8;
	[tilespmem:$0x10100] =	vst v63  }
0xb6: {  	s30 =	simm.s32 $0x9100  }
0xb7: {  	[tilespmem:s30], [sflag:$0x2] =	stream.indirect_vreg.gather [hbm4b:s5+s2], $0x80, v4, vm0, $0xb8;
	[tilespmem:$0x10100] =	vst v63  }
0xb8: {  	s30 =	simm.s32 $0x9900  }
0xb9: {  	[tilespmem:s30], [sflag:$0x2] =	stream.indirect_vreg.gather [hbm4b:s6+s2], $0x80, v4, vm0, $0xb8;
	[tilespmem:$0x10100] =	vst v63  }
0xba: {  	s30 =	simm.s32 $0xA100  }
0xbb: {  	[tilespmem:s30], [sflag:$0x2] =	stream.indirect_vreg.gather [hbm4b:s7+s2], $0x80, v4, vm0, $0xb8;
	[tilespmem:$0x10100] =	vst v63  }
0xbc: {  	v3 =	vperm.xlane v3, v2;
	s30 =	simm.s32 $0xA900  }
0xbd: {  	[tilespmem:s30], [sflag:$0x2] =	stream.indirect_vreg.gather [hbm4b:s8+s2], $0x80, v4, vm0, $0xb8;
	[tilespmem:$0x10100] =	vst v63  }
0xbe: {  	v3 =	vadd.s32 v1, v3;
	s30 =	simm.s32 $0xB100  }
0xbf: {  	[tilespmem:s30], [sflag:$0x2] =	stream.indirect_vreg.gather [hbm4b:s9+s2], $0x80, v4, vm0, $0xb8;
	[tilespmem:$0x10100] =	vst v63  }
0xc0: {  	s30 =	simm.s32 $0xB900  }
0xc1: {  	[tilespmem:s30], [sflag:$0x2] =	stream.indirect_vreg.gather [hbm4b:s10+s2], $0x80, v4, vm0, $0xb8;
	[tilespmem:$0x10100] =	vst v63  }
0xc2: {  	s30 =	simm.s32 $0xC100  }
0xc3: {  	[tilespmem:s30], [sflag:$0x2] =	stream.indirect_vreg.gather [hbm4b:s3+s2], $0x80, v3, vm0, $0xb8;
	[tilespmem:$0x10100] =	vst v63  }
0xc4: {  	s30 =	simm.s32 $0xC900  }
0xc5: {  	[tilespmem:s30], [sflag:$0x2] =	stream.indirect_vreg.gather [hbm4b:s4+s2], $0x80, v3, vm0, $0xb8;
	[tilespmem:$0x10100] =	vst v63  }
0xc6: {  	s30 =	simm.s32 $0xD100  }
0xc7: {  	[tilespmem:s30], [sflag:$0x2] =	stream.indirect_vreg.gather [hbm4b:s5+s2], $0x80, v3, vm0, $0xb8;
	[tilespmem:$0x10100] =	vst v63  }
0xc8: {  	s30 =	simm.s32 $0xD900  }
0xc9: {  	[tilespmem:s30], [sflag:$0x2] =	stream.indirect_vreg.gather [hbm4b:s6+s2], $0x80, v3, vm0, $0xb8;
	[tilespmem:$0x10100] =	vst v63  }
0xca: {  	s30 =	simm.s32 $0xE100  }
0xcb: {  	[tilespmem:s30], [sflag:$0x2] =	stream.indirect_vreg.gather [hbm4b:s7+s2], $0x80, v3, vm0, $0xb8;
	[tilespmem:$0x10100] =	vst v63  }
0xcc: {  	s30 =	simm.s32 $0xE900  }
0xcd: {  	[tilespmem:s30], [sflag:$0x2] =	stream.indirect_vreg.gather [hbm4b:s8+s2], $0x80, v3, vm0, $0xb8;
	[tilespmem:$0x10100] =	vst v63  }
0xce: {  	s30 =	simm.s32 $0xF100  }
0xcf: {  	[tilespmem:s30], [sflag:$0x2] =	stream.indirect_vreg.gather [hbm4b:s9+s2], $0x80, v3, vm0, $0xb8;
	[tilespmem:$0x10100] =	vst v63  }
0xd0: {  	s30 =	simm.s32 $0xF900  }
0xd1: {  	[tilespmem:s30], [sflag:$0x2] =	stream.indirect_vreg.gather [hbm4b:s10+s2], $0x80, v3, vm0, $0xb8;
	[tilespmem:$0x10100] =	vst v63  }
0xd2: {  	_ =	swait.ge [sflag:s28], $0x8000  }
0xd3: {  	[sflag:s28] =	ssyncset.done $0x0  }
0xd4: {  	s0 =	simm.s32 $0x100;
	s30 =	rddreg [dreg:$0x8];
	[sflag:s28] =	ssyncadd.s32 $0xFFFF8000  }
0xd5: {  	[hbm4b:s30+s2] =	stream.linear.scatter [tilespmem:s0], [sflag:$0x3], $0x8000, $0x38;
	[tilespmem:$0x10100] =	vst v63  }
0xd6: {  	_ =	swait.ge [sflag:s12], $0x8000  }
0xd7: {  	[sflag:s12] =	ssyncset.done $0x0  }
0xd8: {  	s30 =	rddreg [dreg:$0x9];
	[sflag:s12] =	ssyncadd.s32 $0xFFFF8000  }
0xd9: {  	[tilespmem:s2], [sflag:$0x3] =	stream.linear.gather [hbm4b:s30+s2], $0x10, $0x38;
	[tilespmem:$0x10100] =	vst v63  }
0xda: {  	_ =	swait.ge [sflag:s12], $0x10  }
0xdb: {  	[sflag:s12] =	ssyncset.done $0x0  }
0xdc: {  	[sflag:s12] =	ssyncadd.s32 $0xFFFFFFF0  }
0xdd: {  	v3 =	vld [tilespmem:$0x0];
	_ =	sdelay $0x4  }
0xde: {  	v60 =	vshll.u32 v3, $0x4  }
0xdf: {  	v3 =	vand.u32 $0x7, v3;
	v4 =	vand.u32 $0xFFFFFF80, v60  }
0xe0: {  	v3 =	vor.u32 v3, v4  }
0xe1: {  	v4 =	vperm.xlane v3, v0;
	_ =	sdelay $0x1  }
0xe2: {  	v4 =	vadd.s32 v1, v4;
	_ =	sdelay $0x4  }
0xe3: {  	[tilespmem:s0], [sflag:$0x1] =	stream.indirect_vreg.gather [hbm4b:s3+s2], $0x80, v4, vm0, $0xb8;
	[tilespmem:$0x10100] =	vst v63  }
0xe4: {  	_ = 	snop  }
0xe5: {  	[tilespmem:s31], [sflag:$0x1] =	stream.indirect_vreg.gather [hbm4b:s4+s2], $0x80, v4, vm0, $0xb8;
	[tilespmem:$0x10100] =	vst v63  }
0xe6: {  	_ = 	snop  }
0xe7: {  	[tilespmem:s13], [sflag:$0x1] =	stream.indirect_vreg.gather [hbm4b:s5+s2], $0x80, v4, vm0, $0xb8;
	[tilespmem:$0x10100] =	vst v63  }
0xe8: {  	_ = 	snop  }
0xe9: {  	[tilespmem:s14], [sflag:$0x1] =	stream.indirect_vreg.gather [hbm4b:s6+s2], $0x80, v4, vm0, $0xb8;
	[tilespmem:$0x10100] =	vst v63  }
0xea: {  	_ = 	snop  }
0xeb: {  	[tilespmem:s15], [sflag:$0x1] =	stream.indirect_vreg.gather [hbm4b:s7+s2], $0x80, v4, vm0, $0xb8;
	[tilespmem:$0x10100] =	vst v63  }
0xec: {  	v3 =	vperm.xlane v3, v2  }
0xed: {  	[tilespmem:s16], [sflag:$0x1] =	stream.indirect_vreg.gather [hbm4b:s8+s2], $0x80, v4, vm0, $0xb8;
	[tilespmem:$0x10100] =	vst v63  }
0xee: {  	v3 =	vadd.s32 v1, v3  }
0xef: {  	[tilespmem:s17], [sflag:$0x1] =	stream.indirect_vreg.gather [hbm4b:s9+s2], $0x80, v4, vm0, $0xb8;
	[tilespmem:$0x10100] =	vst v63  }
0xf0: {  	_ = 	snop  }
0xf1: {  	[tilespmem:s18], [sflag:$0x1] =	stream.indirect_vreg.gather [hbm4b:s10+s2], $0x80, v4, vm0, $0xb8;
	[tilespmem:$0x10100] =	vst v63  }
0xf2: {  	_ = 	snop  }
0xf3: {  	[tilespmem:s19], [sflag:$0x1] =	stream.indirect_vreg.gather [hbm4b:s3+s2], $0x80, v3, vm0, $0xb8;
	[tilespmem:$0x10100] =	vst v63  }
0xf4: {  	_ = 	snop  }
0xf5: {  	[tilespmem:s20], [sflag:$0x1] =	stream.indirect_vreg.gather [hbm4b:s4+s2], $0x80, v3, vm0, $0xb8;
	[tilespmem:$0x10100] =	vst v63  }
0xf6: {  	_ = 	snop  }
0xf7: {  	[tilespmem:s21], [sflag:$0x1] =	stream.indirect_vreg.gather [hbm4b:s5+s2], $0x80, v3, vm0, $0xb8;
	[tilespmem:$0x10100] =	vst v63  }
0xf8: {  	_ = 	snop  }
0xf9: {  	[tilespmem:s22], [sflag:$0x1] =	stream.indirect_vreg.gather [hbm4b:s6+s2], $0x80, v3, vm0, $0xb8;
	[tilespmem:$0x10100] =	vst v63  }
0xfa: {  	_ = 	snop  }
0xfb: {  	[tilespmem:s23], [sflag:$0x1] =	stream.indirect_vreg.gather [hbm4b:s7+s2], $0x80, v3, vm0, $0xb8;
	[tilespmem:$0x10100] =	vst v63  }
0xfc: {  	_ = 	snop  }
0xfd: {  	[tilespmem:s24], [sflag:$0x1] =	stream.indirect_vreg.gather [hbm4b:s8+s2], $0x80, v3, vm0, $0xb8;
	[tilespmem:$0x10100] =	vst v63  }
0xfe: {  	_ = 	snop  }
0xff: {  	[tilespmem:s25], [sflag:$0x1] =	stream.indirect_vreg.gather [hbm4b:s9+s2], $0x80, v3, vm0, $0xb8;
	[tilespmem:$0x10100] =	vst v63  }
0x100: {  	_ = 	snop  }
0x101: {  	[tilespmem:s26], [sflag:$0x1] =	stream.indirect_vreg.gather [hbm4b:s10+s2], $0x80, v3, vm0, $0xb8;
	[tilespmem:$0x10100] =	vst v63  }
0x102: {  	_ =	swait.ge [sflag:s29], $0x8000  }
0x103: {  	[sflag:s29] =	ssyncset.done $0x0  }
0x104: {  	s13 =	rddreg [dreg:$0xa];
	[sflag:s29] =	ssyncadd.s32 $0xFFFF8000  }
0x105: {  	[hbm4b:s13+s2] =	stream.linear.scatter [tilespmem:s1], [sflag:$0x3], $0x8000, $0x38;
	[tilespmem:$0x10100] =	vst v63  }
0x106: {  	_ =	swait.ge [sflag:s12], $0x8000  }
0x107: {  	[sflag:s12] =	ssyncset.done $0x0  }
0x108: {  	s13 =	simm.s32 $0x80;
	s0 =	rddreg [dreg:$0xb];
	[sflag:s12] =	ssyncadd.s32 $0xFFFF8000  }
0x109: {  	[tilespmem:s13], [sflag:$0x3] =	stream.linear.gather [hbm4b:s0+s2], $0x10, $0x38;
	[tilespmem:$0x10100] =	vst v63  }
0x10a: {  	_ =	swait.ge [sflag:s12], $0x10  }
0x10b: {  	[sflag:s12] =	ssyncset.done $0x0  }
0x10c: {  	[sflag:s12] =	ssyncadd.s32 $0xFFFFFFF0  }
0x10d: {  	v3 =	vld [tilespmem:$0x80];
	_ =	sdelay $0x4  }
0x10e: {  	v61 =	vshll.u32 v3, $0x4  }
0x10f: {  	v3 =	vand.u32 $0x7, v3;
	v4 =	vand.u32 $0xFFFFFF80, v61  }
0x110: {  	v3 =	vor.u32 v3, v4  }
0x111: {  	v4 =	vperm.xlane v3, v0;
	_ =	sdelay $0x1  }
0x112: {  	v4 =	vadd.s32 v1, v4;
	_ =	sdelay $0x4  }
0x113: {  	[tilespmem:s1], [sflag:$0x2] =	stream.indirect_vreg.gather [hbm4b:s3+s2], $0x80, v4, vm0, $0xb8;
	[tilespmem:$0x10100] =	vst v63  }
0x114: {  	s30 =	simm.s32 $0x8900  }
0x115: {  	[tilespmem:s30], [sflag:$0x2] =	stream.indirect_vreg.gather [hbm4b:s4+s2], $0x80, v4, vm0, $0xb8;
	[tilespmem:$0x10100] =	vst v63  }
0x116: {  	s13 =	simm.s32 $0x9100  }
0x117: {  	[tilespmem:s13], [sflag:$0x2] =	stream.indirect_vreg.gather [hbm4b:s5+s2], $0x80, v4, vm0, $0xb8;
	[tilespmem:$0x10100] =	vst v63  }
0x118: {  	s0 =	simm.s32 $0x9900  }
0x119: {  	[tilespmem:s0], [sflag:$0x2] =	stream.indirect_vreg.gather [hbm4b:s6+s2], $0x80, v4, vm0, $0xb8;
	[tilespmem:$0x10100] =	vst v63  }
0x11a: {  	s0 =	simm.s32 $0xA100  }
0x11b: {  	[tilespmem:s0], [sflag:$0x2] =	stream.indirect_vreg.gather [hbm4b:s7+s2], $0x80, v4, vm0, $0xb8;
	[tilespmem:$0x10100] =	vst v63  }
0x11c: {  	v3 =	vperm.xlane v3, v2;
	s0 =	simm.s32 $0xA900  }
0x11d: {  	[tilespmem:s0], [sflag:$0x2] =	stream.indirect_vreg.gather [hbm4b:s8+s2], $0x80, v4, vm0, $0xb8;
	[tilespmem:$0x10100] =	vst v63  }
0x11e: {  	v3 =	vadd.s32 v1, v3;
	s0 =	simm.s32 $0xB100  }
0x11f: {  	[tilespmem:s0], [sflag:$0x2] =	stream.indirect_vreg.gather [hbm4b:s9+s2], $0x80, v4, vm0, $0xb8;
	[tilespmem:$0x10100] =	vst v63  }
0x120: {  	s0 =	simm.s32 $0xB900  }
0x121: {  	[tilespmem:s0], [sflag:$0x2] =	stream.indirect_vreg.gather [hbm4b:s10+s2], $0x80, v4, vm0, $0xb8;
	[tilespmem:$0x10100] =	vst v63  }
0x122: {  	s0 =	simm.s32 $0xC100  }
0x123: {  	[tilespmem:s0], [sflag:$0x2] =	stream.indirect_vreg.gather [hbm4b:s3+s2], $0x80, v3, vm0, $0xb8;
	[tilespmem:$0x10100] =	vst v63  }
0x124: {  	s0 =	simm.s32 $0xC900  }
0x125: {  	[tilespmem:s0], [sflag:$0x2] =	stream.indirect_vreg.gather [hbm4b:s4+s2], $0x80, v3, vm0, $0xb8;
	[tilespmem:$0x10100] =	vst v63  }
0x126: {  	s0 =	simm.s32 $0xD100  }
0x127: {  	[tilespmem:s0], [sflag:$0x2] =	stream.indirect_vreg.gather [hbm4b:s5+s2], $0x80, v3, vm0, $0xb8;
	[tilespmem:$0x10100] =	vst v63  }
0x128: {  	s0 =	simm.s32 $0xD900  }
0x129: {  	[tilespmem:s0], [sflag:$0x2] =	stream.indirect_vreg.gather [hbm4b:s6+s2], $0x80, v3, vm0, $0xb8;
	[tilespmem:$0x10100] =	vst v63  }
0x12a: {  	s0 =	simm.s32 $0xE100  }
0x12b: {  	[tilespmem:s0], [sflag:$0x2] =	stream.indirect_vreg.gather [hbm4b:s7+s2], $0x80, v3, vm0, $0xb8;
	[tilespmem:$0x10100] =	vst v63  }
0x12c: {  	s0 =	simm.s32 $0xE900  }
0x12d: {  	[tilespmem:s0], [sflag:$0x2] =	stream.indirect_vreg.gather [hbm4b:s8+s2], $0x80, v3, vm0, $0xb8;
	[tilespmem:$0x10100] =	vst v63  }
0x12e: {  	s0 =	simm.s32 $0xF100  }
0x12f: {  	[tilespmem:s0], [sflag:$0x2] =	stream.indirect_vreg.gather [hbm4b:s9+s2], $0x80, v3, vm0, $0xb8;
	[tilespmem:$0x10100] =	vst v63  }
0x130: {  	s0 =	simm.s32 $0xF900  }
0x131: {  	[tilespmem:s0], [sflag:$0x2] =	stream.indirect_vreg.gather [hbm4b:s10+s2], $0x80, v3, vm0, $0xb8;
	[tilespmem:$0x10100] =	vst v63  }
0x132: {  	_ =	swait.ge [sflag:s28], $0x8000  }
0x133: {  	[sflag:s28] =	ssyncset.done $0x0  }
0x134: {  	s0 =	simm.s32 $0x100;
	s30 =	rddreg [dreg:$0xc];
	[sflag:s28] =	ssyncadd.s32 $0xFFFF8000  }
0x135: {  	[hbm4b:s30+s2] =	stream.linear.scatter [tilespmem:s0], [sflag:$0x3], $0x8000, $0x38;
	[tilespmem:$0x10100] =	vst v63  }
0x136: {  	_ =	swait.ge [sflag:s12], $0x8000  }
0x137: {  	[sflag:s12] =	ssyncset.done $0x0  }
0x138: {  	s30 =	rddreg [dreg:$0xd];
	[sflag:s12] =	ssyncadd.s32 $0xFFFF8000  }
0x139: {  	[tilespmem:s2], [sflag:$0x3] =	stream.linear.gather [hbm4b:s30+s2], $0x10, $0x38;
	[tilespmem:$0x10100] =	vst v63  }
0x13a: {  	_ =	swait.ge [sflag:s12], $0x10  }
0x13b: {  	[sflag:s12] =	ssyncset.done $0x0  }
0x13c: {  	[sflag:s12] =	ssyncadd.s32 $0xFFFFFFF0  }
0x13d: {  	v3 =	vld [tilespmem:$0x0];
	_ =	sdelay $0x4  }
0x13e: {  	v62 =	vshll.u32 v3, $0x4  }
0x13f: {  	v3 =	vand.u32 $0x7, v3;
	v4 =	vand.u32 $0xFFFFFF80, v62  }
0x140: {  	v3 =	vor.u32 v3, v4  }
0x141: {  	v4 =	vperm.xlane v3, v0;
	_ =	sdelay $0x1  }
0x142: {  	v4 =	vadd.s32 v1, v4;
	_ =	sdelay $0x4  }
0x143: {  	[tilespmem:s0], [sflag:$0x1] =	stream.indirect_vreg.gather [hbm4b:s3+s2], $0x80, v4, vm0, $0xb8;
	[tilespmem:$0x10100] =	vst v63  }
0x144: {  	s31 =	simm.s32 $0x900  }
0x145: {  	[tilespmem:s31], [sflag:$0x1] =	stream.indirect_vreg.gather [hbm4b:s4+s2], $0x80, v4, vm0, $0xb8;
	[tilespmem:$0x10100] =	vst v63  }
0x146: {  	s31 =	simm.s32 $0x1100  }
0x147: {  	[tilespmem:s31], [sflag:$0x1] =	stream.indirect_vreg.gather [hbm4b:s5+s2], $0x80, v4, vm0, $0xb8;
	[tilespmem:$0x10100] =	vst v63  }
0x148: {  	s14 =	simm.s32 $0x1900  }
0x149: {  	[tilespmem:s14], [sflag:$0x1] =	stream.indirect_vreg.gather [hbm4b:s6+s2], $0x80, v4, vm0, $0xb8;
	[tilespmem:$0x10100] =	vst v63  }
0x14a: {  	s15 =	simm.s32 $0x2100  }
0x14b: {  	[tilespmem:s15], [sflag:$0x1] =	stream.indirect_vreg.gather [hbm4b:s7+s2], $0x80, v4, vm0, $0xb8;
	[tilespmem:$0x10100] =	vst v63  }
0x14c: {  	s16 =	simm.s32 $0x2900;
	v3 =	vperm.xlane v3, v2  }
0x14d: {  	[tilespmem:s16], [sflag:$0x1] =	stream.indirect_vreg.gather [hbm4b:s8+s2], $0x80, v4, vm0, $0xb8;
	[tilespmem:$0x10100] =	vst v63  }
0x14e: {  	s17 =	simm.s32 $0x3100;
	v3 =	vadd.s32 v1, v3  }
0x14f: {  	[tilespmem:s17], [sflag:$0x1] =	stream.indirect_vreg.gather [hbm4b:s9+s2], $0x80, v4, vm0, $0xb8;
	[tilespmem:$0x10100] =	vst v63  }
0x150: {  	s18 =	simm.s32 $0x3900  }
0x151: {  	[tilespmem:s18], [sflag:$0x1] =	stream.indirect_vreg.gather [hbm4b:s10+s2], $0x80, v4, vm0, $0xb8;
	[tilespmem:$0x10100] =	vst v63  }
0x152: {  	s19 =	simm.s32 $0x4100  }
0x153: {  	[tilespmem:s19], [sflag:$0x1] =	stream.indirect_vreg.gather [hbm4b:s3+s2], $0x80, v3, vm0, $0xb8;
	[tilespmem:$0x10100] =	vst v63  }
0x154: {  	s20 =	simm.s32 $0x4900  }
0x155: {  	[tilespmem:s20], [sflag:$0x1] =	stream.indirect_vreg.gather [hbm4b:s4+s2], $0x80, v3, vm0, $0xb8;
	[tilespmem:$0x10100] =	vst v63  }
0x156: {  	s21 =	simm.s32 $0x5100  }
0x157: {  	[tilespmem:s21], [sflag:$0x1] =	stream.indirect_vreg.gather [hbm4b:s5+s2], $0x80, v3, vm0, $0xb8;
	[tilespmem:$0x10100] =	vst v63  }
0x158: {  	s22 =	simm.s32 $0x5900  }
0x159: {  	[tilespmem:s22], [sflag:$0x1] =	stream.indirect_vreg.gather [hbm4b:s6+s2], $0x80, v3, vm0, $0xb8;
	[tilespmem:$0x10100] =	vst v63  }
0x15a: {  	s23 =	simm.s32 $0x6100  }
0x15b: {  	[tilespmem:s23], [sflag:$0x1] =	stream.indirect_vreg.gather [hbm4b:s7+s2], $0x80, v3, vm0, $0xb8;
	[tilespmem:$0x10100] =	vst v63  }
0x15c: {  	s24 =	simm.s32 $0x6900  }
0x15d: {  	[tilespmem:s24], [sflag:$0x1] =	stream.indirect_vreg.gather [hbm4b:s8+s2], $0x80, v3, vm0, $0xb8;
	[tilespmem:$0x10100] =	vst v63  }
0x15e: {  	s25 =	simm.s32 $0x7100  }
0x15f: {  	[tilespmem:s25], [sflag:$0x1] =	stream.indirect_vreg.gather [hbm4b:s9+s2], $0x80, v3, vm0, $0xb8;
	[tilespmem:$0x10100] =	vst v63  }
0x160: {  	s26 =	simm.s32 $0x7900  }
0x161: {  	[tilespmem:s26], [sflag:$0x1] =	stream.indirect_vreg.gather [hbm4b:s10+s2], $0x80, v3, vm0, $0xb8;
	[tilespmem:$0x10100] =	vst v63  }
0x162: {  	_ =	swait.ge [sflag:s29], $0x8000  }
0x163: {  	[sflag:s29] =	ssyncset.done $0x0  }
0x164: {  	s24 =	rddreg [dreg:$0xe];
	[sflag:s29] =	ssyncadd.s32 $0xFFFF8000  }
0x165: {  	[hbm4b:s24+s2] =	stream.linear.scatter [tilespmem:s1], [sflag:$0x3], $0x8000, $0x38;
	[tilespmem:$0x10100] =	vst v63  }
0x166: {  	_ =	swait.ge [sflag:s12], $0x8000  }
0x167: {  	[sflag:s12] =	ssyncset.done $0x0  }
0x168: {  	s26 =	simm.s32 $0x80;
	s25 =	rddreg [dreg:$0xf];
	[sflag:s12] =	ssyncadd.s32 $0xFFFF8000  }
0x169: {  	[tilespmem:s26], [sflag:$0x3] =	stream.linear.gather [hbm4b:s25+s2], $0x10, $0x38;
	[tilespmem:$0x10100] =	vst v63  }
0x16a: {  	_ =	swait.ge [sflag:s12], $0x10  }
0x16b: {  	[sflag:s12] =	ssyncset.done $0x0  }
0x16c: {  	[sflag:s12] =	ssyncadd.s32 $0xFFFFFFF0  }
0x16d: {  	v3 =	vld [tilespmem:$0x80];
	_ =	sdelay $0x4  }
0x16e: {  	v63 =	vshll.u32 v3, $0x4  }
0x16f: {  	v3 =	vand.u32 $0x7, v3;
	v4 =	vand.u32 $0xFFFFFF80, v63  }
0x170: {  	v3 =	vor.u32 v3, v4  }
0x171: {  	v4 =	vperm.xlane v3, v0;
	_ =	sdelay $0x1  }
0x172: {  	v4 =	vadd.s32 v1, v4;
	_ =	sdelay $0x4  }
0x173: {  	[tilespmem:s1], [sflag:$0x2] =	stream.indirect_vreg.gather [hbm4b:s3+s2], $0x80, v4, vm0, $0xb8;
	[tilespmem:$0x10100] =	vst v63  }
0x174: {  	s30 =	simm.s32 $0x8900  }
0x175: {  	[tilespmem:s30], [sflag:$0x2] =	stream.indirect_vreg.gather [hbm4b:s4+s2], $0x80, v4, vm0, $0xb8;
	[tilespmem:$0x10100] =	vst v63  }
0x176: {  	_ = 	snop  }
0x177: {  	[tilespmem:s13], [sflag:$0x2] =	stream.indirect_vreg.gather [hbm4b:s5+s2], $0x80, v4, vm0, $0xb8;
	[tilespmem:$0x10100] =	vst v63  }
0x178: {  	s31 =	simm.s32 $0x9900  }
0x179: {  	[tilespmem:s31], [sflag:$0x2] =	stream.indirect_vreg.gather [hbm4b:s6+s2], $0x80, v4, vm0, $0xb8;
	[tilespmem:$0x10100] =	vst v63  }
0x17a: {  	s14 =	simm.s32 $0xA100  }
0x17b: {  	[tilespmem:s14], [sflag:$0x2] =	stream.indirect_vreg.gather [hbm4b:s7+s2], $0x80, v4, vm0, $0xb8;
	[tilespmem:$0x10100] =	vst v63  }
0x17c: {  	s15 =	simm.s32 $0xA900;
	v3 =	vperm.xlane v3, v2  }
0x17d: {  	[tilespmem:s15], [sflag:$0x2] =	stream.indirect_vreg.gather [hbm4b:s8+s2], $0x80, v4, vm0, $0xb8;
	[tilespmem:$0x10100] =	vst v63  }
0x17e: {  	s16 =	simm.s32 $0xB100;
	v3 =	vadd.s32 v1, v3  }
0x17f: {  	[tilespmem:s16], [sflag:$0x2] =	stream.indirect_vreg.gather [hbm4b:s9+s2], $0x80, v4, vm0, $0xb8;
	[tilespmem:$0x10100] =	vst v63  }
0x180: {  	s17 =	simm.s32 $0xB900  }
0x181: {  	[tilespmem:s17], [sflag:$0x2] =	stream.indirect_vreg.gather [hbm4b:s10+s2], $0x80, v4, vm0, $0xb8;
	[tilespmem:$0x10100] =	vst v63  }
0x182: {  	s18 =	simm.s32 $0xC100  }
0x183: {  	[tilespmem:s18], [sflag:$0x2] =	stream.indirect_vreg.gather [hbm4b:s3+s2], $0x80, v3, vm0, $0xb8;
	[tilespmem:$0x10100] =	vst v63  }
0x184: {  	s19 =	simm.s32 $0xC900  }
0x185: {  	[tilespmem:s19], [sflag:$0x2] =	stream.indirect_vreg.gather [hbm4b:s4+s2], $0x80, v3, vm0, $0xb8;
	[tilespmem:$0x10100] =	vst v63  }
0x186: {  	s20 =	simm.s32 $0xD100  }
0x187: {  	[tilespmem:s20], [sflag:$0x2] =	stream.indirect_vreg.gather [hbm4b:s5+s2], $0x80, v3, vm0, $0xb8;
	[tilespmem:$0x10100] =	vst v63  }
0x188: {  	s21 =	simm.s32 $0xD900  }
0x189: {  	[tilespmem:s21], [sflag:$0x2] =	stream.indirect_vreg.gather [hbm4b:s6+s2], $0x80, v3, vm0, $0xb8;
	[tilespmem:$0x10100] =	vst v63  }
0x18a: {  	s22 =	simm.s32 $0xE100  }
0x18b: {  	[tilespmem:s22], [sflag:$0x2] =	stream.indirect_vreg.gather [hbm4b:s7+s2], $0x80, v3, vm0, $0xb8;
	[tilespmem:$0x10100] =	vst v63  }
0x18c: {  	s23 =	simm.s32 $0xE900  }
0x18d: {  	[tilespmem:s23], [sflag:$0x2] =	stream.indirect_vreg.gather [hbm4b:s8+s2], $0x80, v3, vm0, $0xb8;
	[tilespmem:$0x10100] =	vst v63  }
0x18e: {  	s24 =	simm.s32 $0xF100  }
0x18f: {  	[tilespmem:s24], [sflag:$0x2] =	stream.indirect_vreg.gather [hbm4b:s9+s2], $0x80, v3, vm0, $0xb8;
	[tilespmem:$0x10100] =	vst v63  }
0x190: {  	s25 =	simm.s32 $0xF900  }
0x191: {  	[tilespmem:s25], [sflag:$0x2] =	stream.indirect_vreg.gather [hbm4b:s10+s2], $0x80, v3, vm0, $0xb8;
	[tilespmem:$0x10100] =	vst v63  }
0x192: {  	_ =	swait.ge [sflag:s28], $0x8000  }
0x193: {  	[sflag:s28] =	ssyncset.done $0x0  }
0x194: {  	s0 =	simm.s32 $0x100;
	s26 =	rddreg [dreg:$0x10];
	[sflag:s28] =	ssyncadd.s32 $0xFFFF8000  }
0x195: {  	[hbm4b:s26+s2] =	stream.linear.scatter [tilespmem:s0], [sflag:$0x3], $0x8000, $0x38;
	[tilespmem:$0x10100] =	vst v63  }
0x196: {  	_ =	swait.ge [sflag:s12], $0x8000  }
0x197: {  	[sflag:s12] =	ssyncset.done $0x0  }
0x198: {  	[sflag:s12] =	ssyncadd.s32 $0xFFFF8000  }
0x199: {  	_ =	swait.ge [sflag:s29], $0x8000  }
0x19a: {  	p0 =	sne.s32 s11, $0x1;
	[sflag:s29] =	ssyncset.done $0x0  }
.Ltmp0:
0x19b: {  	s31 =	rddreg [dreg:$0x11];
	[sflag:s29] =	ssyncadd.s32 $0xFFFF8000;
	(pc) =	sbr.rel @p0 .LBB2_1-.Ltmp0, $4  }
0x19c: {  	[hbm4b:s31+s2] =	stream.linear.scatter [tilespmem:s1], [sflag:$0x3], $0x8000, $0x38;
	[tilespmem:$0x10100] =	vst v63  }
0x19d: {  	_ =	swait.ge [sflag:s12], $0x8000  }
0x19e: {  	[sflag:s12] =	ssyncset.done $0x0  }
0x19f: {  	s11 =	sadd.s32 $0xFFFFFFFF, s11;
	[sflag:s12] =	ssyncadd.s32 $0xFFFF8000  }
0x1a0: {  	_ =	sfence.sel $0x180000  }
0x1a1: {  	[bflag:$0x0] =	sbarrier.arrive $0xFFFF  }
0x1a2: {  	_ =	strace $0x9000004D  }
0x1a3: {  	s0 =	stileid.u32;
	[bflag:$0x2] =	sbarrier.arrive $0xFFFF  }
0x1a4: {  	p0 =	sne.s32 s0, $0x0;
	s0 =	rddreg [dreg:$0x1]  }
0x1a5: {  	s0 =	sadd.s32 @!p0 $0x100000, s0  }
0x1a6: {  	[sflag:s0] =	ssyncadd.tile.s32 @!p0 $0x1;
	_ =	shalt  }
.Lfunc_end2:
_tile_overlayer_lowered:
.L_overlay_start_2:
0x1a7: {  	(tag) =	ssettag $0x2  }
0x1a8: {  	s0 =	rddreg [dreg:$0x0];
	s2 =	stileid.u32  }
0x1a9: {  	s1 =	rddreg [dreg:$0x1];
	p0 =	sne.s32 s2, $0x0  }
0x1aa: {  	s3 =	rddreg [dreg:$0x2];
	[bflag:$0x3] =	sbarrier.arrive $0xFFFF;
	s2 =	simm.s32 @!p0 $0x1C03  }
0x1ab: {  	[timem:s3], [sflag:s2] =	dma.local @!p0 [hbm:s0], s1  }
0x1ac: {  	s0 =	simm.s32 @!p0 $0x3  }
0x1ad: {  	_ =	swait.ge @!p0 [sflag:s0], s1  }
0x1ae: {  	s1 =	ssub.s32 @!p0 $0x0, s1;
	[sflag:s0] =	ssyncset.done @!p0 $0x0  }
0x1af: {  	[sflag:s0] =	ssyncadd.s32 @!p0 s1  }
0x1b0: {  	[bflag:$0x3] =	sbarrier.arrive $0xFFFF  }
0x1b1: {  	_ =	shalt  }

// kernel: kernel.8.cloned.1.call-start
scs
__scs_entry_jumppad:
0x0: {  	(pc) =	sbr.rel $0x88, $3  }
0x1: {  	(tag) =	ssettag $0x0;
	lr =	simm.s32 $0x1  }
0x2: {  	[smem:$0x3F99] =	sst lr;
	_ =	strace $0xD0000000  }
0x3: {  	_ = 	snop  }
0x4: {  	_ = 	snop  }
0x5: {  	_ = 	snop  }
0x6: {  	_ = 	snop  }
0x7: {  	_ = 	snop  }
__scs_overlays_trampoline_lowered:
0x8: {  	[smem:$0x3FA8] =	sst s0  }
0x9: {  	[smem:$0x3FA9] =	sst s1  }
0xa: {  	[smem:$0x3FAA] =	sst s2  }
0xb: {  	[smem:$0x3FAB] =	sst s3  }
0xc: {  	[smem:$0x3FAC] =	sst s4  }
0xd: {  	[smem:$0x3FAD] =	sst s5  }
0xe: {  	[smem:$0x3FAE] =	sst s6  }
0xf: {  	[smem:$0x3FAF] =	sst s7  }
0x10: {  	[smem:$0x3FB0] =	sst s8  }
0x11: {  	[smem:$0x3FB1] =	sst s9;
	s0 =	simm.s32 @!p0 $0x0  }
0x12: {  	s1 =	sld [smem:$0x3F97];
	s0 =	simm.s32 @p0 $0x1  }
0x13: {  	[smem:$0x3FB2] =	sst s0;
	s0 =	simm.s32 @!p1 $0x0  }
0x14: {  	s2 =	sld [smem:$0x3F96];
	s0 =	simm.s32 @p1 $0x1  }
0x15: {  	[smem:$0x3FB3] =	sst s0;
	s0 =	simm.s32 @!p2 $0x0  }
0x16: {  	s3 =	sld [smem:$0x3FDB];
	s0 =	simm.s32 @p2 $0x1  }
0x17: {  	s4 =	simm.s32 $0x1BF5;
	[smem:$0x3FB5] =	sst s0  }
0x18: {  	s0 =	sld [smem:$0x3F98];
	_ =	swait.ge [sflag:s4], $0x0  }
0x19: {  	s7 =	sld [smem:$0x3F99]  }
0x1a: {  	s8 =	sadd.s32 $0xFFFFE003, lr  }
0x1b: {  	s9 =	sadd.s32 $0xFFFFFEF7, lr;
	s5 =	simm.s32 $0xFFFFFFFF;
	p2 =	slt.u32 s8, $0xFFFFF086  }
0x1c: {  	p1 =	slt.u32 s9, $0xF7A;
	s5 =	simm.s32 @!p2 $0x0  }
0x1d: {  	s5 =	simm.s32 @p1 $0x1;
	p0 =	seq.s32 s7, s2  }
0x1e: {  	s7 =	smul.u32 @!p0 $0xF7A, s2;
	p2 =	seq.s32 @!p0 s5, $0x0  }
0x1f: {  	s9 =	smul.u32 $0xF7A, s1;
	s8 =	simm.s32 @!p0 $0x1BF5;
	p2 =	por !p2, p0  }
0x20: {  	[sflag:s8] =	ssyncset.s32 @!p0 $0xFFFFF086;
	s6 =	sadd.s32 @!p0 s3, s7;
	s7 =	simm.s32 @!p0 $0x108  }
0x21: {  	s3 =	sadd.s32 s3, s9;
	s6 =	sadd.s32 @!p0 $0x88, s6;
	s7 =	simm.s32 @p2 $0x1082  }
0x22: {  	[simem:s7], [sflag:s8] =	dma.local @!p0 [hbm:s6], $0xF7A  }
0x23: {  	s9 =	sor.u32 $0xD0000000, s2;
	s6 =	simm.s32 $0x108;
	_ =	swait.ge @!p0 [sflag:s8], $0x0  }
0x24: {  	s3 =	sadd.s32 $0x88, s3;
	s6 =	simm.s32 @!p1 $0x1082;
	[sflag:s4] =	ssyncset.s32 $0xFFFFF086  }
0x25: {  	[simem:s6], [sflag:s4] =	dma.local [hbm:s3], $0xF7A  }
0x26: {  	[smem:$0x3F99] =	sst s1;
	(tag) =	ssettag s2;
	_ =	strace s9  }
0x27: {  	s1 =	sld [smem:$0x3FA9]  }
0x28: {  	s2 =	sld [smem:$0x3FAA]  }
0x29: {  	s4 =	sld [smem:$0x3FAC]  }
0x2a: {  	p0 =	seq.s32 s5, $0x0;
	s5 =	sld [smem:$0x3FAD]  }
0x2b: {  	s6 =	sld [smem:$0x3FAE]  }
0x2c: {  	s7 =	sld [smem:$0x3FAF]  }
0x2d: {  	s3 =	simm.s32 $0x108;
	s8 =	sld [smem:$0x3FB0]  }
0x2e: {  	s3 =	simm.s32 @!p0 $0x1082;
	s9 =	sld [smem:$0x3FB1]  }
0x2f: {  	lr =	sadd.s32 s0, s3;
	s0 =	sld [smem:$0x3FA8]  }
0x30: {  	s3 =	sld [smem:$0x3FAB]  }
0x31: {  	[smem:$0x3FB4] =	sst s10  }
0x32: {  	s10 =	sld [smem:$0x3FB2];
	_ =	sdelay $0x3  }
0x33: {  	p0 =	seq.s32 s10, $0x1;
	s10 =	sld [smem:$0x3FB4];
	_ =	sdelay $0x3  }
0x34: {  	[smem:$0x3FB4] =	sst s10  }
0x35: {  	s10 =	sld [smem:$0x3FB3];
	_ =	sdelay $0x3  }
0x36: {  	p1 =	seq.s32 s10, $0x1;
	s10 =	sld [smem:$0x3FB4];
	_ =	sdelay $0x3  }
0x37: {  	[smem:$0x3FB4] =	sst s10  }
0x38: {  	s10 =	sld [smem:$0x3FB5]  }
0x39: {  	_ = 	snop;
	(pc) =	sbr.ind lr, $3  }
0x3a: {  	_ = 	snop  }
0x3b: {  	_ = 	snop  }
0x3c: {  	p2 =	seq.s32 s10, $0x1;
	s10 =	sld [smem:$0x3FB4]  }
0x3d: {  	_ =	shalt  }
0x3e: {  	_ =	shalt  }
0x3f: {  	_ =	shalt  }
0x40: {  	_ =	shalt  }
0x41: {  	_ =	shalt  }
0x42: {  	_ =	shalt  }
0x43: {  	_ =	shalt  }
0x44: {  	_ =	shalt  }
0x45: {  	_ =	shalt  }
0x46: {  	_ =	shalt  }
0x47: {  	_ =	shalt  }
0x48: {  	_ =	shalt  }
0x49: {  	_ =	shalt  }
0x4a: {  	_ =	shalt  }
0x4b: {  	_ =	shalt  }
0x4c: {  	_ =	shalt  }
0x4d: {  	_ =	shalt  }
0x4e: {  	_ =	shalt  }
0x4f: {  	_ =	shalt  }
0x50: {  	_ =	shalt  }
0x51: {  	_ =	shalt  }
0x52: {  	_ =	shalt  }
0x53: {  	_ =	shalt  }
0x54: {  	_ =	shalt  }
0x55: {  	_ =	shalt  }
0x56: {  	_ =	shalt  }
0x57: {  	_ =	shalt  }
0x58: {  	_ =	shalt  }
0x59: {  	_ =	shalt  }
0x5a: {  	_ =	shalt  }
0x5b: {  	_ =	shalt  }
0x5c: {  	_ =	shalt  }
0x5d: {  	_ =	shalt  }
0x5e: {  	_ =	shalt  }
0x5f: {  	_ =	shalt  }
0x60: {  	_ =	shalt  }
0x61: {  	_ =	shalt  }
0x62: {  	_ =	shalt  }
0x63: {  	_ =	shalt  }
0x64: {  	_ =	shalt  }
0x65: {  	_ =	shalt  }
0x66: {  	_ =	shalt  }
0x67: {  	_ =	shalt  }
0x68: {  	_ =	shalt  }
0x69: {  	_ =	shalt  }
0x6a: {  	_ =	shalt  }
0x6b: {  	_ =	shalt  }
0x6c: {  	_ =	shalt  }
0x6d: {  	_ =	shalt  }
0x6e: {  	_ =	shalt  }
0x6f: {  	_ =	shalt  }
0x70: {  	_ =	shalt  }
0x71: {  	_ =	shalt  }
0x72: {  	_ =	shalt  }
0x73: {  	_ =	shalt  }
0x74: {  	_ =	shalt  }
0x75: {  	_ =	shalt  }
0x76: {  	_ =	shalt  }
0x77: {  	_ =	shalt  }
0x78: {  	_ =	shalt  }
0x79: {  	_ =	shalt  }
0x7a: {  	_ =	shalt  }
0x7b: {  	_ =	shalt  }
0x7c: {  	_ =	shalt  }
0x7d: {  	_ =	shalt  }
0x7e: {  	_ =	shalt  }
0x7f: {  	_ =	shalt  }
0x80: {  	_ =	shalt  }
0x81: {  	_ =	shalt  }
0x82: {  	_ =	shalt  }
0x83: {  	_ =	shalt  }
0x84: {  	_ =	shalt  }
0x85: {  	_ =	shalt  }
0x86: {  	_ =	shalt  }
0x87: {  	_ =	shalt  }
.Lfunc_end0:
.L_simem_size_0:
called_computation.1_lowered:
.L_overlay_start_0:
0x88: {  	s2 =	sld [smem:$0x3FD9]  }
0x89: {  	s3 =	sld [smem:$0x3FFE];
	_ =	sdelay $0x1  }
0x8a: {  	s1 =	srdreg.scid  }
0x8b: {  	s0 =	sand.u32 $0x1, s1  }
0x8c: {  	s17 =	sshll.u32 s0, $0xA;
	s2 =	sadd.s32 s3, s2  }
0x8d: {  	s2 =	sadd.s32 s2, s17  }
0x8e: {  	[smem:$0x3FC0] =	sst s2  }
0x8f: {  	_ = 	snop  }
0x90: {  	s2 =	sld [smem:$0x3FD0];
	(tm) =	ssettm $0x1  }
0x91: {  	s18 =	sld [smem:$0x3FFB];
	_ =	sdelay $0x3  }
0x92: {  	_ =	strace s18  }
0x93: {  	s3 =	sld [smem:$0x3FFC];
	_ =	sdelay $0x3  }
0x94: {  	_ =	strace s3  }
0x95: {  	s3 =	sld [smem:$0x3FFD];
	_ =	sdelay $0x3  }
0x96: {  	_ =	strace s3  }
0x97: {  	_ =	strace $0x8FFFFFFF  }
0x98: {  	s19 =	sld [smem:$0x3FDB];
	_ =	sdelay $0x1  }
0x99: {  	s4 =	simm.s32 $_scs_section_size  }
0x9a: {  	s5 =	simm.s32 $_size__tile_overlayer_lowered;
	s6 =	simm.s32 $_tile_overlayer_lowered  }
0x9b: {  	s22 =	simm.s32 $0x1BFF;
	s21 =	sshll.u32 s6, $0x1;
	s3 =	sadd.s32 s4, s19  }
0x9c: {  	s7 =	simm.s32 $0x0;
	s20 =	sshll.u32 s5, $0x1;
	s5 =	sadd.s32 s21, s3  }
0x9d: {  	[timem:s7], [sflag:s22] =	dma.local [hbm:s5], s20  }
0x9e: {  	_ =	swait.ge [sflag:s22], s20  }
0x9f: {  	s4 =	ssub.s32 $0x0, s20;
	[sflag:s22] =	ssyncset.done $0x0  }
0xa0: {  	[sflag:s22] =	ssyncadd.s32 s4;
	_ =	sdelay $0x1  }
0xa1: {  	s23 =	simm.s32 $0x1B8B  }
0xa2: {  	_ =	swait.ge [sflag:s23], $0x1  }
0xa3: {  	[sflag:s23] =	ssyncset.done $0x0  }
0xa4: {  	s25 =	simm.s32 $0x1B8E;
	s24 =	sld [smem:$0x3FFE];
	[sflag:s23] =	ssyncadd.s32 $0xFFFFFFFF  }
0xa5: {  	s26 =	simm.s32 $execute0_lowered;
	[smem:$0x3FD2] =	sst s25  }
0xa6: {  	s5 =	sshll.u32 s26, $0x1;
	_ =	strace $0x80000046;
	[dreg:$0x1] =	wrdreg $0xFFFFFFFF  }
0xa7: {  	s28 =	simm.s32 $_size_execute0_lowered;
	s3 =	sadd.s32 s3, s5;
	[dreg:$0x0] =	wrdreg $0x0  }
0xa8: {  	s5 =	sshll.u32 s28, $0x1;
	[dreg:$0x2] =	wrdreg s3  }
0xa9: {  	[dreg:$0x3] =	wrdreg s5  }
0xaa: {  	[dreg:$0x4] =	wrdreg $0xC0  }
0xab: {  	_ =	task [dreg:s7], $0x5FFFF  }
0xac: {  	[dreg:$0x1] =	wrdreg $0xFFFFFFFF  }
0xad: {  	[dreg:$0x0] =	wrdreg $0x60  }
0xae: {  	[dreg:$0x2] =	wrdreg s24  }
0xaf: {  	[dreg:$0x3] =	wrdreg s2  }
0xb0: {  	[dreg:$0x4] =	wrdreg $0x9  }
0xb1: {  	_ =	task.clear_ibuf [dreg:s7], $0x5FFFF;
	_ =	strace $0x90000046  }
0xb2: {  	s29 =	simm.s32 $0x9;
	_ =	strace $0x80000048  }
0xb3: {  	_ =	swait.ge [sflag:s29], $0x1  }
0xb4: {  	[sflag:s29] =	ssyncadd.s32 $0xFFFFFFFF  }
0xb5: {  	_ =	strace $0x90000048  }
0xb6: {  	_ =	sfence  }
0xb7: {  	s30 =	sld [smem:$0x0];
	_ =	sdelay $0x2  }
0xb8: {  	s31 =	sshll.u32 s1, $0xD;
	s1 =	sshrl.u32 s1, $0x2  }
0xb9: {  	s3 =	sand.u32 $0x4000, s31;
	s1 =	sadd.s32 s1, s30  }
0xba: {  	s0 =	sor.u32 s3, s0;
	s1 =	sshll.u32 s1, $0x11  }
0xbb: {  	s0 =	sor.u32 s1, s0  }
0xbc: {  	s0 =	sadd.s32 $0x8F2B, s0  }
0xbd: {  	[sflag:s0] =	ssyncadd.remote.s32 $0x1  }
0xbe: {  	_ =	sfence.sel $0xFFFF  }
0xbf: {  	[dreg:$0x0] =	wrdreg $0xFFFFFFFF;
	(pc) =	sbr.abs _section_cstart, $3  }
0xc0: {  	[dreg:$0x1] =	wrdreg $0xFFFFFFFF  }
0xc1: {  	_ =	task.clear_ibuf [dreg:s7], $0x2FFFF;
	_ =	strace $0x9FFFFFFF  }
0xc2: {  	(tm) =	ssettm $0x7FFFFFFF  }
0xc3: {  	_ =	shalt  }
tec
execute0_lowered:
.L_overlay_start_1:
0x0: {  	(tag) =	ssettag $0x1  }
0x1: {  	s0 =	rddreg [dreg:$0x0]  }
0x2: {  	s1 =	srdreg.scid;
	s3 =	stileid.u32  }
0x3: {  	s2 =	rddreg [dreg:$0x1];
	s28 =	simm.s32 $0x2900;
	s29 =	simm.s32 $0x3100  }
0x4: {  	s30 =	simm.s32 $0x3900;
	s31 =	simm.s32 $0x4100;
	s11 =	simm.s32 $0x6100  }
0x5: {  	s12 =	simm.s32 $0x6900;
	s1 =	sand.u32 $0x1, s1;
	s4 =	sshll.u32 s3, $0x1  }
0x6: {  	s3 =	simm.s32 $0x0;
	s6 =	sadd.s32 $0x43800, s0;
	s4 =	sor.u32 s1, s4  }
0x7: {  	s0 =	sadd.s32 $0x5BE00, s0;
	s1 =	ssub.s32 $0x2, s1;
	s5 =	smul.u32 $0xC0, s4  }
0x8: {  	[smem:$0x7FF] =	sst s3;
	s4 =	smul.u32 $0x6000, s4;
	s10 =	sshrl.u32 s1, $0x1  }
0x9: {  	_ =	strace $0x80000047;
	s1 =	ssub.s32 s1, s10;
	s10 =	simm.s32 $0x5900  }
0xa: {  	s7 =	sshrl.u32 s5, $0x3;
	s8 =	sor.u32 $0x20, s5;
	s4 =	sadd.s32 s0, s4  }
0xb: {  	s14 =	sadd.s32 $0x40, s5;
	s16 =	sadd.s32 $0x60, s5;
	s20 =	sadd.s32 $0x80, s5  }
0xc: {  	s5 =	sadd.s32 $0xA0, s5;
	s7 =	sadd.s32 s6, s7;
	s9 =	sshrl.u32 s8, $0x3  }
0xd: {  	[dreg:$0x5] =	wrdreg s4;
	s15 =	sshrl.u32 s14, $0x3;
	s8 =	sshll.u32 s8, $0x7  }
0xe: {  	s18 =	sshrl.u32 s16, $0x3;
	s21 =	sshrl.u32 s20, $0x3;
	s23 =	sshrl.u32 s5, $0x3  }
0xf: {  	s24 =	sshll.u32 s20, $0x7;
	s26 =	sshll.u32 s5, $0x7;
	s5 =	sadd.s32 $0x200, s2  }
0x10: {  	s20 =	simm.s32 $0x2;
	[dreg:$0x3] =	wrdreg s7;
	s13 =	sadd.s32 s6, s9  }
0x11: {  	s4 =	sadd.s32 s6, s15;
	s17 =	sadd.s32 s0, s8;
	s19 =	sadd.s32 s6, s18  }
0x12: {  	s7 =	sshll.u32 s14, $0x7;
	s9 =	sshll.u32 s16, $0x7;
	s25 =	sadd.s32 s0, s24  }
0x13: {  	s8 =	simm.s32 $0x3;
	s24 =	simm.s32 $0x1900;
	[dreg:$0x4] =	wrdreg s13  }
0x14: {  	s14 =	simm.s32 $0x7900;
	s15 =	simm.s32 $0x80;
	[dreg:$0x6] =	wrdreg s4  }
0x15: {  	s16 =	simm.s32 $0x8900;
	s18 =	simm.s32 $0x9900;
	[dreg:$0x7] =	wrdreg s17  }
0x16: {  	[dreg:$0x8] =	wrdreg s19;
	s7 =	sadd.s32 s0, s7;
	s4 =	sadd.s32 $0x100, s2  }
0x17: {  	s22 =	sadd.s32 s0, s9;
	[dreg:$0xd] =	wrdreg s25;
	s0 =	sadd.s32 s0, s26  }
0x18: {  	s19 =	simm.s32 $0x1;
	s26 =	simm.s32 $0x100;
	s25 =	simm.s32 $0x2100  }
0x19: {  	s9 =	simm.s32 $0x5100;
	s13 =	simm.s32 $0x7100;
	[dreg:$0x9] =	wrdreg s7  }
0x1a: {  	s17 =	simm.s32 $0x9100;
	s7 =	sadd.s32 s6, s21;
	[dreg:$0xb] =	wrdreg s22  }
0x1b: {  	v2 =	vlaneseq.u32;
	s6 =	sadd.s32 s6, s23;
	[dreg:$0xe] =	wrdreg s0;
	s22 =	simm.s32 $0x900  }
0x1c: {  	vm0 =	vmmov $0xffff;
	v1 =	vshrl.u32 v2, $0x3;
	s23 =	simm.s32 $0x1100;
	s0 =	simm.s32 $0x8100;
	[dreg:$0xa] =	wrdreg s7  }
0x1d: {  	v0 =	vand.u32 $0x7, v2;
	v2 =	vor.u32 $0x8, v2;
	v1 =	vmul.u32 $0x8, v1;
	[dreg:$0xc] =	wrdreg s6;
	s6 =	sadd.s32 $0x300, s2;
	s7 =	smax.u32 s1, $0x1  }
.LBB2_1:
0x1e: {  	s21 =	rddreg [dreg:$0x3]  }
0x1f: {  	[tilespmem:s3], [sflag:$0x3] =	stream.linear.gather [hbm4b:s21+s3], $0x20, $0x38;
	[tilespmem:$0x10100] =	vst v63  }
0x20: {  	_ =	swait.ge [sflag:s8], $0x20  }
0x21: {  	[sflag:s8] =	ssyncset.done $0x0  }
0x22: {  	[sflag:s8] =	ssyncadd.s32 $0xFFFFFFE0  }
0x23: {  	v3 =	vld [tilespmem:$0x0];
	_ =	sdelay $0x4  }
0x24: {  	v4 =	vshll.u32 v3, $0x3  }
0x25: {  	v3 =	vand.u32 $0x7, v3;
	v4 =	vand.u32 $0xFFFFFFC0, v4  }
0x26: {  	v3 =	vor.u32 v3, v4  }
0x27: {  	v4 =	vperm.xlane v3, v0;
	_ =	sdelay $0x1  }
0x28: {  	v4 =	vadd.s32 v1, v4;
	_ =	sdelay $0x4  }
0x29: {  	[tilespmem:s26], [sflag:$0x1] =	stream.indirect_vreg.gather [hbm4b:s2+s3], $0x80, v4, vm0, $0xb8;
	[tilespmem:$0x10100] =	vst v63  }
0x2a: {  	v3 =	vperm.xlane v3, v2  }
0x2b: {  	[tilespmem:s22], [sflag:$0x1] =	stream.indirect_vreg.gather [hbm4b:s4+s3], $0x80, v4, vm0, $0xb8;
	[tilespmem:$0x10100] =	vst v63  }
0x2c: {  	v3 =	vadd.s32 v1, v3  }
0x2d: {  	[tilespmem:s23], [sflag:$0x1] =	stream.indirect_vreg.gather [hbm4b:s5+s3], $0x80, v4, vm0, $0xb8;
	[tilespmem:$0x10100] =	vst v63  }
0x2e: {  	_ = 	snop  }
0x2f: {  	[tilespmem:s24], [sflag:$0x1] =	stream.indirect_vreg.gather [hbm4b:s6+s3], $0x80, v4, vm0, $0xb8;
	[tilespmem:$0x10100] =	vst v63  }
0x30: {  	_ = 	snop  }
0x31: {  	[tilespmem:s25], [sflag:$0x1] =	stream.indirect_vreg.gather [hbm4b:s2+s3], $0x80, v3, vm0, $0xb8;
	[tilespmem:$0x10100] =	vst v63  }
0x32: {  	_ = 	snop  }
0x33: {  	[tilespmem:s28], [sflag:$0x1] =	stream.indirect_vreg.gather [hbm4b:s4+s3], $0x80, v3, vm0, $0xb8;
	[tilespmem:$0x10100] =	vst v63  }
0x34: {  	_ = 	snop  }
0x35: {  	[tilespmem:s29], [sflag:$0x1] =	stream.indirect_vreg.gather [hbm4b:s5+s3], $0x80, v3, vm0, $0xb8;
	[tilespmem:$0x10100] =	vst v63  }
0x36: {  	_ = 	snop  }
0x37: {  	[tilespmem:s30], [sflag:$0x1] =	stream.indirect_vreg.gather [hbm4b:s6+s3], $0x80, v3, vm0, $0xb8;
	[tilespmem:$0x10100] =	vst v63  }
0x38: {  	v3 =	vld [tilespmem:$0x10];
	_ =	sdelay $0x4  }
0x39: {  	v53 =	vshll.u32 v3, $0x3  }
0x3a: {  	v3 =	vand.u32 $0x7, v3;
	v4 =	vand.u32 $0xFFFFFFC0, v53  }
0x3b: {  	v3 =	vor.u32 v3, v4  }
0x3c: {  	v4 =	vperm.xlane v3, v0;
	_ =	sdelay $0x1  }
0x3d: {  	v4 =	vadd.s32 v1, v4;
	_ =	sdelay $0x4  }
0x3e: {  	[tilespmem:s31], [sflag:$0x1] =	stream.indirect_vreg.gather [hbm4b:s2+s3], $0x80, v4, vm0, $0xb8;
	[tilespmem:$0x10100] =	vst v63  }
0x3f: {  	s1 =	simm.s32 $0x4900;
	v3 =	vperm.xlane v3, v2  }
0x40: {  	[tilespmem:s1], [sflag:$0x1] =	stream.indirect_vreg.gather [hbm4b:s4+s3], $0x80, v4, vm0, $0xb8;
	[tilespmem:$0x10100] =	vst v63  }
0x41: {  	v3 =	vadd.s32 v1, v3  }
0x42: {  	[tilespmem:s9], [sflag:$0x1] =	stream.indirect_vreg.gather [hbm4b:s5+s3], $0x80, v4, vm0, $0xb8;
	[tilespmem:$0x10100] =	vst v63  }
0x43: {  	_ = 	snop  }
0x44: {  	[tilespmem:s10], [sflag:$0x1] =	stream.indirect_vreg.gather [hbm4b:s6+s3], $0x80, v4, vm0, $0xb8;
	[tilespmem:$0x10100] =	vst v63  }
0x45: {  	_ = 	snop  }
0x46: {  	[tilespmem:s11], [sflag:$0x1] =	stream.indirect_vreg.gather [hbm4b:s2+s3], $0x80, v3, vm0, $0xb8;
	[tilespmem:$0x10100] =	vst v63  }
0x47: {  	_ = 	snop  }
0x48: {  	[tilespmem:s12], [sflag:$0x1] =	stream.indirect_vreg.gather [hbm4b:s4+s3], $0x80, v3, vm0, $0xb8;
	[tilespmem:$0x10100] =	vst v63  }
0x49: {  	_ = 	snop  }
0x4a: {  	[tilespmem:s13], [sflag:$0x1] =	stream.indirect_vreg.gather [hbm4b:s5+s3], $0x80, v3, vm0, $0xb8;
	[tilespmem:$0x10100] =	vst v63  }
0x4b: {  	_ = 	snop  }
0x4c: {  	[tilespmem:s14], [sflag:$0x1] =	stream.indirect_vreg.gather [hbm4b:s6+s3], $0x80, v3, vm0, $0xb8;
	[tilespmem:$0x10100] =	vst v63  }
0x4d: {  	s21 =	rddreg [dreg:$0x4]  }
0x4e: {  	[tilespmem:s15], [sflag:$0x3] =	stream.linear.gather [hbm4b:s21+s3], $0x20, $0x38;
	[tilespmem:$0x10100] =	vst v63  }
0x4f: {  	_ =	swait.ge [sflag:s8], $0x20  }
0x50: {  	[sflag:s8] =	ssyncset.done $0x0  }
0x51: {  	[sflag:s8] =	ssyncadd.s32 $0xFFFFFFE0  }
0x52: {  	v3 =	vld [tilespmem:$0x80];
	_ =	sdelay $0x4  }
0x53: {  	v54 =	vshll.u32 v3, $0x3  }
0x54: {  	v3 =	vand.u32 $0x7, v3;
	v4 =	vand.u32 $0xFFFFFFC0, v54  }
0x55: {  	v3 =	vor.u32 v3, v4  }
0x56: {  	v4 =	vperm.xlane v3, v0;
	_ =	sdelay $0x1  }
0x57: {  	v4 =	vadd.s32 v1, v4;
	_ =	sdelay $0x4  }
0x58: {  	[tilespmem:s0], [sflag:$0x2] =	stream.indirect_vreg.gather [hbm4b:s2+s3], $0x80, v4, vm0, $0xb8;
	[tilespmem:$0x10100] =	vst v63  }
0x59: {  	v3 =	vperm.xlane v3, v2  }
0x5a: {  	[tilespmem:s16], [sflag:$0x2] =	stream.indirect_vreg.gather [hbm4b:s4+s3], $0x80, v4, vm0, $0xb8;
	[tilespmem:$0x10100] =	vst v63  }
0x5b: {  	v3 =	vadd.s32 v1, v3  }
0x5c: {  	[tilespmem:s17], [sflag:$0x2] =	stream.indirect_vreg.gather [hbm4b:s5+s3], $0x80, v4, vm0, $0xb8;
	[tilespmem:$0x10100] =	vst v63  }
0x5d: {  	_ = 	snop  }
0x5e: {  	[tilespmem:s18], [sflag:$0x2] =	stream.indirect_vreg.gather [hbm4b:s6+s3], $0x80, v4, vm0, $0xb8;
	[tilespmem:$0x10100] =	vst v63  }
0x5f: {  	s21 =	simm.s32 $0xA100  }
0x60: {  	[tilespmem:s21], [sflag:$0x2] =	stream.indirect_vreg.gather [hbm4b:s2+s3], $0x80, v3, vm0, $0xb8;
	[tilespmem:$0x10100] =	vst v63  }
0x61: {  	s21 =	simm.s32 $0xA900  }
0x62: {  	[tilespmem:s21], [sflag:$0x2] =	stream.indirect_vreg.gather [hbm4b:s4+s3], $0x80, v3, vm0, $0xb8;
	[tilespmem:$0x10100] =	vst v63  }
0x63: {  	s21 =	simm.s32 $0xB100  }
0x64: {  	[tilespmem:s21], [sflag:$0x2] =	stream.indirect_vreg.gather [hbm4b:s5+s3], $0x80, v3, vm0, $0xb8;
	[tilespmem:$0x10100] =	vst v63  }
0x65: {  	s21 =	simm.s32 $0xB900  }
0x66: {  	[tilespmem:s21], [sflag:$0x2] =	stream.indirect_vreg.gather [hbm4b:s6+s3], $0x80, v3, vm0, $0xb8;
	[tilespmem:$0x10100] =	vst v63  }
0x67: {  	v3 =	vld [tilespmem:$0x90];
	_ =	sdelay $0x4  }
0x68: {  	v55 =	vshll.u32 v3, $0x3  }
0x69: {  	v3 =	vand.u32 $0x7, v3;
	v4 =	vand.u32 $0xFFFFFFC0, v55  }
0x6a: {  	v3 =	vor.u32 v3, v4  }
0x6b: {  	v4 =	vperm.xlane v3, v0;
	_ =	sdelay $0x1  }
0x6c: {  	v4 =	vadd.s32 v1, v4;
	_ =	sdelay $0x3  }
0x6d: {  	s21 =	simm.s32 $0xC100  }
0x6e: {  	[tilespmem:s21], [sflag:$0x2] =	stream.indirect_vreg.gather [hbm4b:s2+s3], $0x80, v4, vm0, $0xb8;
	[tilespmem:$0x10100] =	vst v63  }
0x6f: {  	v3 =	vperm.xlane v3, v2;
	s21 =	simm.s32 $0xC900  }
0x70: {  	[tilespmem:s21], [sflag:$0x2] =	stream.indirect_vreg.gather [hbm4b:s4+s3], $0x80, v4, vm0, $0xb8;
	[tilespmem:$0x10100] =	vst v63  }
0x71: {  	v3 =	vadd.s32 v1, v3;
	s21 =	simm.s32 $0xD100  }
0x72: {  	[tilespmem:s21], [sflag:$0x2] =	stream.indirect_vreg.gather [hbm4b:s5+s3], $0x80, v4, vm0, $0xb8;
	[tilespmem:$0x10100] =	vst v63  }
0x73: {  	s21 =	simm.s32 $0xD900  }
0x74: {  	[tilespmem:s21], [sflag:$0x2] =	stream.indirect_vreg.gather [hbm4b:s6+s3], $0x80, v4, vm0, $0xb8;
	[tilespmem:$0x10100] =	vst v63  }
0x75: {  	s21 =	simm.s32 $0xE100  }
0x76: {  	[tilespmem:s21], [sflag:$0x2] =	stream.indirect_vreg.gather [hbm4b:s2+s3], $0x80, v3, vm0, $0xb8;
	[tilespmem:$0x10100] =	vst v63  }
0x77: {  	s21 =	simm.s32 $0xE900  }
0x78: {  	[tilespmem:s21], [sflag:$0x2] =	stream.indirect_vreg.gather [hbm4b:s4+s3], $0x80, v3, vm0, $0xb8;
	[tilespmem:$0x10100] =	vst v63  }
0x79: {  	s21 =	simm.s32 $0xF100  }
0x7a: {  	[tilespmem:s21], [sflag:$0x2] =	stream.indirect_vreg.gather [hbm4b:s5+s3], $0x80, v3, vm0, $0xb8;
	[tilespmem:$0x10100] =	vst v63  }
0x7b: {  	s21 =	simm.s32 $0xF900  }
0x7c: {  	[tilespmem:s21], [sflag:$0x2] =	stream.indirect_vreg.gather [hbm4b:s6+s3], $0x80, v3, vm0, $0xb8;
	[tilespmem:$0x10100] =	vst v63  }
0x7d: {  	_ =	swait.ge [sflag:s19], $0x8000  }
0x7e: {  	[sflag:s19] =	ssyncset.done $0x0  }
0x7f: {  	s21 =	rddreg [dreg:$0x5];
	[sflag:s19] =	ssyncadd.s32 $0xFFFF8000  }
0x80: {  	[hbm4b:s21+s3] =	stream.linear.scatter [tilespmem:s26], [sflag:$0x3], $0x8000, $0x38;
	[tilespmem:$0x10100] =	vst v63  }
0x81: {  	_ =	swait.ge [sflag:s8], $0x8000  }
0x82: {  	[sflag:s8] =	ssyncset.done $0x0  }
0x83: {  	s21 =	rddreg [dreg:$0x6];
	[sflag:s8] =	ssyncadd.s32 $0xFFFF8000  }
0x84: {  	[tilespmem:s3], [sflag:$0x3] =	stream.linear.gather [hbm4b:s21+s3], $0x20, $0x38;
	[tilespmem:$0x10100] =	vst v63  }
0x85: {  	_ =	swait.ge [sflag:s8], $0x20  }
0x86: {  	[sflag:s8] =	ssyncset.done $0x0  }
0x87: {  	[sflag:s8] =	ssyncadd.s32 $0xFFFFFFE0  }
0x88: {  	v3 =	vld [tilespmem:$0x0];
	_ =	sdelay $0x4  }
0x89: {  	v56 =	vshll.u32 v3, $0x3  }
0x8a: {  	v3 =	vand.u32 $0x7, v3;
	v4 =	vand.u32 $0xFFFFFFC0, v56  }
0x8b: {  	v3 =	vor.u32 v3, v4  }
0x8c: {  	v4 =	vperm.xlane v3, v0;
	_ =	sdelay $0x1  }
0x8d: {  	v4 =	vadd.s32 v1, v4;
	_ =	sdelay $0x4  }
0x8e: {  	[tilespmem:s26], [sflag:$0x1] =	stream.indirect_vreg.gather [hbm4b:s2+s3], $0x80, v4, vm0, $0xb8;
	[tilespmem:$0x10100] =	vst v63  }
0x8f: {  	v3 =	vperm.xlane v3, v2  }
0x90: {  	[tilespmem:s22], [sflag:$0x1] =	stream.indirect_vreg.gather [hbm4b:s4+s3], $0x80, v4, vm0, $0xb8;
	[tilespmem:$0x10100] =	vst v63  }
0x91: {  	v3 =	vadd.s32 v1, v3  }
0x92: {  	[tilespmem:s23], [sflag:$0x1] =	stream.indirect_vreg.gather [hbm4b:s5+s3], $0x80, v4, vm0, $0xb8;
	[tilespmem:$0x10100] =	vst v63  }
0x93: {  	_ = 	snop  }
0x94: {  	[tilespmem:s24], [sflag:$0x1] =	stream.indirect_vreg.gather [hbm4b:s6+s3], $0x80, v4, vm0, $0xb8;
	[tilespmem:$0x10100] =	vst v63  }
0x95: {  	_ = 	snop  }
0x96: {  	[tilespmem:s25], [sflag:$0x1] =	stream.indirect_vreg.gather [hbm4b:s2+s3], $0x80, v3, vm0, $0xb8;
	[tilespmem:$0x10100] =	vst v63  }
0x97: {  	_ = 	snop  }
0x98: {  	[tilespmem:s28], [sflag:$0x1] =	stream.indirect_vreg.gather [hbm4b:s4+s3], $0x80, v3, vm0, $0xb8;
	[tilespmem:$0x10100] =	vst v63  }
0x99: {  	_ = 	snop  }
0x9a: {  	[tilespmem:s29], [sflag:$0x1] =	stream.indirect_vreg.gather [hbm4b:s5+s3], $0x80, v3, vm0, $0xb8;
	[tilespmem:$0x10100] =	vst v63  }
0x9b: {  	_ = 	snop  }
0x9c: {  	[tilespmem:s30], [sflag:$0x1] =	stream.indirect_vreg.gather [hbm4b:s6+s3], $0x80, v3, vm0, $0xb8;
	[tilespmem:$0x10100] =	vst v63  }
0x9d: {  	v3 =	vld [tilespmem:$0x10];
	_ =	sdelay $0x4  }
0x9e: {  	v57 =	vshll.u32 v3, $0x3  }
0x9f: {  	v3 =	vand.u32 $0x7, v3;
	v4 =	vand.u32 $0xFFFFFFC0, v57  }
0xa0: {  	v3 =	vor.u32 v3, v4  }
0xa1: {  	v4 =	vperm.xlane v3, v0;
	_ =	sdelay $0x1  }
0xa2: {  	v4 =	vadd.s32 v1, v4;
	_ =	sdelay $0x4  }
0xa3: {  	[tilespmem:s31], [sflag:$0x1] =	stream.indirect_vreg.gather [hbm4b:s2+s3], $0x80, v4, vm0, $0xb8;
	[tilespmem:$0x10100] =	vst v63  }
0xa4: {  	v3 =	vperm.xlane v3, v2  }
0xa5: {  	[tilespmem:s1], [sflag:$0x1] =	stream.indirect_vreg.gather [hbm4b:s4+s3], $0x80, v4, vm0, $0xb8;
	[tilespmem:$0x10100] =	vst v63  }
0xa6: {  	v3 =	vadd.s32 v1, v3  }
0xa7: {  	[tilespmem:s9], [sflag:$0x1] =	stream.indirect_vreg.gather [hbm4b:s5+s3], $0x80, v4, vm0, $0xb8;
	[tilespmem:$0x10100] =	vst v63  }
0xa8: {  	_ = 	snop  }
0xa9: {  	[tilespmem:s10], [sflag:$0x1] =	stream.indirect_vreg.gather [hbm4b:s6+s3], $0x80, v4, vm0, $0xb8;
	[tilespmem:$0x10100] =	vst v63  }
0xaa: {  	_ = 	snop  }
0xab: {  	[tilespmem:s11], [sflag:$0x1] =	stream.indirect_vreg.gather [hbm4b:s2+s3], $0x80, v3, vm0, $0xb8;
	[tilespmem:$0x10100] =	vst v63  }
0xac: {  	_ = 	snop  }
0xad: {  	[tilespmem:s12], [sflag:$0x1] =	stream.indirect_vreg.gather [hbm4b:s4+s3], $0x80, v3, vm0, $0xb8;
	[tilespmem:$0x10100] =	vst v63  }
0xae: {  	_ = 	snop  }
0xaf: {  	[tilespmem:s13], [sflag:$0x1] =	stream.indirect_vreg.gather [hbm4b:s5+s3], $0x80, v3, vm0, $0xb8;
	[tilespmem:$0x10100] =	vst v63  }
0xb0: {  	_ = 	snop  }
0xb1: {  	[tilespmem:s14], [sflag:$0x1] =	stream.indirect_vreg.gather [hbm4b:s6+s3], $0x80, v3, vm0, $0xb8;
	[tilespmem:$0x10100] =	vst v63  }
0xb2: {  	_ =	swait.ge [sflag:s20], $0x8000  }
0xb3: {  	[sflag:s20] =	ssyncset.done $0x0  }
0xb4: {  	s21 =	rddreg [dreg:$0x7];
	[sflag:s20] =	ssyncadd.s32 $0xFFFF8000  }
0xb5: {  	[hbm4b:s21+s3] =	stream.linear.scatter [tilespmem:s0], [sflag:$0x3], $0x8000, $0x38;
	[tilespmem:$0x10100] =	vst v63  }
0xb6: {  	_ =	swait.ge [sflag:s8], $0x8000  }
0xb7: {  	[sflag:s8] =	ssyncset.done $0x0  }
0xb8: {  	s21 =	rddreg [dreg:$0x8];
	[sflag:s8] =	ssyncadd.s32 $0xFFFF8000  }
0xb9: {  	[tilespmem:s15], [sflag:$0x3] =	stream.linear.gather [hbm4b:s21+s3], $0x20, $0x38;
	[tilespmem:$0x10100] =	vst v63  }
0xba: {  	_ =	swait.ge [sflag:s8], $0x20  }
0xbb: {  	[sflag:s8] =	ssyncset.done $0x0  }
0xbc: {  	[sflag:s8] =	ssyncadd.s32 $0xFFFFFFE0  }
0xbd: {  	v3 =	vld [tilespmem:$0x80];
	_ =	sdelay $0x4  }
0xbe: {  	v58 =	vshll.u32 v3, $0x3  }
0xbf: {  	v3 =	vand.u32 $0x7, v3;
	v4 =	vand.u32 $0xFFFFFFC0, v58  }
0xc0: {  	v3 =	vor.u32 v3, v4  }
0xc1: {  	v4 =	vperm.xlane v3, v0;
	_ =	sdelay $0x1  }
0xc2: {  	v4 =	vadd.s32 v1, v4;
	_ =	sdelay $0x4  }
0xc3: {  	[tilespmem:s0], [sflag:$0x2] =	stream.indirect_vreg.gather [hbm4b:s2+s3], $0x80, v4, vm0, $0xb8;
	[tilespmem:$0x10100] =	vst v63  }
0xc4: {  	v3 =	vperm.xlane v3, v2  }
0xc5: {  	[tilespmem:s16], [sflag:$0x2] =	stream.indirect_vreg.gather [hbm4b:s4+s3], $0x80, v4, vm0, $0xb8;
	[tilespmem:$0x10100] =	vst v63  }
0xc6: {  	v3 =	vadd.s32 v1, v3  }
0xc7: {  	[tilespmem:s17], [sflag:$0x2] =	stream.indirect_vreg.gather [hbm4b:s5+s3], $0x80, v4, vm0, $0xb8;
	[tilespmem:$0x10100] =	vst v63  }
0xc8: {  	_ = 	snop  }
0xc9: {  	[tilespmem:s18], [sflag:$0x2] =	stream.indirect_vreg.gather [hbm4b:s6+s3], $0x80, v4, vm0, $0xb8;
	[tilespmem:$0x10100] =	vst v63  }
0xca: {  	s21 =	simm.s32 $0xA100  }
0xcb: {  	[tilespmem:s21], [sflag:$0x2] =	stream.indirect_vreg.gather [hbm4b:s2+s3], $0x80, v3, vm0, $0xb8;
	[tilespmem:$0x10100] =	vst v63  }
0xcc: {  	s21 =	simm.s32 $0xA900  }
0xcd: {  	[tilespmem:s21], [sflag:$0x2] =	stream.indirect_vreg.gather [hbm4b:s4+s3], $0x80, v3, vm0, $0xb8;
	[tilespmem:$0x10100] =	vst v63  }
0xce: {  	s21 =	simm.s32 $0xB100  }
0xcf: {  	[tilespmem:s21], [sflag:$0x2] =	stream.indirect_vreg.gather [hbm4b:s5+s3], $0x80, v3, vm0, $0xb8;
	[tilespmem:$0x10100] =	vst v63  }
0xd0: {  	s21 =	simm.s32 $0xB900  }
0xd1: {  	[tilespmem:s21], [sflag:$0x2] =	stream.indirect_vreg.gather [hbm4b:s6+s3], $0x80, v3, vm0, $0xb8;
	[tilespmem:$0x10100] =	vst v63  }
0xd2: {  	v3 =	vld [tilespmem:$0x90];
	_ =	sdelay $0x4  }
0xd3: {  	v59 =	vshll.u32 v3, $0x3  }
0xd4: {  	v3 =	vand.u32 $0x7, v3;
	v4 =	vand.u32 $0xFFFFFFC0, v59  }
0xd5: {  	v3 =	vor.u32 v3, v4  }
0xd6: {  	v4 =	vperm.xlane v3, v0;
	_ =	sdelay $0x1  }
0xd7: {  	v4 =	vadd.s32 v1, v4;
	_ =	sdelay $0x3  }
0xd8: {  	s21 =	simm.s32 $0xC100  }
0xd9: {  	[tilespmem:s21], [sflag:$0x2] =	stream.indirect_vreg.gather [hbm4b:s2+s3], $0x80, v4, vm0, $0xb8;
	[tilespmem:$0x10100] =	vst v63  }
0xda: {  	v3 =	vperm.xlane v3, v2;
	s21 =	simm.s32 $0xC900  }
0xdb: {  	[tilespmem:s21], [sflag:$0x2] =	stream.indirect_vreg.gather [hbm4b:s4+s3], $0x80, v4, vm0, $0xb8;
	[tilespmem:$0x10100] =	vst v63  }
0xdc: {  	v3 =	vadd.s32 v1, v3;
	s21 =	simm.s32 $0xD100  }
0xdd: {  	[tilespmem:s21], [sflag:$0x2] =	stream.indirect_vreg.gather [hbm4b:s5+s3], $0x80, v4, vm0, $0xb8;
	[tilespmem:$0x10100] =	vst v63  }
0xde: {  	s21 =	simm.s32 $0xD900  }
0xdf: {  	[tilespmem:s21], [sflag:$0x2] =	stream.indirect_vreg.gather [hbm4b:s6+s3], $0x80, v4, vm0, $0xb8;
	[tilespmem:$0x10100] =	vst v63  }
0xe0: {  	s21 =	simm.s32 $0xE100  }
0xe1: {  	[tilespmem:s21], [sflag:$0x2] =	stream.indirect_vreg.gather [hbm4b:s2+s3], $0x80, v3, vm0, $0xb8;
	[tilespmem:$0x10100] =	vst v63  }
0xe2: {  	s21 =	simm.s32 $0xE900  }
0xe3: {  	[tilespmem:s21], [sflag:$0x2] =	stream.indirect_vreg.gather [hbm4b:s4+s3], $0x80, v3, vm0, $0xb8;
	[tilespmem:$0x10100] =	vst v63  }
0xe4: {  	s21 =	simm.s32 $0xF100  }
0xe5: {  	[tilespmem:s21], [sflag:$0x2] =	stream.indirect_vreg.gather [hbm4b:s5+s3], $0x80, v3, vm0, $0xb8;
	[tilespmem:$0x10100] =	vst v63  }
0xe6: {  	s21 =	simm.s32 $0xF900  }
0xe7: {  	[tilespmem:s21], [sflag:$0x2] =	stream.indirect_vreg.gather [hbm4b:s6+s3], $0x80, v3, vm0, $0xb8;
	[tilespmem:$0x10100] =	vst v63  }
0xe8: {  	_ =	swait.ge [sflag:s19], $0x8000  }
0xe9: {  	[sflag:s19] =	ssyncset.done $0x0  }
0xea: {  	s21 =	rddreg [dreg:$0x9];
	[sflag:s19] =	ssyncadd.s32 $0xFFFF8000  }
0xeb: {  	[hbm4b:s21+s3] =	stream.linear.scatter [tilespmem:s26], [sflag:$0x3], $0x8000, $0x38;
	[tilespmem:$0x10100] =	vst v63  }
0xec: {  	_ =	swait.ge [sflag:s8], $0x8000  }
0xed: {  	[sflag:s8] =	ssyncset.done $0x0  }
0xee: {  	s21 =	rddreg [dreg:$0xa];
	[sflag:s8] =	ssyncadd.s32 $0xFFFF8000  }
0xef: {  	[tilespmem:s3], [sflag:$0x3] =	stream.linear.gather [hbm4b:s21+s3], $0x20, $0x38;
	[tilespmem:$0x10100] =	vst v63  }
0xf0: {  	_ =	swait.ge [sflag:s8], $0x20  }
0xf1: {  	[sflag:s8] =	ssyncset.done $0x0  }
0xf2: {  	[sflag:s8] =	ssyncadd.s32 $0xFFFFFFE0  }
0xf3: {  	v3 =	vld [tilespmem:$0x0];
	_ =	sdelay $0x4  }
0xf4: {  	v60 =	vshll.u32 v3, $0x3  }
0xf5: {  	v3 =	vand.u32 $0x7, v3;
	v4 =	vand.u32 $0xFFFFFFC0, v60  }
0xf6: {  	v3 =	vor.u32 v3, v4  }
0xf7: {  	v4 =	vperm.xlane v3, v0;
	_ =	sdelay $0x1  }
0xf8: {  	v4 =	vadd.s32 v1, v4;
	_ =	sdelay $0x4  }
0xf9: {  	[tilespmem:s26], [sflag:$0x1] =	stream.indirect_vreg.gather [hbm4b:s2+s3], $0x80, v4, vm0, $0xb8;
	[tilespmem:$0x10100] =	vst v63  }
0xfa: {  	v3 =	vperm.xlane v3, v2  }
0xfb: {  	[tilespmem:s22], [sflag:$0x1] =	stream.indirect_vreg.gather [hbm4b:s4+s3], $0x80, v4, vm0, $0xb8;
	[tilespmem:$0x10100] =	vst v63  }
0xfc: {  	v3 =	vadd.s32 v1, v3  }
0xfd: {  	[tilespmem:s23], [sflag:$0x1] =	stream.indirect_vreg.gather [hbm4b:s5+s3], $0x80, v4, vm0, $0xb8;
	[tilespmem:$0x10100] =	vst v63  }
0xfe: {  	_ = 	snop  }
0xff: {  	[tilespmem:s24], [sflag:$0x1] =	stream.indirect_vreg.gather [hbm4b:s6+s3], $0x80, v4, vm0, $0xb8;
	[tilespmem:$0x10100] =	vst v63  }
0x100: {  	_ = 	snop  }
0x101: {  	[tilespmem:s25], [sflag:$0x1] =	stream.indirect_vreg.gather [hbm4b:s2+s3], $0x80, v3, vm0, $0xb8;
	[tilespmem:$0x10100] =	vst v63  }
0x102: {  	_ = 	snop  }
0x103: {  	[tilespmem:s28], [sflag:$0x1] =	stream.indirect_vreg.gather [hbm4b:s4+s3], $0x80, v3, vm0, $0xb8;
	[tilespmem:$0x10100] =	vst v63  }
0x104: {  	_ = 	snop  }
0x105: {  	[tilespmem:s29], [sflag:$0x1] =	stream.indirect_vreg.gather [hbm4b:s5+s3], $0x80, v3, vm0, $0xb8;
	[tilespmem:$0x10100] =	vst v63  }
0x106: {  	_ = 	snop  }
0x107: {  	[tilespmem:s30], [sflag:$0x1] =	stream.indirect_vreg.gather [hbm4b:s6+s3], $0x80, v3, vm0, $0xb8;
	[tilespmem:$0x10100] =	vst v63  }
0x108: {  	v3 =	vld [tilespmem:$0x10];
	_ =	sdelay $0x4  }
0x109: {  	v61 =	vshll.u32 v3, $0x3  }
0x10a: {  	v3 =	vand.u32 $0x7, v3;
	v4 =	vand.u32 $0xFFFFFFC0, v61  }
0x10b: {  	v3 =	vor.u32 v3, v4  }
0x10c: {  	v4 =	vperm.xlane v3, v0;
	_ =	sdelay $0x1  }
0x10d: {  	v4 =	vadd.s32 v1, v4;
	_ =	sdelay $0x4  }
0x10e: {  	[tilespmem:s31], [sflag:$0x1] =	stream.indirect_vreg.gather [hbm4b:s2+s3], $0x80, v4, vm0, $0xb8;
	[tilespmem:$0x10100] =	vst v63  }
0x10f: {  	v3 =	vperm.xlane v3, v2  }
0x110: {  	[tilespmem:s1], [sflag:$0x1] =	stream.indirect_vreg.gather [hbm4b:s4+s3], $0x80, v4, vm0, $0xb8;
	[tilespmem:$0x10100] =	vst v63  }
0x111: {  	v3 =	vadd.s32 v1, v3  }
0x112: {  	[tilespmem:s9], [sflag:$0x1] =	stream.indirect_vreg.gather [hbm4b:s5+s3], $0x80, v4, vm0, $0xb8;
	[tilespmem:$0x10100] =	vst v63  }
0x113: {  	_ = 	snop  }
0x114: {  	[tilespmem:s10], [sflag:$0x1] =	stream.indirect_vreg.gather [hbm4b:s6+s3], $0x80, v4, vm0, $0xb8;
	[tilespmem:$0x10100] =	vst v63  }
0x115: {  	_ = 	snop  }
0x116: {  	[tilespmem:s11], [sflag:$0x1] =	stream.indirect_vreg.gather [hbm4b:s2+s3], $0x80, v3, vm0, $0xb8;
	[tilespmem:$0x10100] =	vst v63  }
0x117: {  	_ = 	snop  }
0x118: {  	[tilespmem:s12], [sflag:$0x1] =	stream.indirect_vreg.gather [hbm4b:s4+s3], $0x80, v3, vm0, $0xb8;
	[tilespmem:$0x10100] =	vst v63  }
0x119: {  	_ = 	snop  }
0x11a: {  	[tilespmem:s13], [sflag:$0x1] =	stream.indirect_vreg.gather [hbm4b:s5+s3], $0x80, v3, vm0, $0xb8;
	[tilespmem:$0x10100] =	vst v63  }
0x11b: {  	_ = 	snop  }
0x11c: {  	[tilespmem:s14], [sflag:$0x1] =	stream.indirect_vreg.gather [hbm4b:s6+s3], $0x80, v3, vm0, $0xb8;
	[tilespmem:$0x10100] =	vst v63  }
0x11d: {  	_ =	swait.ge [sflag:s20], $0x8000  }
0x11e: {  	[sflag:s20] =	ssyncset.done $0x0  }
0x11f: {  	s1 =	rddreg [dreg:$0xb];
	[sflag:s20] =	ssyncadd.s32 $0xFFFF8000  }
0x120: {  	[hbm4b:s1+s3] =	stream.linear.scatter [tilespmem:s0], [sflag:$0x3], $0x8000, $0x38;
	[tilespmem:$0x10100] =	vst v63  }
0x121: {  	_ =	swait.ge [sflag:s8], $0x8000  }
0x122: {  	[sflag:s8] =	ssyncset.done $0x0  }
0x123: {  	s1 =	rddreg [dreg:$0xc];
	[sflag:s8] =	ssyncadd.s32 $0xFFFF8000  }
0x124: {  	[tilespmem:s15], [sflag:$0x3] =	stream.linear.gather [hbm4b:s1+s3], $0x20, $0x38;
	[tilespmem:$0x10100] =	vst v63  }
0x125: {  	_ =	swait.ge [sflag:s8], $0x20  }
0x126: {  	[sflag:s8] =	ssyncset.done $0x0  }
0x127: {  	[sflag:s8] =	ssyncadd.s32 $0xFFFFFFE0  }
0x128: {  	v3 =	vld [tilespmem:$0x80];
	_ =	sdelay $0x4  }
0x129: {  	v62 =	vshll.u32 v3, $0x3  }
0x12a: {  	v3 =	vand.u32 $0x7, v3;
	v4 =	vand.u32 $0xFFFFFFC0, v62  }
0x12b: {  	v3 =	vor.u32 v3, v4  }
0x12c: {  	v4 =	vperm.xlane v3, v0;
	_ =	sdelay $0x1  }
0x12d: {  	v4 =	vadd.s32 v1, v4;
	_ =	sdelay $0x4  }
0x12e: {  	[tilespmem:s0], [sflag:$0x2] =	stream.indirect_vreg.gather [hbm4b:s2+s3], $0x80, v4, vm0, $0xb8;
	[tilespmem:$0x10100] =	vst v63  }
0x12f: {  	v3 =	vperm.xlane v3, v2  }
0x130: {  	[tilespmem:s16], [sflag:$0x2] =	stream.indirect_vreg.gather [hbm4b:s4+s3], $0x80, v4, vm0, $0xb8;
	[tilespmem:$0x10100] =	vst v63  }
0x131: {  	v3 =	vadd.s32 v1, v3  }
0x132: {  	[tilespmem:s17], [sflag:$0x2] =	stream.indirect_vreg.gather [hbm4b:s5+s3], $0x80, v4, vm0, $0xb8;
	[tilespmem:$0x10100] =	vst v63  }
0x133: {  	_ = 	snop  }
0x134: {  	[tilespmem:s18], [sflag:$0x2] =	stream.indirect_vreg.gather [hbm4b:s6+s3], $0x80, v4, vm0, $0xb8;
	[tilespmem:$0x10100] =	vst v63  }
0x135: {  	s21 =	simm.s32 $0xA100  }
0x136: {  	[tilespmem:s21], [sflag:$0x2] =	stream.indirect_vreg.gather [hbm4b:s2+s3], $0x80, v3, vm0, $0xb8;
	[tilespmem:$0x10100] =	vst v63  }
0x137: {  	s21 =	simm.s32 $0xA900  }
0x138: {  	[tilespmem:s21], [sflag:$0x2] =	stream.indirect_vreg.gather [hbm4b:s4+s3], $0x80, v3, vm0, $0xb8;
	[tilespmem:$0x10100] =	vst v63  }
0x139: {  	s21 =	simm.s32 $0xB100  }
0x13a: {  	[tilespmem:s21], [sflag:$0x2] =	stream.indirect_vreg.gather [hbm4b:s5+s3], $0x80, v3, vm0, $0xb8;
	[tilespmem:$0x10100] =	vst v63  }
0x13b: {  	s21 =	simm.s32 $0xB900  }
0x13c: {  	[tilespmem:s21], [sflag:$0x2] =	stream.indirect_vreg.gather [hbm4b:s6+s3], $0x80, v3, vm0, $0xb8;
	[tilespmem:$0x10100] =	vst v63  }
0x13d: {  	v3 =	vld [tilespmem:$0x90];
	_ =	sdelay $0x4  }
0x13e: {  	v63 =	vshll.u32 v3, $0x3  }
0x13f: {  	v3 =	vand.u32 $0x7, v3;
	v4 =	vand.u32 $0xFFFFFFC0, v63  }
0x140: {  	v3 =	vor.u32 v3, v4  }
0x141: {  	v4 =	vperm.xlane v3, v0;
	_ =	sdelay $0x1  }
0x142: {  	v4 =	vadd.s32 v1, v4;
	_ =	sdelay $0x3  }
0x143: {  	s21 =	simm.s32 $0xC100  }
0x144: {  	[tilespmem:s21], [sflag:$0x2] =	stream.indirect_vreg.gather [hbm4b:s2+s3], $0x80, v4, vm0, $0xb8;
	[tilespmem:$0x10100] =	vst v63  }
0x145: {  	v3 =	vperm.xlane v3, v2;
	s21 =	simm.s32 $0xC900  }
0x146: {  	[tilespmem:s21], [sflag:$0x2] =	stream.indirect_vreg.gather [hbm4b:s4+s3], $0x80, v4, vm0, $0xb8;
	[tilespmem:$0x10100] =	vst v63  }
0x147: {  	v3 =	vadd.s32 v1, v3;
	s21 =	simm.s32 $0xD100  }
0x148: {  	[tilespmem:s21], [sflag:$0x2] =	stream.indirect_vreg.gather [hbm4b:s5+s3], $0x80, v4, vm0, $0xb8;
	[tilespmem:$0x10100] =	vst v63  }
0x149: {  	s21 =	simm.s32 $0xD900  }
0x14a: {  	[tilespmem:s21], [sflag:$0x2] =	stream.indirect_vreg.gather [hbm4b:s6+s3], $0x80, v4, vm0, $0xb8;
	[tilespmem:$0x10100] =	vst v63  }
0x14b: {  	s21 =	simm.s32 $0xE100  }
0x14c: {  	[tilespmem:s21], [sflag:$0x2] =	stream.indirect_vreg.gather [hbm4b:s2+s3], $0x80, v3, vm0, $0xb8;
	[tilespmem:$0x10100] =	vst v63  }
0x14d: {  	s21 =	simm.s32 $0xE900  }
0x14e: {  	[tilespmem:s21], [sflag:$0x2] =	stream.indirect_vreg.gather [hbm4b:s4+s3], $0x80, v3, vm0, $0xb8;
	[tilespmem:$0x10100] =	vst v63  }
0x14f: {  	s21 =	simm.s32 $0xF100  }
0x150: {  	[tilespmem:s21], [sflag:$0x2] =	stream.indirect_vreg.gather [hbm4b:s5+s3], $0x80, v3, vm0, $0xb8;
	[tilespmem:$0x10100] =	vst v63  }
0x151: {  	s21 =	simm.s32 $0xF900  }
0x152: {  	[tilespmem:s21], [sflag:$0x2] =	stream.indirect_vreg.gather [hbm4b:s6+s3], $0x80, v3, vm0, $0xb8;
	[tilespmem:$0x10100] =	vst v63  }
0x153: {  	_ =	swait.ge [sflag:s19], $0x8000  }
0x154: {  	[sflag:s19] =	ssyncset.done $0x0  }
0x155: {  	s1 =	rddreg [dreg:$0xd];
	[sflag:s19] =	ssyncadd.s32 $0xFFFF8000  }
0x156: {  	[hbm4b:s1+s3] =	stream.linear.scatter [tilespmem:s26], [sflag:$0x3], $0x8000, $0x38;
	[tilespmem:$0x10100] =	vst v63  }
0x157: {  	_ =	swait.ge [sflag:s8], $0x8000  }
0x158: {  	[sflag:s8] =	ssyncset.done $0x0  }
0x159: {  	[sflag:s8] =	ssyncadd.s32 $0xFFFF8000  }
0x15a: {  	_ =	swait.ge [sflag:s20], $0x8000  }
0x15b: {  	p0 =	sne.s32 s7, $0x1;
	[sflag:s20] =	ssyncset.done $0x0  }
.Ltmp0:
0x15c: {  	s1 =	rddreg [dreg:$0xe];
	[sflag:s20] =	ssyncadd.s32 $0xFFFF8000;
	(pc) =	sbr.rel @p0 .LBB2_1-.Ltmp0, $4  }
0x15d: {  	[hbm4b:s1+s3] =	stream.linear.scatter [tilespmem:s0], [sflag:$0x3], $0x8000, $0x38;
	[tilespmem:$0x10100] =	vst v63  }
0x15e: {  	_ =	swait.ge [sflag:s8], $0x8000  }
0x15f: {  	[sflag:s8] =	ssyncset.done $0x0  }
0x160: {  	s7 =	sadd.s32 $0xFFFFFFFF, s7;
	[sflag:s8] =	ssyncadd.s32 $0xFFFF8000  }
0x161: {  	_ =	sfence.sel $0x180000  }
0x162: {  	[bflag:$0x0] =	sbarrier.arrive $0xFFFF  }
0x163: {  	_ =	strace $0x90000047  }
0x164: {  	s0 =	stileid.u32;
	[bflag:$0x2] =	sbarrier.arrive $0xFFFF  }
0x165: {  	p0 =	sne.s32 s0, $0x0;
	s0 =	rddreg [dreg:$0x2]  }
0x166: {  	s0 =	sadd.s32 @!p0 $0x100000, s0  }
0x167: {  	[sflag:s0] =	ssyncadd.tile.s32 @!p0 $0x1;
	_ =	shalt  }
.Lfunc_end2:
_tile_overlayer_lowered:
.L_overlay_start_2:
0x168: {  	(tag) =	ssettag $0x2  }
0x169: {  	s0 =	rddreg [dreg:$0x0];
	s2 =	stileid.u32  }
0x16a: {  	s1 =	rddreg [dreg:$0x1];
	p0 =	sne.s32 s2, $0x0  }
0x16b: {  	s3 =	rddreg [dreg:$0x2];
	[bflag:$0x3] =	sbarrier.arrive $0xFFFF;
	s2 =	simm.s32 @!p0 $0x1C03  }
0x16c: {  	[timem:s3], [sflag:s2] =	dma.local @!p0 [hbm:s0], s1  }
0x16d: {  	s0 =	simm.s32 @!p0 $0x3  }
0x16e: {  	_ =	swait.ge @!p0 [sflag:s0], s1  }
0x16f: {  	s1 =	ssub.s32 @!p0 $0x0, s1;
	[sflag:s0] =	ssyncset.done @!p0 $0x0  }
0x170: {  	[sflag:s0] =	ssyncadd.s32 @!p0 s1  }
0x171: {  	[bflag:$0x3] =	sbarrier.arrive $0xFFFF  }
0x172: {  	_ =	shalt  }

// kernel: sparse-core-data-format-call.cloned.1.call-start
scs
called_computation_lowered:
.L_overlay_start_0:
0x0: {  	s1 =	sld [smem:$0x3FD9]  }
0x1: {  	s2 =	sld [smem:$0x3FFE];
	_ =	sdelay $0x1  }
0x2: {  	s3 =	srdreg.scid  }
0x3: {  	s0 =	sand.u32 $0x1, s3  }
0x4: {  	s17 =	sshll.u32 s0, $0xA;
	s1 =	sadd.s32 s2, s1  }
0x5: {  	s1 =	sadd.s32 s1, s17  }
0x6: {  	[smem:$0x3FC0] =	sst s1  }
0x7: {  	_ = 	snop  }
0x8: {  	(tm) =	ssettm $0x1  }
0x9: {  	s18 =	sld [smem:$0x3FFB];
	_ =	sdelay $0x3  }
0xa: {  	_ =	strace s18  }
0xb: {  	s1 =	sld [smem:$0x3FFC];
	_ =	sdelay $0x3  }
0xc: {  	_ =	strace s1  }
0xd: {  	s1 =	sld [smem:$0x3FFD];
	_ =	sdelay $0x3  }
0xe: {  	_ =	strace s1  }
0xf: {  	_ =	strace $0x8FFFFFFF  }
0x10: {  	s19 =	sld [smem:$0x3FDB];
	_ =	sdelay $0x1  }
0x11: {  	s20 =	simm.s32 $_scs_section_size  }
0x12: {  	s4 =	simm.s32 $_size__tile_overlayer_lowered;
	s5 =	simm.s32 $_tile_overlayer_lowered  }
0x13: {  	s23 =	simm.s32 $0x1BFF;
	s22 =	sshll.u32 s5, $0x1;
	s1 =	sadd.s32 s20, s19  }
0x14: {  	s6 =	simm.s32 $0x0;
	s21 =	sshll.u32 s4, $0x1;
	s4 =	sadd.s32 s22, s1  }
0x15: {  	[timem:s6], [sflag:s23] =	dma.local [hbm:s4], s21  }
0x16: {  	_ =	swait.ge [sflag:s23], s21  }
0x17: {  	s2 =	ssub.s32 $0x0, s21;
	[sflag:s23] =	ssyncset.done $0x0  }
0x18: {  	[sflag:s23] =	ssyncadd.s32 s2;
	_ =	sdelay $0x1  }
0x19: {  	s24 =	simm.s32 $0x1B8B  }
0x1a: {  	_ =	swait.ge [sflag:s24], $0x1  }
0x1b: {  	[sflag:s24] =	ssyncset.done $0x0  }
0x1c: {  	s26 =	simm.s32 $0x1B8E;
	s25 =	sld [smem:$0x3FFE];
	[sflag:s24] =	ssyncadd.s32 $0xFFFFFFFF  }
0x1d: {  	s27 =	simm.s32 $execute0_lowered;
	[smem:$0x3FD2] =	sst s26  }
0x1e: {  	s4 =	sshll.u32 s27, $0x1;
	_ =	strace $0x80000049;
	[dreg:$0x1] =	wrdreg $0xFFFFFFFF  }
0x1f: {  	s28 =	simm.s32 $_size_execute0_lowered;
	s1 =	sadd.s32 s1, s4;
	[dreg:$0x0] =	wrdreg $0x0  }
0x20: {  	s4 =	sshll.u32 s28, $0x1;
	[dreg:$0x2] =	wrdreg s1  }
0x21: {  	[dreg:$0x3] =	wrdreg s4  }
0x22: {  	[dreg:$0x4] =	wrdreg $0xC0  }
0x23: {  	_ =	task [dreg:s6], $0x5FFFF  }
0x24: {  	[dreg:$0x1] =	wrdreg $0xFFFFFFFF  }
0x25: {  	[dreg:$0x0] =	wrdreg $0x60  }
0x26: {  	[dreg:$0x2] =	wrdreg s25  }
0x27: {  	[dreg:$0x3] =	wrdreg $0x9  }
0x28: {  	_ =	task.clear_ibuf [dreg:s6], $0x4FFFF;
	_ =	strace $0x90000049  }
0x29: {  	s29 =	simm.s32 $0x9;
	_ =	strace $0x8000004B  }
0x2a: {  	_ =	swait.ge [sflag:s29], $0x1  }
0x2b: {  	[sflag:s29] =	ssyncadd.s32 $0xFFFFFFFF  }
0x2c: {  	_ =	strace $0x9000004B  }
0x2d: {  	_ =	sfence  }
0x2e: {  	s30 =	sld [smem:$0x0];
	_ =	sdelay $0x2  }
0x2f: {  	s31 =	sshll.u32 s3, $0xD;
	s3 =	sshrl.u32 s3, $0x2  }
0x30: {  	s2 =	sand.u32 $0x4000, s31;
	s1 =	sadd.s32 s3, s30  }
0x31: {  	s0 =	sor.u32 s2, s0;
	s1 =	sshll.u32 s1, $0x11  }
0x32: {  	s0 =	sor.u32 s1, s0  }
0x33: {  	s0 =	sadd.s32 $0x8F2B, s0  }
0x34: {  	[sflag:s0] =	ssyncadd.remote.s32 $0x1  }
0x35: {  	_ =	sfence.sel $0xFFFF  }
0x36: {  	[dreg:$0x0] =	wrdreg $0xFFFFFFFF;
	(pc) =	sbr.abs _section_cstart, $3  }
0x37: {  	[dreg:$0x1] =	wrdreg $0xFFFFFFFF  }
0x38: {  	_ =	task.clear_ibuf [dreg:s6], $0x2FFFF;
	_ =	strace $0x9FFFFFFF  }
0x39: {  	(tm) =	ssettm $0x7FFFFFFF  }
tec
execute0_lowered:
.L_overlay_start_1:
0x0: {  	(tag) =	ssettag $0x1  }
0x1: {  	s7 =	rddreg [dreg:$0x0]  }
0x2: {  	s1 =	stileid.u32;
	s3 =	srdreg.scid  }
0x3: {  	s0 =	rddreg [dreg:$0x1];
	_ =	strace $0x8000004A;
	s8 =	simm.s32 $0x1  }
0x4: {  	s31 =	simm.s32 $0x2;
	s14 =	simm.s32 $0x0;
	s13 =	simm.s32 $0x0  }
0x5: {  	s12 =	simm.s32 $0x0;
	s2 =	sshll.u32 s1, $0x7;
	s3 =	sshll.u32 s3, $0x7  }
0x6: {  	s3 =	sand.u32 $0x80, s3;
	s4 =	ssub.s32 $0x800, s2;
	s11 =	smov.u32 s2  }
0x7: {  	s5 =	sshrl.u32 s4, $0xB;
	s4 =	sand.u32 $0x780, s4;
	s6 =	ssub.s32 $0x1800, s3  }
0x8: {  	p0 =	sne.s32 s4, $0x0;
	s30 =	sshrl.u32 s6, $0x7;
	s6 =	sshrl.u32 s6, $0x8  }
.Ltmp0:
0x9: {  	s8 =	simm.s32 @!p0 $0x0;
	s9 =	sand.u32 $0x1, s30;
	(pc) =	sbr.rel .LBB1_1-.Ltmp0, $4  }
0xa: {  	s4 =	simm.s32 $0x1;
	s5 =	sadd.s32 s8, s5;
	s6 =	sadd.s32 s6, s9  }
0xb: {  	s10 =	smov.u32 s3;
	[sflag:s4] =	ssyncpa.u1 $0x0;
	s5 =	smul.u32 s5, s6  }
0xc: {  	p0 =	por $0x0, $0x0;
	[sflag:s31] =	ssyncpa.u1 $0x0;
	s9 =	simm.s32 $0x4000  }
0xd: {  	s6 =	sadd.s32 $0x29BE00, s7;
	s7 =	sadd.s32 $0x5BE00, s7;
	s8 =	sadd.s32 $0x1, s5  }
.LBB1_4:
0xe: {  	v5 =	vld [tilespmem:s17+$0xFFFFFFD0];
	[tilespmem:s18+$0x2040 ss:$0x81] =	vst.msk $0xffff, v3  }
0xf: {  	v58 =	vld [tilespmem:s17+$0xFFFFFFE0];
	[tilespmem:s18+$0x2850 ss:$0x81] =	vst.msk $0xffff, v4;
	s20 =	sshll.u32 s14, $0xB;
	s21 =	sshll.u32 s13, $0x3  }
0x10: {  	s19 =	sshra.s32 s19, $0x2;
	v59 =	vld [tilespmem:s17+$0xFFFFFFF0];
	[tilespmem:s18+$0x3060 ss:$0x81] =	vst.msk $0xffff, v2;
	s20 =	sand.u32 $0xFFFFC000, s20;
	s22 =	sand.u32 $0xFFFFFC00, s21  }
0x11: {  	[tilespmem:s18+$0x0 ss:$0x81] =	vst.msk $0xffff, v0;
	v60 =	vld [tilespmem:s17+$0x0];
	s16 =	sadd.s32 s19, s16;
	s25 =	sadd.s32 s22, s20  }
0x12: {  	v61 =	vld [tilespmem:s17+$0x10];
	[tilespmem:s16+$0x3870 ss:$0x81] =	vst.msk $0xffff, v1;
	s18 =	sshrl.u32 s25, $0xB  }
0x13: {  	v62 =	vld [tilespmem:s17+$0x20];
	s26 =	smulhi.u32 $0xAAAAB, s18;
	[tilespmem:s16+$0x810 ss:$0x81] =	vst.msk $0xffff, v5  }
0x14: {  	v63 =	vld [tilespmem:s17+$0xFFFFFFC0];
	s27 =	sand.u32 $0x78, s13;
	s28 =	sshll.u32 s14, $0x7;
	s29 =	sand.u32 $0x400, s21;
	[tilespmem:s16+$0x1020 ss:$0x81] =	vst.msk $0xffff, v58  }
0x15: {  	s14 =	sand.u32 $0x380, s28;
	s17 =	sor.u32 s27, s29;
	[tilespmem:s16+$0x1830 ss:$0x81] =	vst.msk $0xffff, v59;
	s19 =	smul.u32 $0x1800, s26  }
0x16: {  	s14 =	sor.u32 s14, s17;
	[tilespmem:s16+$0x2040 ss:$0x81] =	vst.msk $0xffff, v60  }
0x17: {  	s31 =	sand.u32 $0x7, s13;
	s14 =	sshrl.u32 s14, $0x3;
	[tilespmem:s16+$0x2850 ss:$0x81] =	vst.msk $0xffff, v61;
	s30 =	ssub.s32 s18, s19  }
0x18: {  	s13 =	sshll.u32 s31, $0x12;
	[tilespmem:s16+$0x3060 ss:$0x81] =	vst.msk $0xffff, v62;
	s14 =	sadd.s32 s7, s14;
	s17 =	sshll.u32 s30, $0x8  }
0x19: {  	s13 =	sor.u32 $0x400, s13;
	[tilespmem:s16+$0x0 ss:$0x81] =	vst.msk $0xffff, v63;
	s14 =	sadd.s32 s17, s14  }
0x1a: {  	[hbm4b:s14+s13] =	stream.strided.scatter [tilespmem:s15], [sflag:$0x2], $0x4000, s9, s13, $0x20;
	[tilespmem:$0x10100] =	vst v63  }
.LBB1_5:
0x1b: {  	s15 =	sadd.s32 $0x100, s10  }
0x1c: {  	s13 =	sadd.s32 $0x800, s11;
	s17 =	smov.u32 s11;
	p2 =	sgt.s32 s15, $0x17FF  }
0x1d: {  	s17 =	smov.u32 @p2 s13  }
0x1e: {  	s15 =	smov.u32 @p2 s3;
	p2 =	sgt.s32 s17, $0x7FF  }
0x1f: {  	s17 =	smov.u32 @p2 s2;
	p2 =	sne.s32 s12, s8  }
.Ltmp1:
0x20: {  	p1 =	slt.u32 s12, $0x2;
	(pc) =	sbr.rel @!p2 .LBB1_6-.Ltmp1, $4  }
0x21: {  	s16 =	simm.s32 @!p1 $0x2  }
0x22: {  	s14 =	smov.u32 s10;
	p0 =	por !p0, !p0;
	_ =	swait.ge @!p1 [sflag:s16], $0x4000  }
0x23: {  	s13 =	smov.u32 s11;
	[sflag:s16] =	ssyncset.done @!p1 $0x0;
	s10 =	smov.u32 s15  }
0x24: {  	s12 =	sadd.s32 $0x1, s12;
	[sflag:s16] =	ssyncadd.s32 @!p1 $0xFFFFC000;
	s11 =	smov.u32 s17  }
.LBB1_1:
0x25: {  	p1 =	sge.u32 s12, s5  }
0x26: {  	s15 =	sshrl.u32 @!p1 s11, $0x3  }
0x27: {  	s16 =	sshll.u32 @!p1 s10, $0x3;
	s17 =	sshll.u32 @!p1 s11, $0x7;
	s15 =	smul.u32 @!p1 $0xC000, s15  }
0x28: {  	s18 =	sand.u32 @!p1 $0x7F, s10;
	s16 =	sand.u32 @!p1 $0xFFFFFC00, s16;
	s17 =	sand.u32 @!p1 $0x380, s17  }
0x29: {  	s15 =	sadd.s32 @!p1 s15, s16;
	s16 =	sor.u32 @!p1 s18, s17  }
0x2a: {  	s16 =	sor.u32 @!p1 s15, s16  }
0x2b: {  	s17 =	smulhi.u32 @!p1 $0xAAAAAAAB, s16;
	_ =	sdelay $0x1  }
0x2c: {  	s15 =	smulhi.u32 @!p1 $0xAAAAAAAB, s15;
	s17 =	sshrl.u32 @!p1 s17, $0xC  }
0x2d: {  	s17 =	smul.u32 @!p1 $0x1800, s17  }
0x2e: {  	s31 =	sadd.s32 $0xFFFFFFFF, s12;
	s18 =	sxor.u32 @!p1 $0xFFFFFFFF, s12;
	s15 =	sshrl.u32 @!p1 s15, $0xC  }
0x2f: {  	s18 =	sshll.u32 @!p1 s18, $0xE;
	s15 =	sand.u32 @!p1 $0x7FF, s15;
	s16 =	ssub.s32 @!p1 s16, s17  }
0x30: {  	s15 =	smul.u32 @!p1 $0x300, s15;
	s17 =	sshrl.u32 @!p1 s16, $0x3;
	s16 =	sand.u32 @!p1 $0x7, s16  }
0x31: {  	s18 =	sand.u32 @!p1 $0x4000, s18;
	s17 =	sadd.s32 @!p1 s6, s17;
	s16 =	sshll.u32 @!p1 s16, $0x12  }
0x32: {  	s15 =	sadd.s32 @!p1 s15, s17;
	s16 =	sor.u32 @!p1 $0x400, s16;
	s17 =	simm.s32 @!p1 $0xC000  }
0x33: {  	[tilespmem:s18], [sflag:$0x1] =	stream.strided.gather @!p1 [hbm4b:s15+s16], $0x4000, s17, s16, $0x38;
	[tilespmem:$0x10100] =	vst v63  }
0x34: {  	p1 =	sge.u32 s31, s5  }
.Ltmp2:
0x35: {  	_ = 	snop;
	(pc) =	sbr.rel @p1 .LBB1_5-.Ltmp2, $1  }
0x36: {  	_ =	sdelay $0x3  }
0x37: {  	s15 =	simm.s32 $0x1  }
0x38: {  	_ =	swait.ge [sflag:s4], $0x4000;
	s15 =	simm.s32 @!p0 $0x0  }
0x39: {  	[sflag:s4] =	ssyncset.done $0x0;
	s16 =	sshll.u32 s15, $0xE  }
0x3a: {  	[sflag:s4] =	ssyncadd.s32 $0xFFFFC000;
	s17 =	sor.u32 $0x40, s16  }
0x3b: {  	s15 =	smul.u32 $0x10200, s15;
	v0 =	vld [tilespmem:s17+$0x30]  }
0x3c: {  	v1 =	vld [tilespmem:s17+$0xFFFFFFD0]  }
0x3d: {  	s15 =	sshrl.u32 s15, $0x2;
	v5 =	vld [tilespmem:s17+$0xFFFFFFE0]  }
0x3e: {  	v6 =	vld [tilespmem:s17+$0xFFFFFFF0];
	s16 =	sor.u32 $0x8000, s15  }
0x3f: {  	s31 =	sand.u32 $0x1, s12;
	v3 =	vld [tilespmem:s17+$0x0];
	s18 =	sadd.s32 $0x0, s16  }
0x40: {  	v4 =	vld [tilespmem:s17+$0x10];
	s15 =	smul.u32 $0x10200, s31;
	[tilespmem:s18+$0x3870 ss:$0x81] =	vst.msk $0xffff, v0  }
0x41: {  	v2 =	vld [tilespmem:s17+$0x20];
	[tilespmem:s18+$0x810 ss:$0x81] =	vst.msk $0xffff, v1  }
0x42: {  	s15 =	sshrl.u32 s15, $0x2;
	v0 =	vld [tilespmem:s17+$0xFFFFFFC0];
	[tilespmem:s18+$0x1020 ss:$0x81] =	vst.msk $0xffff, v5;
	s17 =	sadd.s32 $0x80, s17  }
0x43: {  	s19 =	simm.s32 $0x4;
	s20 =	simm.s32 $0x8;
	s15 =	sor.u32 $0x8000, s15;
	[tilespmem:s18+$0x1830 ss:$0x81] =	vst.msk $0xffff, v6;
	v1 =	vld [tilespmem:s17+$0x30]  }
.LBB1_3:
0x44: {  	p1 =	sne.s32 s20, $0x1FC;
	v5 =	vld [tilespmem:s17+$0xFFFFFFD0];
	[tilespmem:s18+$0x2040 ss:$0x81] =	vst.msk $0xffff, v3  }
0x45: {  	v6 =	vld [tilespmem:s17+$0xFFFFFFE0];
	[tilespmem:s18+$0x2850 ss:$0x81] =	vst.msk $0xffff, v4  }
0x46: {  	s21 =	sshra.s32 s19, $0x2;
	s19 =	smov.u32 s20;
	v7 =	vld [tilespmem:s17+$0xFFFFFFF0];
	[tilespmem:s18+$0x3060 ss:$0x81] =	vst.msk $0xffff, v2  }
.Ltmp3:
0x47: {  	v3 =	vld [tilespmem:s17+$0x0];
	[tilespmem:s18+$0x0 ss:$0x81] =	vst.msk $0xffff, v0;
	s18 =	sadd.s32 s21, s16;
	(pc) =	sbr.rel @p1 .LBB1_3-.Ltmp3, $4  }
0x48: {  	v4 =	vld [tilespmem:s17+$0x10];
	[tilespmem:s18+$0x3870 ss:$0x81] =	vst.msk $0xffff, v1  }
0x49: {  	[tilespmem:s18+$0x810 ss:$0x81] =	vst.msk $0xffff, v5;
	v2 =	vld [tilespmem:s17+$0x20]  }
0x4a: {  	v0 =	vld [tilespmem:s17+$0xFFFFFFC0];
	[tilespmem:s18+$0x1020 ss:$0x81] =	vst.msk $0xffff, v6;
	s17 =	sadd.s32 $0x80, s17  }
0x4b: {  	s20 =	sadd.s32 $0x4, s20;
	v1 =	vld [tilespmem:s17+$0x30];
	[tilespmem:s18+$0x1830 ss:$0x81] =	vst.msk $0xffff, v7  }
.Ltmp4:
0x4c: {  	_ = 	snop;
	(pc) =	sbr.rel .LBB1_4-.Ltmp4, $1  }
0x4d: {  	_ =	sdelay $0x3  }
.LBB1_6:
0x4e: {  	_ =	sfence.sel $0x180000  }
0x4f: {  	s2 =	simm.s32 $0x1;
	[bflag:$0x0] =	sbarrier.arrive $0xFFFF  }
0x50: {  	s31 =	simm.s32 $0x2;
	[sflag:s2] =	ssyncpa.u1 $0x1  }
0x51: {  	[sflag:s31] =	ssyncpa.u1 $0x1  }
0x52: {  	p0 =	sne.s32 s1, $0x0;
	_ =	strace $0x9000004A  }
0x53: {  	s0 =	sadd.s32 @!p0 $0x100000, s0;
	[bflag:$0x2] =	sbarrier.arrive $0xFFFF  }
0x54: {  	[sflag:s0] =	ssyncadd.tile.s32 @!p0 $0x1;
	_ =	shalt  }
.Lfunc_end1:
_tile_overlayer_lowered:
.L_overlay_start_2:
0x55: {  	(tag) =	ssettag $0x2  }
0x56: {  	s0 =	rddreg [dreg:$0x0];
	s2 =	stileid.u32  }
0x57: {  	s1 =	rddreg [dreg:$0x1];
	p0 =	sne.s32 s2, $0x0  }
0x58: {  	s3 =	rddreg [dreg:$0x2];
	[bflag:$0x3] =	sbarrier.arrive $0xFFFF;
	s2 =	simm.s32 @!p0 $0x1C01  }
0x59: {  	[timem:s3], [sflag:s2] =	dma.local @!p0 [hbm:s0], s1  }
0x5a: {  	s0 =	simm.s32 @!p0 $0x1  }
0x5b: {  	_ =	swait.ge @!p0 [sflag:s0], s1  }
0x5c: {  	s1 =	ssub.s32 @!p0 $0x0, s1;
	[sflag:s0] =	ssyncset.done @!p0 $0x0  }
0x5d: {  	[sflag:s0] =	ssyncadd.s32 @!p0 s1  }
0x5e: {  	[bflag:$0x3] =	sbarrier.arrive $0xFFFF  }
0x5f: {  	_ =	shalt  }

</sc_bundles>
